<compile_context>
chip_gen: v7x
topology: tpu7x:2x2x1
jax: 0.10.2.dev20260603
libtpu: 0.0.44.dev20260713+nightly
codegen_flags: <defaults>
</compile_context>

<pallas_src>
import functools

import jax
import jax.numpy as jnp
from jax import lax
from jax.experimental import pallas as pl
from jax.experimental.pallas import tpu as pltpu
from jax.experimental.pallas import tpu_sc as plsc

N_NODES = 10000
D = 128
DH = D // 2
E_EDGES = 320000
NC = 2
NS = 16
L = 16
CSZ = 128
CH = 160
CHH = CH // 2
SB = 8
NSB = CH // SB
EPW = CH * CSZ
EPAD = EPW * NS
NPAD = 10016
RPT = NPAD // NS
TPT = N_NODES // NS

_mesh = plsc.VectorSubcoreMesh(core_axis_name="c", subcore_axis_name="s")


@functools.partial(
    pl.kernel,
    mesh=_mesh,
    compiler_params=pltpu.CompilerParams(use_tc_tiling_on_sc=False),
    out_type=[
        jax.ShapeDtypeStruct((NC, NPAD, DH), jnp.float32),
        jax.ShapeDtypeStruct((NC, NPAD, L), jnp.float32),
    ],
    scratch_types=[
        pltpu.VMEM((2 * SB, CSZ), jnp.int32),
        pltpu.VMEM((2 * SB, CSZ), jnp.int32),
        pltpu.VMEM((CSZ, DH), jnp.float32),
        pltpu.VMEM((CSZ, DH), jnp.float32),
        pltpu.VMEM((CSZ, L), jnp.float32),
        pltpu.VMEM_SHARED((N_NODES, DH), jnp.float32),
        pltpu.VMEM_SHARED((NPAD, DH), jnp.float32),
        pltpu.VMEM_SHARED((NPAD, L), jnp.float32),
        pltpu.SemaphoreType.DMA,
        pltpu.SemaphoreType.DMA,
        pltpu.SemaphoreType.DMA,
        pltpu.SemaphoreType.DMA,
    ],
)
def _sc_aggregate(feat2_hbm, src_hbm, dst_hbm, z64_hbm, z16_hbm, ones_hbm,
                  acc_out, deg_out, src_v, dst_v, buf0, buf1, ones_v,
                  table_sh, acc_sh, deg_sh, gsem0, gsem1, ssem, isem):
    cid = lax.axis_index("c")
    sid = lax.axis_index("s")

    tb = sid * TPT
    pltpu.sync_copy(feat2_hbm.at[cid, pl.ds(tb, TPT)], table_sh.at[pl.ds(tb, TPT)])
    pltpu.sync_copy(src_hbm.at[sid, pl.ds(0, 2 * SB)], src_v)
    pltpu.sync_copy(dst_hbm.at[sid, pl.ds(0, 2 * SB)], dst_v)
    pltpu.sync_copy(ones_hbm, ones_v)
    base = sid * RPT
    pltpu.sync_copy(z64_hbm, acc_sh.at[pl.ds(base, RPT)])
    pltpu.sync_copy(z16_hbm, deg_sh.at[pl.ds(base, RPT)])
    plsc.subcore_barrier()

    def g_start(row, buf, sem):
        pltpu.async_copy(table_sh.at[src_v.at[row]], buf, sem)

    def g_wait(row, buf, sem):
        pltpu.make_async_copy(table_sh.at[src_v.at[row]], buf, sem).wait()

    def i_start(j2, h2):
        pltpu.async_copy(src_hbm.at[sid, pl.ds(j2, SB)],
                         src_v.at[pl.ds(h2 * SB, SB)], isem)
        pltpu.async_copy(dst_hbm.at[sid, pl.ds(j2, SB)],
                         dst_v.at[pl.ds(h2 * SB, SB)], isem)

    def i_wait(j2, h2):
        pltpu.make_async_copy(src_hbm.at[sid, pl.ds(j2, SB)],
                              src_v.at[pl.ds(h2 * SB, SB)], isem).wait()
        pltpu.make_async_copy(dst_hbm.at[sid, pl.ds(j2, SB)],
                              dst_v.at[pl.ds(h2 * SB, SB)], isem).wait()

    def chunk_work(c, row, bufa, sema, bufb, semb, nrow, prefetch):
        g_wait(row, bufa, sema)
        if prefetch:
            g_start(nrow, bufb, semb)
        pltpu.async_copy(bufa, acc_sh.at[dst_v.at[row]], ssem, add=True)

        do_deg = jnp.logical_or(jnp.logical_and(cid == 0, c < CHH),
                                jnp.logical_and(cid == 1, c >= CHH))

        @pl.when(do_deg)
        def _():
            pltpu.sync_copy(ones_v, deg_sh.at[dst_v.at[row]], add=True)

        pltpu.make_async_copy(bufa, acc_sh.at[dst_v.at[row]], ssem).wait()

    def superblock(j, h, first, last):
        hb = h * SB
        h2b = (1 - h) * SB
        for q in range(SB):
            bufa, sema = (buf0, gsem0) if q % 2 == 0 else (buf1, gsem1)
            bufb, semb = (buf1, gsem1) if q % 2 == 0 else (buf0, gsem0)
            if q == 0 and not (first or last):
                i_start(j + SB, 1 - h)
            if q == SB - 1 and not (first or last):
                i_wait(j + SB, 1 - h)
            nrow = hb + q + 1 if q < SB - 1 else h2b
            chunk_work(j + q, hb + q, bufa, sema, bufb, semb, nrow,
                       not (last and q == SB - 1))

    g_start(0, buf0, gsem0)
    superblock(0, 0, True, False)

    @pl.loop(SB, CH - SB, step=SB)
    def _(j):
        h = lax.rem(lax.div(j, SB), 2)
        superblock(j, h, False, False)

    superblock(CH - SB, (NSB - 1) % 2, False, True)

    plsc.subcore_barrier()
    pltpu.sync_copy(acc_sh.at[pl.ds(base, RPT)], acc_out.at[cid, pl.ds(base, RPT)])
    pltpu.sync_copy(deg_sh.at[pl.ds(base, RPT)], deg_out.at[cid, pl.ds(base, RPT)])


_RB = 2000


def _tc_body(feat_ref, acc_ref, degp_ref, wn_ref, ws_ref, b_ref, o_ref):
    acc = jnp.concatenate([acc_ref[0], acc_ref[1]], axis=-1)
    deg = degp_ref[0, :, 0:1] + degp_ref[1, :, 0:1]
    deg = jnp.maximum(deg, 1.0)
    h_neigh = acc / deg
    o_ref[...] = (
        jnp.dot(h_neigh, wn_ref[...], preferred_element_type=jnp.float32)
        + jnp.dot(feat_ref[...], ws_ref[...], preferred_element_type=jnp.float32)
        + b_ref[...]
    )


def _tc_combine(feat, acc, degp, wn_t, ws_t, b_row):
    return pl.pallas_call(
        _tc_body,
        grid=(N_NODES // _RB,),
        in_specs=[
            pl.BlockSpec((_RB, D), lambda r: (r, 0)),
            pl.BlockSpec((NC, _RB, DH), lambda r: (0, r, 0)),
            pl.BlockSpec((NC, _RB, L), lambda r: (0, r, 0)),
            pl.BlockSpec((D, D), lambda r: (0, 0)),
            pl.BlockSpec((D, D), lambda r: (0, 0)),
            pl.BlockSpec((1, D), lambda r: (0, 0)),
        ],
        out_specs=pl.BlockSpec((_RB, D), lambda r: (r, 0)),
        out_shape=jax.ShapeDtypeStruct((N_NODES, D), jnp.float32),
    )(feat, acc, degp, wn_t, ws_t, b_row)


@jax.jit
def kernel(feat, edge_index, W_neigh, W_self, b_self):
    src = edge_index[0]
    dst = edge_index[1]
    pad = EPAD - E_EDGES
    src_p = jnp.concatenate([src, jnp.zeros((pad,), jnp.int32)])
    dst_p = jnp.concatenate([dst, jnp.full((pad,), N_NODES, jnp.int32)])
    src_t = src_p.reshape(NS, CH, CSZ)
    dst_t = dst_p.reshape(NS, CH, CSZ)
    feat2 = jnp.stack([feat[:, :DH], feat[:, DH:]])
    z64 = jnp.zeros((RPT, DH), jnp.float32)
    z16 = jnp.zeros((RPT, L), jnp.float32)
    ones16 = jnp.ones((CSZ, L), jnp.float32)
    acc, degp = _sc_aggregate(feat2, src_t, dst_t, z64, z16, ones16)
    return _tc_combine(feat, acc, degp, W_neigh.T, W_self.T,
                       b_self.reshape(1, D))

# --- scband reference (transcript-rebuilt; emitter-appended) ---
"""Pipeline reference for scband-optimized-max-ksageconv-19894288515407 (READ-ONLY COPY).

The authoritative reference and input builder live on the scoring server;
editing this copy changes nothing except your own understanding.
"""

import jax, jax.numpy as jnp
import numpy as np

N = 10000
E = 320000
D_IN = 128
D_OUT = 128

def _xavier_uniform(key, shape, gain):
    fan_out, fan_in = shape
    limit = gain * np.sqrt(6.0 / (fan_in + fan_out))
    return jax.random.uniform(key, shape, dtype=jnp.float32, minval=-limit, maxval=limit)

def setup_inputs(seed: int = 0) -> dict:
    key = jax.random.key(seed)
    k1, k2, k3, k4 = jax.random.split(key, 4)
    feat = jax.random.normal(k1, (N, D_IN), dtype=jnp.float32)
    edge_index = jax.random.randint(k2, (2, E), 0, N, dtype=jnp.int32)
    gain = float(np.sqrt(2.0))  # nn.init.calculate_gain('relu')
    W_neigh = _xavier_uniform(k3, (D_OUT, D_IN), gain)  # fc_neigh.weight, no bias
    W_self = _xavier_uniform(k4, (D_OUT, D_IN), gain)   # fc_self.weight
    b_self = jnp.zeros((D_OUT,), dtype=jnp.float32)     # fc_self.bias
    return {"feat": feat, "edge_index": edge_index, "W_neigh": W_neigh, "W_self": W_self, "b_self": b_self}

def reference(feat, edge_index, W_neigh, W_self, b_self):
    # OptimizedMaxKSAGEConv forward, standard DGL aggregation path (mean aggregator).
    # feat_drop is identity (p=0.0); lin_before_mp = (in_feats > out_feats) = False.
    src = edge_index[0]
    dst = edge_index[1]
    n = feat.shape[0]
    h_self = feat
    # update_all(copy_u('h','m'), mean('m','neigh')): mean over incoming edges per dst node
    msg = jnp.take(feat, src, axis=0)
    neigh_sum = jax.ops.segment_sum(msg, dst, num_segments=n)
    deg = jax.ops.segment_sum(jnp.ones((msg.shape[0],), dtype=jnp.float32), dst, num_segments=n)
    deg = jnp.clip(deg, 1.0, None)  # zero-degree nodes: sum is 0 so mean is 0 either way
    h_neigh = neigh_sum / deg[:, None]
    # not lin_before_mp -> apply fc_neigh after aggregation
    h_neigh = h_neigh @ W_neigh.T
    # rst = fc_self(h_self) + h_neigh ; no activation, no norm
    rst = h_self @ W_self.T + b_self + h_neigh
    return rst

if False:  # reference __main__ guard neutralized (emitter)
    out = reference(**setup_inputs())
    print(out.shape, out.dtype)

if __name__ == "__main__":
    import jax
    _d = setup_inputs()
    print(jax.jit(kernel)(*tuple(_d.values())))

</pallas_src>

<mosaic_0001>
#map = affine_map<(d0, d1) -> (0, 0, 0)>
#map1 = affine_map<(d0, d1) -> (0, 0)>
module attributes {stable_mosaic.version = 14 : i64} {
  func.func @_sc_aggregate(%arg0: i32, %arg1: i32, %arg2: memref<2x10000x64xf32, #tpu.memory_space<hbm>>, %arg3: memref<16x160x128xi32, #tpu.memory_space<hbm>>, %arg4: memref<16x160x128xi32, #tpu.memory_space<hbm>>, %arg5: memref<626x64xf32, #tpu.memory_space<hbm>>, %arg6: memref<626x16xf32, #tpu.memory_space<hbm>>, %arg7: memref<128x16xf32, #tpu.memory_space<hbm>>, %arg8: memref<2x10016x64xf32, #tpu.memory_space<hbm>>, %arg9: memref<2x10016x16xf32, #tpu.memory_space<hbm>>, %arg10: memref<16x128xi32, #tpu.memory_space<vmem>>, %arg11: memref<16x128xi32, #tpu.memory_space<vmem>>, %arg12: memref<128x64xf32, #tpu.memory_space<vmem>>, %arg13: memref<128x64xf32, #tpu.memory_space<vmem>>, %arg14: memref<128x16xf32, #tpu.memory_space<vmem>>, %arg15: memref<10000x64xf32, #tpu.memory_space<vmem_shared>>, %arg16: memref<10016x64xf32, #tpu.memory_space<vmem_shared>>, %arg17: memref<10016x16xf32, #tpu.memory_space<vmem_shared>>, %arg18: memref<!tpu.dma_semaphore, #tpu.memory_space<semaphore_mem>>, %arg19: memref<!tpu.dma_semaphore, #tpu.memory_space<semaphore_mem>>, %arg20: memref<!tpu.dma_semaphore, #tpu.memory_space<semaphore_mem>>, %arg21: memref<!tpu.dma_semaphore, #tpu.memory_space<semaphore_mem>>) attributes {dimension_semantics = [#tpu.dimension_semantics<core_parallel>, #tpu.dimension_semantics<subcore_parallel>], iteration_bounds = array<i64: 2, 16>, scalar_prefetch = 0 : i64, scratch_operands = 12 : i64, tpu.core_type = #tpu.core_type<sc_vector_subcore>, window_params = [{transform_indices = #map}, {transform_indices = #map}, {transform_indices = #map}, {transform_indices = #map1}, {transform_indices = #map1}, {transform_indices = #map1}, {transform_indices = #map}, {transform_indices = #map}]} {
    %mul3A = arith.constant 625 : i32
    %mul3A_0 = arith.muli %arg1, %mul3A : i32
    "tpu.region"() ({
      %run_scoped3A = tpu.sem_alloc : memref<!tpu.dma_semaphore, #tpu.memory_space<semaphore_mem>>
      %dma_start3A_641 = arith.constant 0 : i32
      %dma_start3A_642 = tpu.memref_slice %arg15[%mul3A_0, %dma_start3A_641] : memref<10000x64xf32, #tpu.memory_space<vmem_shared>> -> memref<625x64xf32, #tpu.memory_space<vmem_shared>>
      %dma_start3A_643 = arith.constant 0 : i32
      %dma_start3A_644 = tpu.memref_slice %arg2[%arg0, %mul3A_0, %dma_start3A_643] : memref<2x10000x64xf32, #tpu.memory_space<hbm>> -> memref<1x625x64xf32, #tpu.memory_space<hbm>>
      %dma_start3A_645 = tpu.memref_squeeze %dma_start3A_644 : memref<1x625x64xf32, #tpu.memory_space<hbm>> -> memref<625x64xf32, #tpu.memory_space<hbm>>
      tpu.enqueue_dma source(%dma_start3A_645 : memref<625x64xf32, #tpu.memory_space<hbm>>) target(%dma_start3A_642 : memref<625x64xf32, #tpu.memory_space<vmem_shared>>) target_semaphore(%run_scoped3A : memref<!tpu.dma_semaphore, #tpu.memory_space<semaphore_mem>>)
      %dma_wait3A_646 = arith.constant 0 : i32
      %dma_wait3A_647 = tpu.memref_slice %arg15[%mul3A_0, %dma_wait3A_646] : memref<10000x64xf32, #tpu.memory_space<vmem_shared>> -> memref<625x64xf32, #tpu.memory_space<vmem_shared>>
      %dma_wait3A_648 = arith.constant 0 : i32
      %dma_wait3A_649 = tpu.memref_slice %arg2[%arg0, %mul3A_0, %dma_wait3A_648] : memref<2x10000x64xf32, #tpu.memory_space<hbm>> -> memref<1x625x64xf32, #tpu.memory_space<hbm>>
      %dma_wait3A_650 = tpu.memref_squeeze %dma_wait3A_649 : memref<1x625x64xf32, #tpu.memory_space<hbm>> -> memref<625x64xf32, #tpu.memory_space<hbm>>
      tpu.wait_dma2 semaphore(%run_scoped3A : memref<!tpu.dma_semaphore, #tpu.memory_space<semaphore_mem>>) src(%dma_wait3A_650 : memref<625x64xf32, #tpu.memory_space<hbm>>) dst(%dma_wait3A_647 : memref<625x64xf32, #tpu.memory_space<vmem_shared>>)
      tpu.yield
    }) : () -> ()
    "tpu.region"() ({
      %run_scoped3A = tpu.sem_alloc : memref<!tpu.dma_semaphore, #tpu.memory_space<semaphore_mem>>
      %dma_start3A_641 = arith.constant 0 : i32
      %dma_start3A_642 = arith.constant 0 : i32
      %dma_start3A_643 = tpu.memref_slice %arg3[%arg1, %dma_start3A_641, %dma_start3A_642] : memref<16x160x128xi32, #tpu.memory_space<hbm>> -> memref<1x16x128xi32, #tpu.memory_space<hbm>>
      %dma_start3A_644 = tpu.memref_squeeze %dma_start3A_643 : memref<1x16x128xi32, #tpu.memory_space<hbm>> -> memref<16x128xi32, #tpu.memory_space<hbm>>
      %dma_start3A_645 = arith.constant 0 : i32
      %dma_start3A_646 = arith.constant 0 : i32
      %dma_start3A_647 = tpu.memref_slice %arg3[%arg1, %dma_start3A_645, %dma_start3A_646] : memref<16x160x128xi32, #tpu.memory_space<hbm>> -> memref<1x16x128xi32, #tpu.memory_space<hbm>>
      %dma_start3A_648 = tpu.memref_squeeze %dma_start3A_647 : memref<1x16x128xi32, #tpu.memory_space<hbm>> -> memref<16x128xi32, #tpu.memory_space<hbm>>
      tpu.enqueue_dma source(%dma_start3A_648 : memref<16x128xi32, #tpu.memory_space<hbm>>) target(%arg10 : memref<16x128xi32, #tpu.memory_space<vmem>>) target_semaphore(%run_scoped3A : memref<!tpu.dma_semaphore, #tpu.memory_space<semaphore_mem>>)
      %dma_wait3A_649 = arith.constant 0 : i32
      %dma_wait3A_650 = arith.constant 0 : i32
      %dma_wait3A_651 = tpu.memref_slice %arg3[%arg1, %dma_wait3A_649, %dma_wait3A_650] : memref<16x160x128xi32, #tpu.memory_space<hbm>> -> memref<1x16x128xi32, #tpu.memory_space<hbm>>
      %dma_wait3A_652 = tpu.memref_squeeze %dma_wait3A_651 : memref<1x16x128xi32, #tpu.memory_space<hbm>> -> memref<16x128xi32, #tpu.memory_space<hbm>>
      %dma_wait3A_653 = arith.constant 0 : i32
      %dma_wait3A_654 = arith.constant 0 : i32
      %dma_wait3A_655 = tpu.memref_slice %arg3[%arg1, %dma_wait3A_653, %dma_wait3A_654] : memref<16x160x128xi32, #tpu.memory_space<hbm>> -> memref<1x16x128xi32, #tpu.memory_space<hbm>>
      %dma_wait3A_656 = tpu.memref_squeeze %dma_wait3A_655 : memref<1x16x128xi32, #tpu.memory_space<hbm>> -> memref<16x128xi32, #tpu.memory_space<hbm>>
      tpu.wait_dma2 semaphore(%run_scoped3A : memref<!tpu.dma_semaphore, #tpu.memory_space<semaphore_mem>>) src(%dma_wait3A_656 : memref<16x128xi32, #tpu.memory_space<hbm>>) dst(%arg10 : memref<16x128xi32, #tpu.memory_space<vmem>>)
      tpu.yield
    }) : () -> ()
    "tpu.region"() ({
      %run_scoped3A = tpu.sem_alloc : memref<!tpu.dma_semaphore, #tpu.memory_space<semaphore_mem>>
      %dma_start3A_641 = arith.constant 0 : i32
      %dma_start3A_642 = arith.constant 0 : i32
      %dma_start3A_643 = tpu.memref_slice %arg4[%arg1, %dma_start3A_641, %dma_start3A_642] : memref<16x160x128xi32, #tpu.memory_space<hbm>> -> memref<1x16x128xi32, #tpu.memory_space<hbm>>
      %dma_start3A_644 = tpu.memref_squeeze %dma_start3A_643 : memref<1x16x128xi32, #tpu.memory_space<hbm>> -> memref<16x128xi32, #tpu.memory_space<hbm>>
      %dma_start3A_645 = arith.constant 0 : i32
      %dma_start3A_646 = arith.constant 0 : i32
      %dma_start3A_647 = tpu.memref_slice %arg4[%arg1, %dma_start3A_645, %dma_start3A_646] : memref<16x160x128xi32, #tpu.memory_space<hbm>> -> memref<1x16x128xi32, #tpu.memory_space<hbm>>
      %dma_start3A_648 = tpu.memref_squeeze %dma_start3A_647 : memref<1x16x128xi32, #tpu.memory_space<hbm>> -> memref<16x128xi32, #tpu.memory_space<hbm>>
      tpu.enqueue_dma source(%dma_start3A_648 : memref<16x128xi32, #tpu.memory_space<hbm>>) target(%arg11 : memref<16x128xi32, #tpu.memory_space<vmem>>) target_semaphore(%run_scoped3A : memref<!tpu.dma_semaphore, #tpu.memory_space<semaphore_mem>>)
      %dma_wait3A_649 = arith.constant 0 : i32
      %dma_wait3A_650 = arith.constant 0 : i32
      %dma_wait3A_651 = tpu.memref_slice %arg4[%arg1, %dma_wait3A_649, %dma_wait3A_650] : memref<16x160x128xi32, #tpu.memory_space<hbm>> -> memref<1x16x128xi32, #tpu.memory_space<hbm>>
      %dma_wait3A_652 = tpu.memref_squeeze %dma_wait3A_651 : memref<1x16x128xi32, #tpu.memory_space<hbm>> -> memref<16x128xi32, #tpu.memory_space<hbm>>
      %dma_wait3A_653 = arith.constant 0 : i32
      %dma_wait3A_654 = arith.constant 0 : i32
      %dma_wait3A_655 = tpu.memref_slice %arg4[%arg1, %dma_wait3A_653, %dma_wait3A_654] : memref<16x160x128xi32, #tpu.memory_space<hbm>> -> memref<1x16x128xi32, #tpu.memory_space<hbm>>
      %dma_wait3A_656 = tpu.memref_squeeze %dma_wait3A_655 : memref<1x16x128xi32, #tpu.memory_space<hbm>> -> memref<16x128xi32, #tpu.memory_space<hbm>>
      tpu.wait_dma2 semaphore(%run_scoped3A : memref<!tpu.dma_semaphore, #tpu.memory_space<semaphore_mem>>) src(%dma_wait3A_656 : memref<16x128xi32, #tpu.memory_space<hbm>>) dst(%arg11 : memref<16x128xi32, #tpu.memory_space<vmem>>)
      tpu.yield
    }) : () -> ()
    "tpu.region"() ({
      %run_scoped3A = tpu.sem_alloc : memref<!tpu.dma_semaphore, #tpu.memory_space<semaphore_mem>>
      tpu.enqueue_dma source(%arg7 : memref<128x16xf32, #tpu.memory_space<hbm>>) target(%arg14 : memref<128x16xf32, #tpu.memory_space<vmem>>) target_semaphore(%run_scoped3A : memref<!tpu.dma_semaphore, #tpu.memory_space<semaphore_mem>>)
      tpu.wait_dma2 semaphore(%run_scoped3A : memref<!tpu.dma_semaphore, #tpu.memory_space<semaphore_mem>>) src(%arg7 : memref<128x16xf32, #tpu.memory_space<hbm>>) dst(%arg14 : memref<128x16xf32, #tpu.memory_space<vmem>>)
      tpu.yield
    }) : () -> ()
    %mul3A_1 = arith.constant 626 : i32
    %mul3A_2 = arith.muli %arg1, %mul3A_1 : i32
    "tpu.region"() ({
      %run_scoped3A = tpu.sem_alloc : memref<!tpu.dma_semaphore, #tpu.memory_space<semaphore_mem>>
      %dma_start3A_641 = arith.constant 0 : i32
      %dma_start3A_642 = tpu.memref_slice %arg16[%mul3A_2, %dma_start3A_641] : memref<10016x64xf32, #tpu.memory_space<vmem_shared>> -> memref<626x64xf32, #tpu.memory_space<vmem_shared>>
      tpu.enqueue_dma source(%arg5 : memref<626x64xf32, #tpu.memory_space<hbm>>) target(%dma_start3A_642 : memref<626x64xf32, #tpu.memory_space<vmem_shared>>) target_semaphore(%run_scoped3A : memref<!tpu.dma_semaphore, #tpu.memory_space<semaphore_mem>>)
      %dma_wait3A_643 = arith.constant 0 : i32
      %dma_wait3A_644 = tpu.memref_slice %arg16[%mul3A_2, %dma_wait3A_643] : memref<10016x64xf32, #tpu.memory_space<vmem_shared>> -> memref<626x64xf32, #tpu.memory_space<vmem_shared>>
      tpu.wait_dma2 semaphore(%run_scoped3A : memref<!tpu.dma_semaphore, #tpu.memory_space<semaphore_mem>>) src(%arg5 : memref<626x64xf32, #tpu.memory_space<hbm>>) dst(%dma_wait3A_644 : memref<626x64xf32, #tpu.memory_space<vmem_shared>>)
      tpu.yield
    }) : () -> ()
    "tpu.region"() ({
      %run_scoped3A = tpu.sem_alloc : memref<!tpu.dma_semaphore, #tpu.memory_space<semaphore_mem>>
      %dma_start3A_641 = arith.constant 0 : i32
      %dma_start3A_642 = tpu.memref_slice %arg17[%mul3A_2, %dma_start3A_641] : memref<10016x16xf32, #tpu.memory_space<vmem_shared>> -> memref<626x16xf32, #tpu.memory_space<vmem_shared>>
      tpu.enqueue_dma source(%arg6 : memref<626x16xf32, #tpu.memory_space<hbm>>) target(%dma_start3A_642 : memref<626x16xf32, #tpu.memory_space<vmem_shared>>) target_semaphore(%run_scoped3A : memref<!tpu.dma_semaphore, #tpu.memory_space<semaphore_mem>>)
      %dma_wait3A_643 = arith.constant 0 : i32
      %dma_wait3A_644 = tpu.memref_slice %arg17[%mul3A_2, %dma_wait3A_643] : memref<10016x16xf32, #tpu.memory_space<vmem_shared>> -> memref<626x16xf32, #tpu.memory_space<vmem_shared>>
      tpu.wait_dma2 semaphore(%run_scoped3A : memref<!tpu.dma_semaphore, #tpu.memory_space<semaphore_mem>>) src(%arg6 : memref<626x16xf32, #tpu.memory_space<hbm>>) dst(%dma_wait3A_644 : memref<626x16xf32, #tpu.memory_space<vmem_shared>>)
      tpu.yield
    }) : () -> ()
    %barrier3A = arith.constant 0 : index
    tpu.barrier barrier_id(%barrier3A)
    %dma_start3A = arith.constant 0 : i32
    %dma_start3A_3 = arith.constant 0 : i32
    %dma_start3A_4 = tpu.memref_slice %arg10[%dma_start3A, %dma_start3A_3] : memref<16x128xi32, #tpu.memory_space<vmem>> -> memref<1x128xi32, #tpu.memory_space<vmem>>
    %dma_start3A_5 = tpu.memref_squeeze %dma_start3A_4 : memref<1x128xi32, #tpu.memory_space<vmem>> -> memref<128xi32, #tpu.memory_space<vmem>>
    %dma_start3A_6 = arith.constant 0 : i32
    %dma_start3A_7 = arith.constant 0 : i32
    %dma_start3A_8 = tpu.memref_slice %arg15[%dma_start3A_6, %dma_start3A_7] : memref<10000x64xf32, #tpu.memory_space<vmem_shared>> -> memref<10000x64xf32, #tpu.memory_space<vmem_shared>>
    tpu.enqueue_indirect_dma source(%dma_start3A_8 : memref<10000x64xf32, #tpu.memory_space<vmem_shared>>) target(%arg12 : memref<128x64xf32, #tpu.memory_space<vmem>>) offsets(%dma_start3A_5 : memref<128xi32, #tpu.memory_space<vmem>>) semaphore(%arg18 : memref<!tpu.dma_semaphore, #tpu.memory_space<semaphore_mem>>)
    %dma_wait3A = arith.constant 0 : i32
    %dma_wait3A_9 = arith.constant 0 : i32
    %dma_wait3A_10 = tpu.memref_slice %arg10[%dma_wait3A, %dma_wait3A_9] : memref<16x128xi32, #tpu.memory_space<vmem>> -> memref<1x128xi32, #tpu.memory_space<vmem>>
    %dma_wait3A_11 = tpu.memref_squeeze %dma_wait3A_10 : memref<1x128xi32, #tpu.memory_space<vmem>> -> memref<128xi32, #tpu.memory_space<vmem>>
    %dma_wait3A_12 = arith.constant 0 : i32
    %dma_wait3A_13 = arith.constant 0 : i32
    %dma_wait3A_14 = tpu.memref_slice %arg15[%dma_wait3A_12, %dma_wait3A_13] : memref<10000x64xf32, #tpu.memory_space<vmem_shared>> -> memref<10000x64xf32, #tpu.memory_space<vmem_shared>>
    tpu.wait_indirect_dma semaphore(%arg18 : memref<!tpu.dma_semaphore, #tpu.memory_space<semaphore_mem>>) src(%dma_wait3A_14 : memref<10000x64xf32, #tpu.memory_space<vmem_shared>>) dst(%arg12 : memref<128x64xf32, #tpu.memory_space<vmem>>)
    %dma_start3A_15 = arith.constant 1 : i32
    %dma_start3A_16 = arith.constant 0 : i32
    %dma_start3A_17 = tpu.memref_slice %arg10[%dma_start3A_15, %dma_start3A_16] : memref<16x128xi32, #tpu.memory_space<vmem>> -> memref<1x128xi32, #tpu.memory_space<vmem>>
    %dma_start3A_18 = tpu.memref_squeeze %dma_start3A_17 : memref<1x128xi32, #tpu.memory_space<vmem>> -> memref<128xi32, #tpu.memory_space<vmem>>
    %dma_start3A_19 = arith.constant 0 : i32
    %dma_start3A_20 = arith.constant 0 : i32
    %dma_start3A_21 = tpu.memref_slice %arg15[%dma_start3A_19, %dma_start3A_20] : memref<10000x64xf32, #tpu.memory_space<vmem_shared>> -> memref<10000x64xf32, #tpu.memory_space<vmem_shared>>
    tpu.enqueue_indirect_dma source(%dma_start3A_21 : memref<10000x64xf32, #tpu.memory_space<vmem_shared>>) target(%arg13 : memref<128x64xf32, #tpu.memory_space<vmem>>) offsets(%dma_start3A_18 : memref<128xi32, #tpu.memory_space<vmem>>) semaphore(%arg19 : memref<!tpu.dma_semaphore, #tpu.memory_space<semaphore_mem>>)
    %dma_start3A_22 = arith.constant 0 : i32
    %dma_start3A_23 = arith.constant 0 : i32
    %dma_start3A_24 = tpu.memref_slice %arg11[%dma_start3A_22, %dma_start3A_23] : memref<16x128xi32, #tpu.memory_space<vmem>> -> memref<1x128xi32, #tpu.memory_space<vmem>>
    %dma_start3A_25 = tpu.memref_squeeze %dma_start3A_24 : memref<1x128xi32, #tpu.memory_space<vmem>> -> memref<128xi32, #tpu.memory_space<vmem>>
    %dma_start3A_26 = arith.constant 0 : i32
    %dma_start3A_27 = arith.constant 0 : i32
    %dma_start3A_28 = tpu.memref_slice %arg16[%dma_start3A_26, %dma_start3A_27] : memref<10016x64xf32, #tpu.memory_space<vmem_shared>> -> memref<10016x64xf32, #tpu.memory_space<vmem_shared>>
    tpu.enqueue_indirect_dma source(%arg12 : memref<128x64xf32, #tpu.memory_space<vmem>>) target(%dma_start3A_28 : memref<10016x64xf32, #tpu.memory_space<vmem_shared>>) offsets(%dma_start3A_25 : memref<128xi32, #tpu.memory_space<vmem>>) semaphore(%arg20 : memref<!tpu.dma_semaphore, #tpu.memory_space<semaphore_mem>>) {add = true}
    %eq3A = arith.constant 0 : i32
    %eq3A_29 = arith.cmpi eq, %arg0, %eq3A : i32
    %and3A = arith.constant true
    %and3A_30 = arith.andi %eq3A_29, %and3A : i1
    %eq3A_31 = arith.constant 1 : i32
    %eq3A_32 = arith.cmpi eq, %arg0, %eq3A_31 : i32
    %and3A_33 = arith.constant false
    %and3A_34 = arith.andi %eq3A_32, %and3A_33 : i1
    %or3A = arith.ori %and3A_30, %and3A_34 : i1
    %convert_element_type3A = arith.extui %or3A : i1 to i32
    %cond3A = arith.constant 0 : i32
    %cond3A_35 = arith.cmpi ne, %convert_element_type3A, %cond3A : i32
    scf.if %cond3A_35 {
      %run_scoped3A = arith.constant 0 : i32
      "tpu.region"() ({
        %run_scoped3A_641 = tpu.sem_alloc : memref<!tpu.dma_semaphore, #tpu.memory_space<semaphore_mem>>
        %dma_start3A_642 = arith.constant 0 : i32
        %dma_start3A_643 = tpu.memref_slice %arg11[%run_scoped3A, %dma_start3A_642] : memref<16x128xi32, #tpu.memory_space<vmem>> -> memref<1x128xi32, #tpu.memory_space<vmem>>
        %dma_start3A_644 = tpu.memref_squeeze %dma_start3A_643 : memref<1x128xi32, #tpu.memory_space<vmem>> -> memref<128xi32, #tpu.memory_space<vmem>>
        %dma_start3A_645 = arith.constant 0 : i32
        %dma_start3A_646 = arith.constant 0 : i32
        %dma_start3A_647 = tpu.memref_slice %arg17[%dma_start3A_645, %dma_start3A_646] : memref<10016x16xf32, #tpu.memory_space<vmem_shared>> -> memref<10016x16xf32, #tpu.memory_space<vmem_shared>>
        tpu.enqueue_indirect_dma source(%arg14 : memref<128x16xf32, #tpu.memory_space<vmem>>) target(%dma_start3A_647 : memref<10016x16xf32, #tpu.memory_space<vmem_shared>>) offsets(%dma_start3A_644 : memref<128xi32, #tpu.memory_space<vmem>>) semaphore(%run_scoped3A_641 : memref<!tpu.dma_semaphore, #tpu.memory_space<semaphore_mem>>) {add = true}
        %dma_wait3A_648 = arith.constant 0 : i32
        %dma_wait3A_649 = tpu.memref_slice %arg11[%run_scoped3A, %dma_wait3A_648] : memref<16x128xi32, #tpu.memory_space<vmem>> -> memref<1x128xi32, #tpu.memory_space<vmem>>
        %dma_wait3A_650 = tpu.memref_squeeze %dma_wait3A_649 : memref<1x128xi32, #tpu.memory_space<vmem>> -> memref<128xi32, #tpu.memory_space<vmem>>
        %dma_wait3A_651 = arith.constant 0 : i32
        %dma_wait3A_652 = arith.constant 0 : i32
        %dma_wait3A_653 = tpu.memref_slice %arg17[%dma_wait3A_651, %dma_wait3A_652] : memref<10016x16xf32, #tpu.memory_space<vmem_shared>> -> memref<10016x16xf32, #tpu.memory_space<vmem_shared>>
        tpu.wait_indirect_dma semaphore(%run_scoped3A_641 : memref<!tpu.dma_semaphore, #tpu.memory_space<semaphore_mem>>) src(%arg14 : memref<128x16xf32, #tpu.memory_space<vmem>>) dst(%dma_wait3A_653 : memref<10016x16xf32, #tpu.memory_space<vmem_shared>>)
        tpu.yield
      }) : () -> ()
    } else {
    }
    %dma_wait3A_36 = arith.constant 0 : i32
    %dma_wait3A_37 = arith.constant 0 : i32
    %dma_wait3A_38 = tpu.memref_slice %arg11[%dma_wait3A_36, %dma_wait3A_37] : memref<16x128xi32, #tpu.memory_space<vmem>> -> memref<1x128xi32, #tpu.memory_space<vmem>>
    %dma_wait3A_39 = tpu.memref_squeeze %dma_wait3A_38 : memref<1x128xi32, #tpu.memory_space<vmem>> -> memref<128xi32, #tpu.memory_space<vmem>>
    %dma_wait3A_40 = arith.constant 0 : i32
    %dma_wait3A_41 = arith.constant 0 : i32
    %dma_wait3A_42 = tpu.memref_slice %arg16[%dma_wait3A_40, %dma_wait3A_41] : memref<10016x64xf32, #tpu.memory_space<vmem_shared>> -> memref<10016x64xf32, #tpu.memory_space<vmem_shared>>
    tpu.wait_indirect_dma semaphore(%arg20 : memref<!tpu.dma_semaphore, #tpu.memory_space<semaphore_mem>>) src(%arg12 : memref<128x64xf32, #tpu.memory_space<vmem>>) dst(%dma_wait3A_42 : memref<10016x64xf32, #tpu.memory_space<vmem_shared>>)
    %dma_wait3A_43 = arith.constant 1 : i32
    %dma_wait3A_44 = arith.constant 0 : i32
    %dma_wait3A_45 = tpu.memref_slice %arg10[%dma_wait3A_43, %dma_wait3A_44] : memref<16x128xi32, #tpu.memory_space<vmem>> -> memref<1x128xi32, #tpu.memory_space<vmem>>
    %dma_wait3A_46 = tpu.memref_squeeze %dma_wait3A_45 : memref<1x128xi32, #tpu.memory_space<vmem>> -> memref<128xi32, #tpu.memory_space<vmem>>
    %dma_wait3A_47 = arith.constant 0 : i32
    %dma_wait3A_48 = arith.constant 0 : i32
    %dma_wait3A_49 = tpu.memref_slice %arg15[%dma_wait3A_47, %dma_wait3A_48] : memref<10000x64xf32, #tpu.memory_space<vmem_shared>> -> memref<10000x64xf32, #tpu.memory_space<vmem_shared>>
    tpu.wait_indirect_dma semaphore(%arg19 : memref<!tpu.dma_semaphore, #tpu.memory_space<semaphore_mem>>) src(%dma_wait3A_49 : memref<10000x64xf32, #tpu.memory_space<vmem_shared>>) dst(%arg13 : memref<128x64xf32, #tpu.memory_space<vmem>>)
    %dma_start3A_50 = arith.constant 2 : i32
    %dma_start3A_51 = arith.constant 0 : i32
    %dma_start3A_52 = tpu.memref_slice %arg10[%dma_start3A_50, %dma_start3A_51] : memref<16x128xi32, #tpu.memory_space<vmem>> -> memref<1x128xi32, #tpu.memory_space<vmem>>
    %dma_start3A_53 = tpu.memref_squeeze %dma_start3A_52 : memref<1x128xi32, #tpu.memory_space<vmem>> -> memref<128xi32, #tpu.memory_space<vmem>>
    %dma_start3A_54 = arith.constant 0 : i32
    %dma_start3A_55 = arith.constant 0 : i32
    %dma_start3A_56 = tpu.memref_slice %arg15[%dma_start3A_54, %dma_start3A_55] : memref<10000x64xf32, #tpu.memory_space<vmem_shared>> -> memref<10000x64xf32, #tpu.memory_space<vmem_shared>>
    tpu.enqueue_indirect_dma source(%dma_start3A_56 : memref<10000x64xf32, #tpu.memory_space<vmem_shared>>) target(%arg12 : memref<128x64xf32, #tpu.memory_space<vmem>>) offsets(%dma_start3A_53 : memref<128xi32, #tpu.memory_space<vmem>>) semaphore(%arg18 : memref<!tpu.dma_semaphore, #tpu.memory_space<semaphore_mem>>)
    %dma_start3A_57 = arith.constant 1 : i32
    %dma_start3A_58 = arith.constant 0 : i32
    %dma_start3A_59 = tpu.memref_slice %arg11[%dma_start3A_57, %dma_start3A_58] : memref<16x128xi32, #tpu.memory_space<vmem>> -> memref<1x128xi32, #tpu.memory_space<vmem>>
    %dma_start3A_60 = tpu.memref_squeeze %dma_start3A_59 : memref<1x128xi32, #tpu.memory_space<vmem>> -> memref<128xi32, #tpu.memory_space<vmem>>
    %dma_start3A_61 = arith.constant 0 : i32
    %dma_start3A_62 = arith.constant 0 : i32
    %dma_start3A_63 = tpu.memref_slice %arg16[%dma_start3A_61, %dma_start3A_62] : memref<10016x64xf32, #tpu.memory_space<vmem_shared>> -> memref<10016x64xf32, #tpu.memory_space<vmem_shared>>
    tpu.enqueue_indirect_dma source(%arg13 : memref<128x64xf32, #tpu.memory_space<vmem>>) target(%dma_start3A_63 : memref<10016x64xf32, #tpu.memory_space<vmem_shared>>) offsets(%dma_start3A_60 : memref<128xi32, #tpu.memory_space<vmem>>) semaphore(%arg20 : memref<!tpu.dma_semaphore, #tpu.memory_space<semaphore_mem>>) {add = true}
    %eq3A_64 = arith.constant 0 : i32
    %eq3A_65 = arith.cmpi eq, %arg0, %eq3A_64 : i32
    %and3A_66 = arith.constant true
    %and3A_67 = arith.andi %eq3A_65, %and3A_66 : i1
    %eq3A_68 = arith.constant 1 : i32
    %eq3A_69 = arith.cmpi eq, %arg0, %eq3A_68 : i32
    %and3A_70 = arith.constant false
    %and3A_71 = arith.andi %eq3A_69, %and3A_70 : i1
    %or3A_72 = arith.ori %and3A_67, %and3A_71 : i1
    %convert_element_type3A_73 = arith.extui %or3A_72 : i1 to i32
    %cond3A_74 = arith.constant 0 : i32
    %cond3A_75 = arith.cmpi ne, %convert_element_type3A_73, %cond3A_74 : i32
    scf.if %cond3A_75 {
      %run_scoped3A = arith.constant 1 : i32
      "tpu.region"() ({
        %run_scoped3A_641 = tpu.sem_alloc : memref<!tpu.dma_semaphore, #tpu.memory_space<semaphore_mem>>
        %dma_start3A_642 = arith.constant 0 : i32
        %dma_start3A_643 = tpu.memref_slice %arg11[%run_scoped3A, %dma_start3A_642] : memref<16x128xi32, #tpu.memory_space<vmem>> -> memref<1x128xi32, #tpu.memory_space<vmem>>
        %dma_start3A_644 = tpu.memref_squeeze %dma_start3A_643 : memref<1x128xi32, #tpu.memory_space<vmem>> -> memref<128xi32, #tpu.memory_space<vmem>>
        %dma_start3A_645 = arith.constant 0 : i32
        %dma_start3A_646 = arith.constant 0 : i32
        %dma_start3A_647 = tpu.memref_slice %arg17[%dma_start3A_645, %dma_start3A_646] : memref<10016x16xf32, #tpu.memory_space<vmem_shared>> -> memref<10016x16xf32, #tpu.memory_space<vmem_shared>>
        tpu.enqueue_indirect_dma source(%arg14 : memref<128x16xf32, #tpu.memory_space<vmem>>) target(%dma_start3A_647 : memref<10016x16xf32, #tpu.memory_space<vmem_shared>>) offsets(%dma_start3A_644 : memref<128xi32, #tpu.memory_space<vmem>>) semaphore(%run_scoped3A_641 : memref<!tpu.dma_semaphore, #tpu.memory_space<semaphore_mem>>) {add = true}
        %dma_wait3A_648 = arith.constant 0 : i32
        %dma_wait3A_649 = tpu.memref_slice %arg11[%run_scoped3A, %dma_wait3A_648] : memref<16x128xi32, #tpu.memory_space<vmem>> -> memref<1x128xi32, #tpu.memory_space<vmem>>
        %dma_wait3A_650 = tpu.memref_squeeze %dma_wait3A_649 : memref<1x128xi32, #tpu.memory_space<vmem>> -> memref<128xi32, #tpu.memory_space<vmem>>
        %dma_wait3A_651 = arith.constant 0 : i32
        %dma_wait3A_652 = arith.constant 0 : i32
        %dma_wait3A_653 = tpu.memref_slice %arg17[%dma_wait3A_651, %dma_wait3A_652] : memref<10016x16xf32, #tpu.memory_space<vmem_shared>> -> memref<10016x16xf32, #tpu.memory_space<vmem_shared>>
        tpu.wait_indirect_dma semaphore(%run_scoped3A_641 : memref<!tpu.dma_semaphore, #tpu.memory_space<semaphore_mem>>) src(%arg14 : memref<128x16xf32, #tpu.memory_space<vmem>>) dst(%dma_wait3A_653 : memref<10016x16xf32, #tpu.memory_space<vmem_shared>>)
        tpu.yield
      }) : () -> ()
    } else {
    }
    %dma_wait3A_76 = arith.constant 1 : i32
    %dma_wait3A_77 = arith.constant 0 : i32
    %dma_wait3A_78 = tpu.memref_slice %arg11[%dma_wait3A_76, %dma_wait3A_77] : memref<16x128xi32, #tpu.memory_space<vmem>> -> memref<1x128xi32, #tpu.memory_space<vmem>>
    %dma_wait3A_79 = tpu.memref_squeeze %dma_wait3A_78 : memref<1x128xi32, #tpu.memory_space<vmem>> -> memref<128xi32, #tpu.memory_space<vmem>>
    %dma_wait3A_80 = arith.constant 0 : i32
    %dma_wait3A_81 = arith.constant 0 : i32
    %dma_wait3A_82 = tpu.memref_slice %arg16[%dma_wait3A_80, %dma_wait3A_81] : memref<10016x64xf32, #tpu.memory_space<vmem_shared>> -> memref<10016x64xf32, #tpu.memory_space<vmem_shared>>
    tpu.wait_indirect_dma semaphore(%arg20 : memref<!tpu.dma_semaphore, #tpu.memory_space<semaphore_mem>>) src(%arg13 : memref<128x64xf32, #tpu.memory_space<vmem>>) dst(%dma_wait3A_82 : memref<10016x64xf32, #tpu.memory_space<vmem_shared>>)
    %dma_wait3A_83 = arith.constant 2 : i32
    %dma_wait3A_84 = arith.constant 0 : i32
    %dma_wait3A_85 = tpu.memref_slice %arg10[%dma_wait3A_83, %dma_wait3A_84] : memref<16x128xi32, #tpu.memory_space<vmem>> -> memref<1x128xi32, #tpu.memory_space<vmem>>
    %dma_wait3A_86 = tpu.memref_squeeze %dma_wait3A_85 : memref<1x128xi32, #tpu.memory_space<vmem>> -> memref<128xi32, #tpu.memory_space<vmem>>
    %dma_wait3A_87 = arith.constant 0 : i32
    %dma_wait3A_88 = arith.constant 0 : i32
    %dma_wait3A_89 = tpu.memref_slice %arg15[%dma_wait3A_87, %dma_wait3A_88] : memref<10000x64xf32, #tpu.memory_space<vmem_shared>> -> memref<10000x64xf32, #tpu.memory_space<vmem_shared>>
    tpu.wait_indirect_dma semaphore(%arg18 : memref<!tpu.dma_semaphore, #tpu.memory_space<semaphore_mem>>) src(%dma_wait3A_89 : memref<10000x64xf32, #tpu.memory_space<vmem_shared>>) dst(%arg12 : memref<128x64xf32, #tpu.memory_space<vmem>>)
    %dma_start3A_90 = arith.constant 3 : i32
    %dma_start3A_91 = arith.constant 0 : i32
    %dma_start3A_92 = tpu.memref_slice %arg10[%dma_start3A_90, %dma_start3A_91] : memref<16x128xi32, #tpu.memory_space<vmem>> -> memref<1x128xi32, #tpu.memory_space<vmem>>
    %dma_start3A_93 = tpu.memref_squeeze %dma_start3A_92 : memref<1x128xi32, #tpu.memory_space<vmem>> -> memref<128xi32, #tpu.memory_space<vmem>>
    %dma_start3A_94 = arith.constant 0 : i32
    %dma_start3A_95 = arith.constant 0 : i32
    %dma_start3A_96 = tpu.memref_slice %arg15[%dma_start3A_94, %dma_start3A_95] : memref<10000x64xf32, #tpu.memory_space<vmem_shared>> -> memref<10000x64xf32, #tpu.memory_space<vmem_shared>>
    tpu.enqueue_indirect_dma source(%dma_start3A_96 : memref<10000x64xf32, #tpu.memory_space<vmem_shared>>) target(%arg13 : memref<128x64xf32, #tpu.memory_space<vmem>>) offsets(%dma_start3A_93 : memref<128xi32, #tpu.memory_space<vmem>>) semaphore(%arg19 : memref<!tpu.dma_semaphore, #tpu.memory_space<semaphore_mem>>)
    %dma_start3A_97 = arith.constant 2 : i32
    %dma_start3A_98 = arith.constant 0 : i32
    %dma_start3A_99 = tpu.memref_slice %arg11[%dma_start3A_97, %dma_start3A_98] : memref<16x128xi32, #tpu.memory_space<vmem>> -> memref<1x128xi32, #tpu.memory_space<vmem>>
    %dma_start3A_100 = tpu.memref_squeeze %dma_start3A_99 : memref<1x128xi32, #tpu.memory_space<vmem>> -> memref<128xi32, #tpu.memory_space<vmem>>
    %dma_start3A_101 = arith.constant 0 : i32
    %dma_start3A_102 = arith.constant 0 : i32
    %dma_start3A_103 = tpu.memref_slice %arg16[%dma_start3A_101, %dma_start3A_102] : memref<10016x64xf32, #tpu.memory_space<vmem_shared>> -> memref<10016x64xf32, #tpu.memory_space<vmem_shared>>
    tpu.enqueue_indirect_dma source(%arg12 : memref<128x64xf32, #tpu.memory_space<vmem>>) target(%dma_start3A_103 : memref<10016x64xf32, #tpu.memory_space<vmem_shared>>) offsets(%dma_start3A_100 : memref<128xi32, #tpu.memory_space<vmem>>) semaphore(%arg20 : memref<!tpu.dma_semaphore, #tpu.memory_space<semaphore_mem>>) {add = true}
    %eq3A_104 = arith.constant 0 : i32
    %eq3A_105 = arith.cmpi eq, %arg0, %eq3A_104 : i32
    %and3A_106 = arith.constant true
    %and3A_107 = arith.andi %eq3A_105, %and3A_106 : i1
    %eq3A_108 = arith.constant 1 : i32
    %eq3A_109 = arith.cmpi eq, %arg0, %eq3A_108 : i32
    %and3A_110 = arith.constant false
    %and3A_111 = arith.andi %eq3A_109, %and3A_110 : i1
    %or3A_112 = arith.ori %and3A_107, %and3A_111 : i1
    %convert_element_type3A_113 = arith.extui %or3A_112 : i1 to i32
    %cond3A_114 = arith.constant 0 : i32
    %cond3A_115 = arith.cmpi ne, %convert_element_type3A_113, %cond3A_114 : i32
    scf.if %cond3A_115 {
      %run_scoped3A = arith.constant 2 : i32
      "tpu.region"() ({
        %run_scoped3A_641 = tpu.sem_alloc : memref<!tpu.dma_semaphore, #tpu.memory_space<semaphore_mem>>
        %dma_start3A_642 = arith.constant 0 : i32
        %dma_start3A_643 = tpu.memref_slice %arg11[%run_scoped3A, %dma_start3A_642] : memref<16x128xi32, #tpu.memory_space<vmem>> -> memref<1x128xi32, #tpu.memory_space<vmem>>
        %dma_start3A_644 = tpu.memref_squeeze %dma_start3A_643 : memref<1x128xi32, #tpu.memory_space<vmem>> -> memref<128xi32, #tpu.memory_space<vmem>>
        %dma_start3A_645 = arith.constant 0 : i32
        %dma_start3A_646 = arith.constant 0 : i32
        %dma_start3A_647 = tpu.memref_slice %arg17[%dma_start3A_645, %dma_start3A_646] : memref<10016x16xf32, #tpu.memory_space<vmem_shared>> -> memref<10016x16xf32, #tpu.memory_space<vmem_shared>>
        tpu.enqueue_indirect_dma source(%arg14 : memref<128x16xf32, #tpu.memory_space<vmem>>) target(%dma_start3A_647 : memref<10016x16xf32, #tpu.memory_space<vmem_shared>>) offsets(%dma_start3A_644 : memref<128xi32, #tpu.memory_space<vmem>>) semaphore(%run_scoped3A_641 : memref<!tpu.dma_semaphore, #tpu.memory_space<semaphore_mem>>) {add = true}
        %dma_wait3A_648 = arith.constant 0 : i32
        %dma_wait3A_649 = tpu.memref_slice %arg11[%run_scoped3A, %dma_wait3A_648] : memref<16x128xi32, #tpu.memory_space<vmem>> -> memref<1x128xi32, #tpu.memory_space<vmem>>
        %dma_wait3A_650 = tpu.memref_squeeze %dma_wait3A_649 : memref<1x128xi32, #tpu.memory_space<vmem>> -> memref<128xi32, #tpu.memory_space<vmem>>
        %dma_wait3A_651 = arith.constant 0 : i32
        %dma_wait3A_652 = arith.constant 0 : i32
        %dma_wait3A_653 = tpu.memref_slice %arg17[%dma_wait3A_651, %dma_wait3A_652] : memref<10016x16xf32, #tpu.memory_space<vmem_shared>> -> memref<10016x16xf32, #tpu.memory_space<vmem_shared>>
        tpu.wait_indirect_dma semaphore(%run_scoped3A_641 : memref<!tpu.dma_semaphore, #tpu.memory_space<semaphore_mem>>) src(%arg14 : memref<128x16xf32, #tpu.memory_space<vmem>>) dst(%dma_wait3A_653 : memref<10016x16xf32, #tpu.memory_space<vmem_shared>>)
        tpu.yield
      }) : () -> ()
    } else {
    }
    %dma_wait3A_116 = arith.constant 2 : i32
    %dma_wait3A_117 = arith.constant 0 : i32
    %dma_wait3A_118 = tpu.memref_slice %arg11[%dma_wait3A_116, %dma_wait3A_117] : memref<16x128xi32, #tpu.memory_space<vmem>> -> memref<1x128xi32, #tpu.memory_space<vmem>>
    %dma_wait3A_119 = tpu.memref_squeeze %dma_wait3A_118 : memref<1x128xi32, #tpu.memory_space<vmem>> -> memref<128xi32, #tpu.memory_space<vmem>>
    %dma_wait3A_120 = arith.constant 0 : i32
    %dma_wait3A_121 = arith.constant 0 : i32
    %dma_wait3A_122 = tpu.memref_slice %arg16[%dma_wait3A_120, %dma_wait3A_121] : memref<10016x64xf32, #tpu.memory_space<vmem_shared>> -> memref<10016x64xf32, #tpu.memory_space<vmem_shared>>
    tpu.wait_indirect_dma semaphore(%arg20 : memref<!tpu.dma_semaphore, #tpu.memory_space<semaphore_mem>>) src(%arg12 : memref<128x64xf32, #tpu.memory_space<vmem>>) dst(%dma_wait3A_122 : memref<10016x64xf32, #tpu.memory_space<vmem_shared>>)
    %dma_wait3A_123 = arith.constant 3 : i32
    %dma_wait3A_124 = arith.constant 0 : i32
    %dma_wait3A_125 = tpu.memref_slice %arg10[%dma_wait3A_123, %dma_wait3A_124] : memref<16x128xi32, #tpu.memory_space<vmem>> -> memref<1x128xi32, #tpu.memory_space<vmem>>
    %dma_wait3A_126 = tpu.memref_squeeze %dma_wait3A_125 : memref<1x128xi32, #tpu.memory_space<vmem>> -> memref<128xi32, #tpu.memory_space<vmem>>
    %dma_wait3A_127 = arith.constant 0 : i32
    %dma_wait3A_128 = arith.constant 0 : i32
    %dma_wait3A_129 = tpu.memref_slice %arg15[%dma_wait3A_127, %dma_wait3A_128] : memref<10000x64xf32, #tpu.memory_space<vmem_shared>> -> memref<10000x64xf32, #tpu.memory_space<vmem_shared>>
    tpu.wait_indirect_dma semaphore(%arg19 : memref<!tpu.dma_semaphore, #tpu.memory_space<semaphore_mem>>) src(%dma_wait3A_129 : memref<10000x64xf32, #tpu.memory_space<vmem_shared>>) dst(%arg13 : memref<128x64xf32, #tpu.memory_space<vmem>>)
    %dma_start3A_130 = arith.constant 4 : i32
    %dma_start3A_131 = arith.constant 0 : i32
    %dma_start3A_132 = tpu.memref_slice %arg10[%dma_start3A_130, %dma_start3A_131] : memref<16x128xi32, #tpu.memory_space<vmem>> -> memref<1x128xi32, #tpu.memory_space<vmem>>
    %dma_start3A_133 = tpu.memref_squeeze %dma_start3A_132 : memref<1x128xi32, #tpu.memory_space<vmem>> -> memref<128xi32, #tpu.memory_space<vmem>>
    %dma_start3A_134 = arith.constant 0 : i32
    %dma_start3A_135 = arith.constant 0 : i32
    %dma_start3A_136 = tpu.memref_slice %arg15[%dma_start3A_134, %dma_start3A_135] : memref<10000x64xf32, #tpu.memory_space<vmem_shared>> -> memref<10000x64xf32, #tpu.memory_space<vmem_shared>>
    tpu.enqueue_indirect_dma source(%dma_start3A_136 : memref<10000x64xf32, #tpu.memory_space<vmem_shared>>) target(%arg12 : memref<128x64xf32, #tpu.memory_space<vmem>>) offsets(%dma_start3A_133 : memref<128xi32, #tpu.memory_space<vmem>>) semaphore(%arg18 : memref<!tpu.dma_semaphore, #tpu.memory_space<semaphore_mem>>)
    %dma_start3A_137 = arith.constant 3 : i32
    %dma_start3A_138 = arith.constant 0 : i32
    %dma_start3A_139 = tpu.memref_slice %arg11[%dma_start3A_137, %dma_start3A_138] : memref<16x128xi32, #tpu.memory_space<vmem>> -> memref<1x128xi32, #tpu.memory_space<vmem>>
    %dma_start3A_140 = tpu.memref_squeeze %dma_start3A_139 : memref<1x128xi32, #tpu.memory_space<vmem>> -> memref<128xi32, #tpu.memory_space<vmem>>
    %dma_start3A_141 = arith.constant 0 : i32
    %dma_start3A_142 = arith.constant 0 : i32
    %dma_start3A_143 = tpu.memref_slice %arg16[%dma_start3A_141, %dma_start3A_142] : memref<10016x64xf32, #tpu.memory_space<vmem_shared>> -> memref<10016x64xf32, #tpu.memory_space<vmem_shared>>
    tpu.enqueue_indirect_dma source(%arg13 : memref<128x64xf32, #tpu.memory_space<vmem>>) target(%dma_start3A_143 : memref<10016x64xf32, #tpu.memory_space<vmem_shared>>) offsets(%dma_start3A_140 : memref<128xi32, #tpu.memory_space<vmem>>) semaphore(%arg20 : memref<!tpu.dma_semaphore, #tpu.memory_space<semaphore_mem>>) {add = true}
    %eq3A_144 = arith.constant 0 : i32
    %eq3A_145 = arith.cmpi eq, %arg0, %eq3A_144 : i32
    %and3A_146 = arith.constant true
    %and3A_147 = arith.andi %eq3A_145, %and3A_146 : i1
    %eq3A_148 = arith.constant 1 : i32
    %eq3A_149 = arith.cmpi eq, %arg0, %eq3A_148 : i32
    %and3A_150 = arith.constant false
    %and3A_151 = arith.andi %eq3A_149, %and3A_150 : i1
    %or3A_152 = arith.ori %and3A_147, %and3A_151 : i1
    %convert_element_type3A_153 = arith.extui %or3A_152 : i1 to i32
    %cond3A_154 = arith.constant 0 : i32
    %cond3A_155 = arith.cmpi ne, %convert_element_type3A_153, %cond3A_154 : i32
    scf.if %cond3A_155 {
      %run_scoped3A = arith.constant 3 : i32
      "tpu.region"() ({
        %run_scoped3A_641 = tpu.sem_alloc : memref<!tpu.dma_semaphore, #tpu.memory_space<semaphore_mem>>
        %dma_start3A_642 = arith.constant 0 : i32
        %dma_start3A_643 = tpu.memref_slice %arg11[%run_scoped3A, %dma_start3A_642] : memref<16x128xi32, #tpu.memory_space<vmem>> -> memref<1x128xi32, #tpu.memory_space<vmem>>
        %dma_start3A_644 = tpu.memref_squeeze %dma_start3A_643 : memref<1x128xi32, #tpu.memory_space<vmem>> -> memref<128xi32, #tpu.memory_space<vmem>>
        %dma_start3A_645 = arith.constant 0 : i32
        %dma_start3A_646 = arith.constant 0 : i32
        %dma_start3A_647 = tpu.memref_slice %arg17[%dma_start3A_645, %dma_start3A_646] : memref<10016x16xf32, #tpu.memory_space<vmem_shared>> -> memref<10016x16xf32, #tpu.memory_space<vmem_shared>>
        tpu.enqueue_indirect_dma source(%arg14 : memref<128x16xf32, #tpu.memory_space<vmem>>) target(%dma_start3A_647 : memref<10016x16xf32, #tpu.memory_space<vmem_shared>>) offsets(%dma_start3A_644 : memref<128xi32, #tpu.memory_space<vmem>>) semaphore(%run_scoped3A_641 : memref<!tpu.dma_semaphore, #tpu.memory_space<semaphore_mem>>) {add = true}
        %dma_wait3A_648 = arith.constant 0 : i32
        %dma_wait3A_649 = tpu.memref_slice %arg11[%run_scoped3A, %dma_wait3A_648] : memref<16x128xi32, #tpu.memory_space<vmem>> -> memref<1x128xi32, #tpu.memory_space<vmem>>
        %dma_wait3A_650 = tpu.memref_squeeze %dma_wait3A_649 : memref<1x128xi32, #tpu.memory_space<vmem>> -> memref<128xi32, #tpu.memory_space<vmem>>
        %dma_wait3A_651 = arith.constant 0 : i32
        %dma_wait3A_652 = arith.constant 0 : i32
        %dma_wait3A_653 = tpu.memref_slice %arg17[%dma_wait3A_651, %dma_wait3A_652] : memref<10016x16xf32, #tpu.memory_space<vmem_shared>> -> memref<10016x16xf32, #tpu.memory_space<vmem_shared>>
        tpu.wait_indirect_dma semaphore(%run_scoped3A_641 : memref<!tpu.dma_semaphore, #tpu.memory_space<semaphore_mem>>) src(%arg14 : memref<128x16xf32, #tpu.memory_space<vmem>>) dst(%dma_wait3A_653 : memref<10016x16xf32, #tpu.memory_space<vmem_shared>>)
        tpu.yield
      }) : () -> ()
    } else {
    }
    %dma_wait3A_156 = arith.constant 3 : i32
    %dma_wait3A_157 = arith.constant 0 : i32
    %dma_wait3A_158 = tpu.memref_slice %arg11[%dma_wait3A_156, %dma_wait3A_157] : memref<16x128xi32, #tpu.memory_space<vmem>> -> memref<1x128xi32, #tpu.memory_space<vmem>>
    %dma_wait3A_159 = tpu.memref_squeeze %dma_wait3A_158 : memref<1x128xi32, #tpu.memory_space<vmem>> -> memref<128xi32, #tpu.memory_space<vmem>>
    %dma_wait3A_160 = arith.constant 0 : i32
    %dma_wait3A_161 = arith.constant 0 : i32
    %dma_wait3A_162 = tpu.memref_slice %arg16[%dma_wait3A_160, %dma_wait3A_161] : memref<10016x64xf32, #tpu.memory_space<vmem_shared>> -> memref<10016x64xf32, #tpu.memory_space<vmem_shared>>
    tpu.wait_indirect_dma semaphore(%arg20 : memref<!tpu.dma_semaphore, #tpu.memory_space<semaphore_mem>>) src(%arg13 : memref<128x64xf32, #tpu.memory_space<vmem>>) dst(%dma_wait3A_162 : memref<10016x64xf32, #tpu.memory_space<vmem_shared>>)
    %dma_wait3A_163 = arith.constant 4 : i32
    %dma_wait3A_164 = arith.constant 0 : i32
    %dma_wait3A_165 = tpu.memref_slice %arg10[%dma_wait3A_163, %dma_wait3A_164] : memref<16x128xi32, #tpu.memory_space<vmem>> -> memref<1x128xi32, #tpu.memory_space<vmem>>
    %dma_wait3A_166 = tpu.memref_squeeze %dma_wait3A_165 : memref<1x128xi32, #tpu.memory_space<vmem>> -> memref<128xi32, #tpu.memory_space<vmem>>
    %dma_wait3A_167 = arith.constant 0 : i32
    %dma_wait3A_168 = arith.constant 0 : i32
    %dma_wait3A_169 = tpu.memref_slice %arg15[%dma_wait3A_167, %dma_wait3A_168] : memref<10000x64xf32, #tpu.memory_space<vmem_shared>> -> memref<10000x64xf32, #tpu.memory_space<vmem_shared>>
    tpu.wait_indirect_dma semaphore(%arg18 : memref<!tpu.dma_semaphore, #tpu.memory_space<semaphore_mem>>) src(%dma_wait3A_169 : memref<10000x64xf32, #tpu.memory_space<vmem_shared>>) dst(%arg12 : memref<128x64xf32, #tpu.memory_space<vmem>>)
    %dma_start3A_170 = arith.constant 5 : i32
    %dma_start3A_171 = arith.constant 0 : i32
    %dma_start3A_172 = tpu.memref_slice %arg10[%dma_start3A_170, %dma_start3A_171] : memref<16x128xi32, #tpu.memory_space<vmem>> -> memref<1x128xi32, #tpu.memory_space<vmem>>
    %dma_start3A_173 = tpu.memref_squeeze %dma_start3A_172 : memref<1x128xi32, #tpu.memory_space<vmem>> -> memref<128xi32, #tpu.memory_space<vmem>>
    %dma_start3A_174 = arith.constant 0 : i32
    %dma_start3A_175 = arith.constant 0 : i32
    %dma_start3A_176 = tpu.memref_slice %arg15[%dma_start3A_174, %dma_start3A_175] : memref<10000x64xf32, #tpu.memory_space<vmem_shared>> -> memref<10000x64xf32, #tpu.memory_space<vmem_shared>>
    tpu.enqueue_indirect_dma source(%dma_start3A_176 : memref<10000x64xf32, #tpu.memory_space<vmem_shared>>) target(%arg13 : memref<128x64xf32, #tpu.memory_space<vmem>>) offsets(%dma_start3A_173 : memref<128xi32, #tpu.memory_space<vmem>>) semaphore(%arg19 : memref<!tpu.dma_semaphore, #tpu.memory_space<semaphore_mem>>)
    %dma_start3A_177 = arith.constant 4 : i32
    %dma_start3A_178 = arith.constant 0 : i32
    %dma_start3A_179 = tpu.memref_slice %arg11[%dma_start3A_177, %dma_start3A_178] : memref<16x128xi32, #tpu.memory_space<vmem>> -> memref<1x128xi32, #tpu.memory_space<vmem>>
    %dma_start3A_180 = tpu.memref_squeeze %dma_start3A_179 : memref<1x128xi32, #tpu.memory_space<vmem>> -> memref<128xi32, #tpu.memory_space<vmem>>
    %dma_start3A_181 = arith.constant 0 : i32
    %dma_start3A_182 = arith.constant 0 : i32
    %dma_start3A_183 = tpu.memref_slice %arg16[%dma_start3A_181, %dma_start3A_182] : memref<10016x64xf32, #tpu.memory_space<vmem_shared>> -> memref<10016x64xf32, #tpu.memory_space<vmem_shared>>
    tpu.enqueue_indirect_dma source(%arg12 : memref<128x64xf32, #tpu.memory_space<vmem>>) target(%dma_start3A_183 : memref<10016x64xf32, #tpu.memory_space<vmem_shared>>) offsets(%dma_start3A_180 : memref<128xi32, #tpu.memory_space<vmem>>) semaphore(%arg20 : memref<!tpu.dma_semaphore, #tpu.memory_space<semaphore_mem>>) {add = true}
    %eq3A_184 = arith.constant 0 : i32
    %eq3A_185 = arith.cmpi eq, %arg0, %eq3A_184 : i32
    %and3A_186 = arith.constant true
    %and3A_187 = arith.andi %eq3A_185, %and3A_186 : i1
    %eq3A_188 = arith.constant 1 : i32
    %eq3A_189 = arith.cmpi eq, %arg0, %eq3A_188 : i32
    %and3A_190 = arith.constant false
    %and3A_191 = arith.andi %eq3A_189, %and3A_190 : i1
    %or3A_192 = arith.ori %and3A_187, %and3A_191 : i1
    %convert_element_type3A_193 = arith.extui %or3A_192 : i1 to i32
    %cond3A_194 = arith.constant 0 : i32
    %cond3A_195 = arith.cmpi ne, %convert_element_type3A_193, %cond3A_194 : i32
    scf.if %cond3A_195 {
      %run_scoped3A = arith.constant 4 : i32
      "tpu.region"() ({
        %run_scoped3A_641 = tpu.sem_alloc : memref<!tpu.dma_semaphore, #tpu.memory_space<semaphore_mem>>
        %dma_start3A_642 = arith.constant 0 : i32
        %dma_start3A_643 = tpu.memref_slice %arg11[%run_scoped3A, %dma_start3A_642] : memref<16x128xi32, #tpu.memory_space<vmem>> -> memref<1x128xi32, #tpu.memory_space<vmem>>
        %dma_start3A_644 = tpu.memref_squeeze %dma_start3A_643 : memref<1x128xi32, #tpu.memory_space<vmem>> -> memref<128xi32, #tpu.memory_space<vmem>>
        %dma_start3A_645 = arith.constant 0 : i32
        %dma_start3A_646 = arith.constant 0 : i32
        %dma_start3A_647 = tpu.memref_slice %arg17[%dma_start3A_645, %dma_start3A_646] : memref<10016x16xf32, #tpu.memory_space<vmem_shared>> -> memref<10016x16xf32, #tpu.memory_space<vmem_shared>>
        tpu.enqueue_indirect_dma source(%arg14 : memref<128x16xf32, #tpu.memory_space<vmem>>) target(%dma_start3A_647 : memref<10016x16xf32, #tpu.memory_space<vmem_shared>>) offsets(%dma_start3A_644 : memref<128xi32, #tpu.memory_space<vmem>>) semaphore(%run_scoped3A_641 : memref<!tpu.dma_semaphore, #tpu.memory_space<semaphore_mem>>) {add = true}
        %dma_wait3A_648 = arith.constant 0 : i32
        %dma_wait3A_649 = tpu.memref_slice %arg11[%run_scoped3A, %dma_wait3A_648] : memref<16x128xi32, #tpu.memory_space<vmem>> -> memref<1x128xi32, #tpu.memory_space<vmem>>
        %dma_wait3A_650 = tpu.memref_squeeze %dma_wait3A_649 : memref<1x128xi32, #tpu.memory_space<vmem>> -> memref<128xi32, #tpu.memory_space<vmem>>
        %dma_wait3A_651 = arith.constant 0 : i32
        %dma_wait3A_652 = arith.constant 0 : i32
        %dma_wait3A_653 = tpu.memref_slice %arg17[%dma_wait3A_651, %dma_wait3A_652] : memref<10016x16xf32, #tpu.memory_space<vmem_shared>> -> memref<10016x16xf32, #tpu.memory_space<vmem_shared>>
        tpu.wait_indirect_dma semaphore(%run_scoped3A_641 : memref<!tpu.dma_semaphore, #tpu.memory_space<semaphore_mem>>) src(%arg14 : memref<128x16xf32, #tpu.memory_space<vmem>>) dst(%dma_wait3A_653 : memref<10016x16xf32, #tpu.memory_space<vmem_shared>>)
        tpu.yield
      }) : () -> ()
    } else {
    }
    %dma_wait3A_196 = arith.constant 4 : i32
    %dma_wait3A_197 = arith.constant 0 : i32
    %dma_wait3A_198 = tpu.memref_slice %arg11[%dma_wait3A_196, %dma_wait3A_197] : memref<16x128xi32, #tpu.memory_space<vmem>> -> memref<1x128xi32, #tpu.memory_space<vmem>>
    %dma_wait3A_199 = tpu.memref_squeeze %dma_wait3A_198 : memref<1x128xi32, #tpu.memory_space<vmem>> -> memref<128xi32, #tpu.memory_space<vmem>>
    %dma_wait3A_200 = arith.constant 0 : i32
    %dma_wait3A_201 = arith.constant 0 : i32
    %dma_wait3A_202 = tpu.memref_slice %arg16[%dma_wait3A_200, %dma_wait3A_201] : memref<10016x64xf32, #tpu.memory_space<vmem_shared>> -> memref<10016x64xf32, #tpu.memory_space<vmem_shared>>
    tpu.wait_indirect_dma semaphore(%arg20 : memref<!tpu.dma_semaphore, #tpu.memory_space<semaphore_mem>>) src(%arg12 : memref<128x64xf32, #tpu.memory_space<vmem>>) dst(%dma_wait3A_202 : memref<10016x64xf32, #tpu.memory_space<vmem_shared>>)
    %dma_wait3A_203 = arith.constant 5 : i32
    %dma_wait3A_204 = arith.constant 0 : i32
    %dma_wait3A_205 = tpu.memref_slice %arg10[%dma_wait3A_203, %dma_wait3A_204] : memref<16x128xi32, #tpu.memory_space<vmem>> -> memref<1x128xi32, #tpu.memory_space<vmem>>
    %dma_wait3A_206 = tpu.memref_squeeze %dma_wait3A_205 : memref<1x128xi32, #tpu.memory_space<vmem>> -> memref<128xi32, #tpu.memory_space<vmem>>
    %dma_wait3A_207 = arith.constant 0 : i32
    %dma_wait3A_208 = arith.constant 0 : i32
    %dma_wait3A_209 = tpu.memref_slice %arg15[%dma_wait3A_207, %dma_wait3A_208] : memref<10000x64xf32, #tpu.memory_space<vmem_shared>> -> memref<10000x64xf32, #tpu.memory_space<vmem_shared>>
    tpu.wait_indirect_dma semaphore(%arg19 : memref<!tpu.dma_semaphore, #tpu.memory_space<semaphore_mem>>) src(%dma_wait3A_209 : memref<10000x64xf32, #tpu.memory_space<vmem_shared>>) dst(%arg13 : memref<128x64xf32, #tpu.memory_space<vmem>>)
    %dma_start3A_210 = arith.constant 6 : i32
    %dma_start3A_211 = arith.constant 0 : i32
    %dma_start3A_212 = tpu.memref_slice %arg10[%dma_start3A_210, %dma_start3A_211] : memref<16x128xi32, #tpu.memory_space<vmem>> -> memref<1x128xi32, #tpu.memory_space<vmem>>
    %dma_start3A_213 = tpu.memref_squeeze %dma_start3A_212 : memref<1x128xi32, #tpu.memory_space<vmem>> -> memref<128xi32, #tpu.memory_space<vmem>>
    %dma_start3A_214 = arith.constant 0 : i32
    %dma_start3A_215 = arith.constant 0 : i32
    %dma_start3A_216 = tpu.memref_slice %arg15[%dma_start3A_214, %dma_start3A_215] : memref<10000x64xf32, #tpu.memory_space<vmem_shared>> -> memref<10000x64xf32, #tpu.memory_space<vmem_shared>>
    tpu.enqueue_indirect_dma source(%dma_start3A_216 : memref<10000x64xf32, #tpu.memory_space<vmem_shared>>) target(%arg12 : memref<128x64xf32, #tpu.memory_space<vmem>>) offsets(%dma_start3A_213 : memref<128xi32, #tpu.memory_space<vmem>>) semaphore(%arg18 : memref<!tpu.dma_semaphore, #tpu.memory_space<semaphore_mem>>)
    %dma_start3A_217 = arith.constant 5 : i32
    %dma_start3A_218 = arith.constant 0 : i32
    %dma_start3A_219 = tpu.memref_slice %arg11[%dma_start3A_217, %dma_start3A_218] : memref<16x128xi32, #tpu.memory_space<vmem>> -> memref<1x128xi32, #tpu.memory_space<vmem>>
    %dma_start3A_220 = tpu.memref_squeeze %dma_start3A_219 : memref<1x128xi32, #tpu.memory_space<vmem>> -> memref<128xi32, #tpu.memory_space<vmem>>
    %dma_start3A_221 = arith.constant 0 : i32
    %dma_start3A_222 = arith.constant 0 : i32
    %dma_start3A_223 = tpu.memref_slice %arg16[%dma_start3A_221, %dma_start3A_222] : memref<10016x64xf32, #tpu.memory_space<vmem_shared>> -> memref<10016x64xf32, #tpu.memory_space<vmem_shared>>
    tpu.enqueue_indirect_dma source(%arg13 : memref<128x64xf32, #tpu.memory_space<vmem>>) target(%dma_start3A_223 : memref<10016x64xf32, #tpu.memory_space<vmem_shared>>) offsets(%dma_start3A_220 : memref<128xi32, #tpu.memory_space<vmem>>) semaphore(%arg20 : memref<!tpu.dma_semaphore, #tpu.memory_space<semaphore_mem>>) {add = true}
    %eq3A_224 = arith.constant 0 : i32
    %eq3A_225 = arith.cmpi eq, %arg0, %eq3A_224 : i32
    %and3A_226 = arith.constant true
    %and3A_227 = arith.andi %eq3A_225, %and3A_226 : i1
    %eq3A_228 = arith.constant 1 : i32
    %eq3A_229 = arith.cmpi eq, %arg0, %eq3A_228 : i32
    %and3A_230 = arith.constant false
    %and3A_231 = arith.andi %eq3A_229, %and3A_230 : i1
    %or3A_232 = arith.ori %and3A_227, %and3A_231 : i1
    %convert_element_type3A_233 = arith.extui %or3A_232 : i1 to i32
    %cond3A_234 = arith.constant 0 : i32
    %cond3A_235 = arith.cmpi ne, %convert_element_type3A_233, %cond3A_234 : i32
    scf.if %cond3A_235 {
      %run_scoped3A = arith.constant 5 : i32
      "tpu.region"() ({
        %run_scoped3A_641 = tpu.sem_alloc : memref<!tpu.dma_semaphore, #tpu.memory_space<semaphore_mem>>
        %dma_start3A_642 = arith.constant 0 : i32
        %dma_start3A_643 = tpu.memref_slice %arg11[%run_scoped3A, %dma_start3A_642] : memref<16x128xi32, #tpu.memory_space<vmem>> -> memref<1x128xi32, #tpu.memory_space<vmem>>
        %dma_start3A_644 = tpu.memref_squeeze %dma_start3A_643 : memref<1x128xi32, #tpu.memory_space<vmem>> -> memref<128xi32, #tpu.memory_space<vmem>>
        %dma_start3A_645 = arith.constant 0 : i32
        %dma_start3A_646 = arith.constant 0 : i32
        %dma_start3A_647 = tpu.memref_slice %arg17[%dma_start3A_645, %dma_start3A_646] : memref<10016x16xf32, #tpu.memory_space<vmem_shared>> -> memref<10016x16xf32, #tpu.memory_space<vmem_shared>>
        tpu.enqueue_indirect_dma source(%arg14 : memref<128x16xf32, #tpu.memory_space<vmem>>) target(%dma_start3A_647 : memref<10016x16xf32, #tpu.memory_space<vmem_shared>>) offsets(%dma_start3A_644 : memref<128xi32, #tpu.memory_space<vmem>>) semaphore(%run_scoped3A_641 : memref<!tpu.dma_semaphore, #tpu.memory_space<semaphore_mem>>) {add = true}
        %dma_wait3A_648 = arith.constant 0 : i32
        %dma_wait3A_649 = tpu.memref_slice %arg11[%run_scoped3A, %dma_wait3A_648] : memref<16x128xi32, #tpu.memory_space<vmem>> -> memref<1x128xi32, #tpu.memory_space<vmem>>
        %dma_wait3A_650 = tpu.memref_squeeze %dma_wait3A_649 : memref<1x128xi32, #tpu.memory_space<vmem>> -> memref<128xi32, #tpu.memory_space<vmem>>
        %dma_wait3A_651 = arith.constant 0 : i32
        %dma_wait3A_652 = arith.constant 0 : i32
        %dma_wait3A_653 = tpu.memref_slice %arg17[%dma_wait3A_651, %dma_wait3A_652] : memref<10016x16xf32, #tpu.memory_space<vmem_shared>> -> memref<10016x16xf32, #tpu.memory_space<vmem_shared>>
        tpu.wait_indirect_dma semaphore(%run_scoped3A_641 : memref<!tpu.dma_semaphore, #tpu.memory_space<semaphore_mem>>) src(%arg14 : memref<128x16xf32, #tpu.memory_space<vmem>>) dst(%dma_wait3A_653 : memref<10016x16xf32, #tpu.memory_space<vmem_shared>>)
        tpu.yield
      }) : () -> ()
    } else {
    }
    %dma_wait3A_236 = arith.constant 5 : i32
    %dma_wait3A_237 = arith.constant 0 : i32
    %dma_wait3A_238 = tpu.memref_slice %arg11[%dma_wait3A_236, %dma_wait3A_237] : memref<16x128xi32, #tpu.memory_space<vmem>> -> memref<1x128xi32, #tpu.memory_space<vmem>>
    %dma_wait3A_239 = tpu.memref_squeeze %dma_wait3A_238 : memref<1x128xi32, #tpu.memory_space<vmem>> -> memref<128xi32, #tpu.memory_space<vmem>>
    %dma_wait3A_240 = arith.constant 0 : i32
    %dma_wait3A_241 = arith.constant 0 : i32
    %dma_wait3A_242 = tpu.memref_slice %arg16[%dma_wait3A_240, %dma_wait3A_241] : memref<10016x64xf32, #tpu.memory_space<vmem_shared>> -> memref<10016x64xf32, #tpu.memory_space<vmem_shared>>
    tpu.wait_indirect_dma semaphore(%arg20 : memref<!tpu.dma_semaphore, #tpu.memory_space<semaphore_mem>>) src(%arg13 : memref<128x64xf32, #tpu.memory_space<vmem>>) dst(%dma_wait3A_242 : memref<10016x64xf32, #tpu.memory_space<vmem_shared>>)
    %dma_wait3A_243 = arith.constant 6 : i32
    %dma_wait3A_244 = arith.constant 0 : i32
    %dma_wait3A_245 = tpu.memref_slice %arg10[%dma_wait3A_243, %dma_wait3A_244] : memref<16x128xi32, #tpu.memory_space<vmem>> -> memref<1x128xi32, #tpu.memory_space<vmem>>
    %dma_wait3A_246 = tpu.memref_squeeze %dma_wait3A_245 : memref<1x128xi32, #tpu.memory_space<vmem>> -> memref<128xi32, #tpu.memory_space<vmem>>
    %dma_wait3A_247 = arith.constant 0 : i32
    %dma_wait3A_248 = arith.constant 0 : i32
    %dma_wait3A_249 = tpu.memref_slice %arg15[%dma_wait3A_247, %dma_wait3A_248] : memref<10000x64xf32, #tpu.memory_space<vmem_shared>> -> memref<10000x64xf32, #tpu.memory_space<vmem_shared>>
    tpu.wait_indirect_dma semaphore(%arg18 : memref<!tpu.dma_semaphore, #tpu.memory_space<semaphore_mem>>) src(%dma_wait3A_249 : memref<10000x64xf32, #tpu.memory_space<vmem_shared>>) dst(%arg12 : memref<128x64xf32, #tpu.memory_space<vmem>>)
    %dma_start3A_250 = arith.constant 7 : i32
    %dma_start3A_251 = arith.constant 0 : i32
    %dma_start3A_252 = tpu.memref_slice %arg10[%dma_start3A_250, %dma_start3A_251] : memref<16x128xi32, #tpu.memory_space<vmem>> -> memref<1x128xi32, #tpu.memory_space<vmem>>
    %dma_start3A_253 = tpu.memref_squeeze %dma_start3A_252 : memref<1x128xi32, #tpu.memory_space<vmem>> -> memref<128xi32, #tpu.memory_space<vmem>>
    %dma_start3A_254 = arith.constant 0 : i32
    %dma_start3A_255 = arith.constant 0 : i32
    %dma_start3A_256 = tpu.memref_slice %arg15[%dma_start3A_254, %dma_start3A_255] : memref<10000x64xf32, #tpu.memory_space<vmem_shared>> -> memref<10000x64xf32, #tpu.memory_space<vmem_shared>>
    tpu.enqueue_indirect_dma source(%dma_start3A_256 : memref<10000x64xf32, #tpu.memory_space<vmem_shared>>) target(%arg13 : memref<128x64xf32, #tpu.memory_space<vmem>>) offsets(%dma_start3A_253 : memref<128xi32, #tpu.memory_space<vmem>>) semaphore(%arg19 : memref<!tpu.dma_semaphore, #tpu.memory_space<semaphore_mem>>)
    %dma_start3A_257 = arith.constant 6 : i32
    %dma_start3A_258 = arith.constant 0 : i32
    %dma_start3A_259 = tpu.memref_slice %arg11[%dma_start3A_257, %dma_start3A_258] : memref<16x128xi32, #tpu.memory_space<vmem>> -> memref<1x128xi32, #tpu.memory_space<vmem>>
    %dma_start3A_260 = tpu.memref_squeeze %dma_start3A_259 : memref<1x128xi32, #tpu.memory_space<vmem>> -> memref<128xi32, #tpu.memory_space<vmem>>
    %dma_start3A_261 = arith.constant 0 : i32
    %dma_start3A_262 = arith.constant 0 : i32
    %dma_start3A_263 = tpu.memref_slice %arg16[%dma_start3A_261, %dma_start3A_262] : memref<10016x64xf32, #tpu.memory_space<vmem_shared>> -> memref<10016x64xf32, #tpu.memory_space<vmem_shared>>
    tpu.enqueue_indirect_dma source(%arg12 : memref<128x64xf32, #tpu.memory_space<vmem>>) target(%dma_start3A_263 : memref<10016x64xf32, #tpu.memory_space<vmem_shared>>) offsets(%dma_start3A_260 : memref<128xi32, #tpu.memory_space<vmem>>) semaphore(%arg20 : memref<!tpu.dma_semaphore, #tpu.memory_space<semaphore_mem>>) {add = true}
    %eq3A_264 = arith.constant 0 : i32
    %eq3A_265 = arith.cmpi eq, %arg0, %eq3A_264 : i32
    %and3A_266 = arith.constant true
    %and3A_267 = arith.andi %eq3A_265, %and3A_266 : i1
    %eq3A_268 = arith.constant 1 : i32
    %eq3A_269 = arith.cmpi eq, %arg0, %eq3A_268 : i32
    %and3A_270 = arith.constant false
    %and3A_271 = arith.andi %eq3A_269, %and3A_270 : i1
    %or3A_272 = arith.ori %and3A_267, %and3A_271 : i1
    %convert_element_type3A_273 = arith.extui %or3A_272 : i1 to i32
    %cond3A_274 = arith.constant 0 : i32
    %cond3A_275 = arith.cmpi ne, %convert_element_type3A_273, %cond3A_274 : i32
    scf.if %cond3A_275 {
      %run_scoped3A = arith.constant 6 : i32
      "tpu.region"() ({
        %run_scoped3A_641 = tpu.sem_alloc : memref<!tpu.dma_semaphore, #tpu.memory_space<semaphore_mem>>
        %dma_start3A_642 = arith.constant 0 : i32
        %dma_start3A_643 = tpu.memref_slice %arg11[%run_scoped3A, %dma_start3A_642] : memref<16x128xi32, #tpu.memory_space<vmem>> -> memref<1x128xi32, #tpu.memory_space<vmem>>
        %dma_start3A_644 = tpu.memref_squeeze %dma_start3A_643 : memref<1x128xi32, #tpu.memory_space<vmem>> -> memref<128xi32, #tpu.memory_space<vmem>>
        %dma_start3A_645 = arith.constant 0 : i32
        %dma_start3A_646 = arith.constant 0 : i32
        %dma_start3A_647 = tpu.memref_slice %arg17[%dma_start3A_645, %dma_start3A_646] : memref<10016x16xf32, #tpu.memory_space<vmem_shared>> -> memref<10016x16xf32, #tpu.memory_space<vmem_shared>>
        tpu.enqueue_indirect_dma source(%arg14 : memref<128x16xf32, #tpu.memory_space<vmem>>) target(%dma_start3A_647 : memref<10016x16xf32, #tpu.memory_space<vmem_shared>>) offsets(%dma_start3A_644 : memref<128xi32, #tpu.memory_space<vmem>>) semaphore(%run_scoped3A_641 : memref<!tpu.dma_semaphore, #tpu.memory_space<semaphore_mem>>) {add = true}
        %dma_wait3A_648 = arith.constant 0 : i32
        %dma_wait3A_649 = tpu.memref_slice %arg11[%run_scoped3A, %dma_wait3A_648] : memref<16x128xi32, #tpu.memory_space<vmem>> -> memref<1x128xi32, #tpu.memory_space<vmem>>
        %dma_wait3A_650 = tpu.memref_squeeze %dma_wait3A_649 : memref<1x128xi32, #tpu.memory_space<vmem>> -> memref<128xi32, #tpu.memory_space<vmem>>
        %dma_wait3A_651 = arith.constant 0 : i32
        %dma_wait3A_652 = arith.constant 0 : i32
        %dma_wait3A_653 = tpu.memref_slice %arg17[%dma_wait3A_651, %dma_wait3A_652] : memref<10016x16xf32, #tpu.memory_space<vmem_shared>> -> memref<10016x16xf32, #tpu.memory_space<vmem_shared>>
        tpu.wait_indirect_dma semaphore(%run_scoped3A_641 : memref<!tpu.dma_semaphore, #tpu.memory_space<semaphore_mem>>) src(%arg14 : memref<128x16xf32, #tpu.memory_space<vmem>>) dst(%dma_wait3A_653 : memref<10016x16xf32, #tpu.memory_space<vmem_shared>>)
        tpu.yield
      }) : () -> ()
    } else {
    }
    %dma_wait3A_276 = arith.constant 6 : i32
    %dma_wait3A_277 = arith.constant 0 : i32
    %dma_wait3A_278 = tpu.memref_slice %arg11[%dma_wait3A_276, %dma_wait3A_277] : memref<16x128xi32, #tpu.memory_space<vmem>> -> memref<1x128xi32, #tpu.memory_space<vmem>>
    %dma_wait3A_279 = tpu.memref_squeeze %dma_wait3A_278 : memref<1x128xi32, #tpu.memory_space<vmem>> -> memref<128xi32, #tpu.memory_space<vmem>>
    %dma_wait3A_280 = arith.constant 0 : i32
    %dma_wait3A_281 = arith.constant 0 : i32
    %dma_wait3A_282 = tpu.memref_slice %arg16[%dma_wait3A_280, %dma_wait3A_281] : memref<10016x64xf32, #tpu.memory_space<vmem_shared>> -> memref<10016x64xf32, #tpu.memory_space<vmem_shared>>
    tpu.wait_indirect_dma semaphore(%arg20 : memref<!tpu.dma_semaphore, #tpu.memory_space<semaphore_mem>>) src(%arg12 : memref<128x64xf32, #tpu.memory_space<vmem>>) dst(%dma_wait3A_282 : memref<10016x64xf32, #tpu.memory_space<vmem_shared>>)
    %dma_wait3A_283 = arith.constant 7 : i32
    %dma_wait3A_284 = arith.constant 0 : i32
    %dma_wait3A_285 = tpu.memref_slice %arg10[%dma_wait3A_283, %dma_wait3A_284] : memref<16x128xi32, #tpu.memory_space<vmem>> -> memref<1x128xi32, #tpu.memory_space<vmem>>
    %dma_wait3A_286 = tpu.memref_squeeze %dma_wait3A_285 : memref<1x128xi32, #tpu.memory_space<vmem>> -> memref<128xi32, #tpu.memory_space<vmem>>
    %dma_wait3A_287 = arith.constant 0 : i32
    %dma_wait3A_288 = arith.constant 0 : i32
    %dma_wait3A_289 = tpu.memref_slice %arg15[%dma_wait3A_287, %dma_wait3A_288] : memref<10000x64xf32, #tpu.memory_space<vmem_shared>> -> memref<10000x64xf32, #tpu.memory_space<vmem_shared>>
    tpu.wait_indirect_dma semaphore(%arg19 : memref<!tpu.dma_semaphore, #tpu.memory_space<semaphore_mem>>) src(%dma_wait3A_289 : memref<10000x64xf32, #tpu.memory_space<vmem_shared>>) dst(%arg13 : memref<128x64xf32, #tpu.memory_space<vmem>>)
    %dma_start3A_290 = arith.constant 8 : i32
    %dma_start3A_291 = arith.constant 0 : i32
    %dma_start3A_292 = tpu.memref_slice %arg10[%dma_start3A_290, %dma_start3A_291] : memref<16x128xi32, #tpu.memory_space<vmem>> -> memref<1x128xi32, #tpu.memory_space<vmem>>
    %dma_start3A_293 = tpu.memref_squeeze %dma_start3A_292 : memref<1x128xi32, #tpu.memory_space<vmem>> -> memref<128xi32, #tpu.memory_space<vmem>>
    %dma_start3A_294 = arith.constant 0 : i32
    %dma_start3A_295 = arith.constant 0 : i32
    %dma_start3A_296 = tpu.memref_slice %arg15[%dma_start3A_294, %dma_start3A_295] : memref<10000x64xf32, #tpu.memory_space<vmem_shared>> -> memref<10000x64xf32, #tpu.memory_space<vmem_shared>>
    tpu.enqueue_indirect_dma source(%dma_start3A_296 : memref<10000x64xf32, #tpu.memory_space<vmem_shared>>) target(%arg12 : memref<128x64xf32, #tpu.memory_space<vmem>>) offsets(%dma_start3A_293 : memref<128xi32, #tpu.memory_space<vmem>>) semaphore(%arg18 : memref<!tpu.dma_semaphore, #tpu.memory_space<semaphore_mem>>)
    %dma_start3A_297 = arith.constant 7 : i32
    %dma_start3A_298 = arith.constant 0 : i32
    %dma_start3A_299 = tpu.memref_slice %arg11[%dma_start3A_297, %dma_start3A_298] : memref<16x128xi32, #tpu.memory_space<vmem>> -> memref<1x128xi32, #tpu.memory_space<vmem>>
    %dma_start3A_300 = tpu.memref_squeeze %dma_start3A_299 : memref<1x128xi32, #tpu.memory_space<vmem>> -> memref<128xi32, #tpu.memory_space<vmem>>
    %dma_start3A_301 = arith.constant 0 : i32
    %dma_start3A_302 = arith.constant 0 : i32
    %dma_start3A_303 = tpu.memref_slice %arg16[%dma_start3A_301, %dma_start3A_302] : memref<10016x64xf32, #tpu.memory_space<vmem_shared>> -> memref<10016x64xf32, #tpu.memory_space<vmem_shared>>
    tpu.enqueue_indirect_dma source(%arg13 : memref<128x64xf32, #tpu.memory_space<vmem>>) target(%dma_start3A_303 : memref<10016x64xf32, #tpu.memory_space<vmem_shared>>) offsets(%dma_start3A_300 : memref<128xi32, #tpu.memory_space<vmem>>) semaphore(%arg20 : memref<!tpu.dma_semaphore, #tpu.memory_space<semaphore_mem>>) {add = true}
    %eq3A_304 = arith.constant 0 : i32
    %eq3A_305 = arith.cmpi eq, %arg0, %eq3A_304 : i32
    %and3A_306 = arith.constant true
    %and3A_307 = arith.andi %eq3A_305, %and3A_306 : i1
    %eq3A_308 = arith.constant 1 : i32
    %eq3A_309 = arith.cmpi eq, %arg0, %eq3A_308 : i32
    %and3A_310 = arith.constant false
    %and3A_311 = arith.andi %eq3A_309, %and3A_310 : i1
    %or3A_312 = arith.ori %and3A_307, %and3A_311 : i1
    %convert_element_type3A_313 = arith.extui %or3A_312 : i1 to i32
    %cond3A_314 = arith.constant 0 : i32
    %cond3A_315 = arith.cmpi ne, %convert_element_type3A_313, %cond3A_314 : i32
    scf.if %cond3A_315 {
      %run_scoped3A = arith.constant 7 : i32
      "tpu.region"() ({
        %run_scoped3A_641 = tpu.sem_alloc : memref<!tpu.dma_semaphore, #tpu.memory_space<semaphore_mem>>
        %dma_start3A_642 = arith.constant 0 : i32
        %dma_start3A_643 = tpu.memref_slice %arg11[%run_scoped3A, %dma_start3A_642] : memref<16x128xi32, #tpu.memory_space<vmem>> -> memref<1x128xi32, #tpu.memory_space<vmem>>
        %dma_start3A_644 = tpu.memref_squeeze %dma_start3A_643 : memref<1x128xi32, #tpu.memory_space<vmem>> -> memref<128xi32, #tpu.memory_space<vmem>>
        %dma_start3A_645 = arith.constant 0 : i32
        %dma_start3A_646 = arith.constant 0 : i32
        %dma_start3A_647 = tpu.memref_slice %arg17[%dma_start3A_645, %dma_start3A_646] : memref<10016x16xf32, #tpu.memory_space<vmem_shared>> -> memref<10016x16xf32, #tpu.memory_space<vmem_shared>>
        tpu.enqueue_indirect_dma source(%arg14 : memref<128x16xf32, #tpu.memory_space<vmem>>) target(%dma_start3A_647 : memref<10016x16xf32, #tpu.memory_space<vmem_shared>>) offsets(%dma_start3A_644 : memref<128xi32, #tpu.memory_space<vmem>>) semaphore(%run_scoped3A_641 : memref<!tpu.dma_semaphore, #tpu.memory_space<semaphore_mem>>) {add = true}
        %dma_wait3A_648 = arith.constant 0 : i32
        %dma_wait3A_649 = tpu.memref_slice %arg11[%run_scoped3A, %dma_wait3A_648] : memref<16x128xi32, #tpu.memory_space<vmem>> -> memref<1x128xi32, #tpu.memory_space<vmem>>
        %dma_wait3A_650 = tpu.memref_squeeze %dma_wait3A_649 : memref<1x128xi32, #tpu.memory_space<vmem>> -> memref<128xi32, #tpu.memory_space<vmem>>
        %dma_wait3A_651 = arith.constant 0 : i32
        %dma_wait3A_652 = arith.constant 0 : i32
        %dma_wait3A_653 = tpu.memref_slice %arg17[%dma_wait3A_651, %dma_wait3A_652] : memref<10016x16xf32, #tpu.memory_space<vmem_shared>> -> memref<10016x16xf32, #tpu.memory_space<vmem_shared>>
        tpu.wait_indirect_dma semaphore(%run_scoped3A_641 : memref<!tpu.dma_semaphore, #tpu.memory_space<semaphore_mem>>) src(%arg14 : memref<128x16xf32, #tpu.memory_space<vmem>>) dst(%dma_wait3A_653 : memref<10016x16xf32, #tpu.memory_space<vmem_shared>>)
        tpu.yield
      }) : () -> ()
    } else {
    }
    %dma_wait3A_316 = arith.constant 7 : i32
    %dma_wait3A_317 = arith.constant 0 : i32
    %dma_wait3A_318 = tpu.memref_slice %arg11[%dma_wait3A_316, %dma_wait3A_317] : memref<16x128xi32, #tpu.memory_space<vmem>> -> memref<1x128xi32, #tpu.memory_space<vmem>>
    %dma_wait3A_319 = tpu.memref_squeeze %dma_wait3A_318 : memref<1x128xi32, #tpu.memory_space<vmem>> -> memref<128xi32, #tpu.memory_space<vmem>>
    %dma_wait3A_320 = arith.constant 0 : i32
    %dma_wait3A_321 = arith.constant 0 : i32
    %dma_wait3A_322 = tpu.memref_slice %arg16[%dma_wait3A_320, %dma_wait3A_321] : memref<10016x64xf32, #tpu.memory_space<vmem_shared>> -> memref<10016x64xf32, #tpu.memory_space<vmem_shared>>
    tpu.wait_indirect_dma semaphore(%arg20 : memref<!tpu.dma_semaphore, #tpu.memory_space<semaphore_mem>>) src(%arg13 : memref<128x64xf32, #tpu.memory_space<vmem>>) dst(%dma_wait3A_322 : memref<10016x64xf32, #tpu.memory_space<vmem_shared>>)
    %scan3A = arith.constant 0 : i32
    %scan3A_323 = arith.constant 18 : i32
    %scan3A_324 = arith.addi %scan3A, %scan3A_323 : i32
    %scan3A_325 = arith.constant 1 : i32
    scf.for %scan3A_641 = %scan3A to %scan3A_324 step %scan3A_325  : i32 {
      %mul3A_642 = arith.constant 8 : i32
      %mul3A_643 = arith.muli %scan3A_641, %mul3A_642 : i32
      %add3A = arith.constant 8 : i32
      %add3A_644 = arith.addi %add3A, %mul3A_643 : i32
      %div3A = arith.constant 8 : i32
      %div3A_645 = arith.divsi %add3A_644, %div3A : i32
      %rem3A = arith.constant 2 : i32
      %rem3A_646 = arith.remsi %div3A_645, %rem3A : i32
      %mul3A_647 = arith.constant 8 : i32
      %mul3A_648 = arith.muli %rem3A_646, %mul3A_647 : i32
      %sub3A = arith.constant 1 : i32
      %sub3A_649 = arith.subi %sub3A, %rem3A_646 : i32
      %mul3A_650 = arith.constant 8 : i32
      %mul3A_651 = arith.muli %sub3A_649, %mul3A_650 : i32
      %add3A_652 = arith.constant 8 : i32
      %add3A_653 = arith.addi %add3A_644, %add3A_652 : i32
      %sub3A_654 = arith.constant 1 : i32
      %sub3A_655 = arith.subi %sub3A_654, %rem3A_646 : i32
      %mul3A_656 = arith.constant 8 : i32
      %mul3A_657 = arith.muli %sub3A_655, %mul3A_656 : i32
      %dma_start3A_658 = arith.constant 0 : i32
      %dma_start3A_659 = tpu.memref_slice %arg10[%mul3A_657, %dma_start3A_658] : memref<16x128xi32, #tpu.memory_space<vmem>> -> memref<8x128xi32, #tpu.memory_space<vmem>>
      %dma_start3A_660 = arith.constant 0 : i32
      %dma_start3A_661 = tpu.memref_slice %arg3[%arg1, %add3A_653, %dma_start3A_660] : memref<16x160x128xi32, #tpu.memory_space<hbm>> -> memref<1x8x128xi32, #tpu.memory_space<hbm>>
      %dma_start3A_662 = tpu.memref_squeeze %dma_start3A_661 : memref<1x8x128xi32, #tpu.memory_space<hbm>> -> memref<8x128xi32, #tpu.memory_space<hbm>>
      %dma_start3A_663 = arith.constant 0 : i32
      %dma_start3A_664 = tpu.memref_slice %arg10[%mul3A_657, %dma_start3A_663] : memref<16x128xi32, #tpu.memory_space<vmem>> -> memref<8x128xi32, #tpu.memory_space<vmem>>
      %dma_start3A_665 = arith.constant 0 : i32
      %dma_start3A_666 = tpu.memref_slice %arg3[%arg1, %add3A_653, %dma_start3A_665] : memref<16x160x128xi32, #tpu.memory_space<hbm>> -> memref<1x8x128xi32, #tpu.memory_space<hbm>>
      %dma_start3A_667 = tpu.memref_squeeze %dma_start3A_666 : memref<1x8x128xi32, #tpu.memory_space<hbm>> -> memref<8x128xi32, #tpu.memory_space<hbm>>
      tpu.enqueue_dma source(%dma_start3A_667 : memref<8x128xi32, #tpu.memory_space<hbm>>) target(%dma_start3A_664 : memref<8x128xi32, #tpu.memory_space<vmem>>) target_semaphore(%arg21 : memref<!tpu.dma_semaphore, #tpu.memory_space<semaphore_mem>>)
      %mul3A_668 = arith.constant 8 : i32
      %mul3A_669 = arith.muli %sub3A_655, %mul3A_668 : i32
      %dma_start3A_670 = arith.constant 0 : i32
      %dma_start3A_671 = tpu.memref_slice %arg11[%mul3A_669, %dma_start3A_670] : memref<16x128xi32, #tpu.memory_space<vmem>> -> memref<8x128xi32, #tpu.memory_space<vmem>>
      %dma_start3A_672 = arith.constant 0 : i32
      %dma_start3A_673 = tpu.memref_slice %arg4[%arg1, %add3A_653, %dma_start3A_672] : memref<16x160x128xi32, #tpu.memory_space<hbm>> -> memref<1x8x128xi32, #tpu.memory_space<hbm>>
      %dma_start3A_674 = tpu.memref_squeeze %dma_start3A_673 : memref<1x8x128xi32, #tpu.memory_space<hbm>> -> memref<8x128xi32, #tpu.memory_space<hbm>>
      %dma_start3A_675 = arith.constant 0 : i32
      %dma_start3A_676 = tpu.memref_slice %arg11[%mul3A_669, %dma_start3A_675] : memref<16x128xi32, #tpu.memory_space<vmem>> -> memref<8x128xi32, #tpu.memory_space<vmem>>
      %dma_start3A_677 = arith.constant 0 : i32
      %dma_start3A_678 = tpu.memref_slice %arg4[%arg1, %add3A_653, %dma_start3A_677] : memref<16x160x128xi32, #tpu.memory_space<hbm>> -> memref<1x8x128xi32, #tpu.memory_space<hbm>>
      %dma_start3A_679 = tpu.memref_squeeze %dma_start3A_678 : memref<1x8x128xi32, #tpu.memory_space<hbm>> -> memref<8x128xi32, #tpu.memory_space<hbm>>
      tpu.enqueue_dma source(%dma_start3A_679 : memref<8x128xi32, #tpu.memory_space<hbm>>) target(%dma_start3A_676 : memref<8x128xi32, #tpu.memory_space<vmem>>) target_semaphore(%arg21 : memref<!tpu.dma_semaphore, #tpu.memory_space<semaphore_mem>>)
      %add3A_680 = arith.constant 0 : i32
      %add3A_681 = arith.addi %mul3A_648, %add3A_680 : i32
      %add3A_682 = arith.constant 1 : i32
      %add3A_683 = arith.addi %add3A_681, %add3A_682 : i32
      %add3A_684 = arith.constant 0 : i32
      %add3A_685 = arith.addi %add3A_644, %add3A_684 : i32
      %add3A_686 = arith.constant 0 : i32
      %add3A_687 = arith.addi %mul3A_648, %add3A_686 : i32
      %dma_wait3A_688 = arith.constant 0 : i32
      %dma_wait3A_689 = tpu.memref_slice %arg10[%add3A_687, %dma_wait3A_688] : memref<16x128xi32, #tpu.memory_space<vmem>> -> memref<1x128xi32, #tpu.memory_space<vmem>>
      %dma_wait3A_690 = tpu.memref_squeeze %dma_wait3A_689 : memref<1x128xi32, #tpu.memory_space<vmem>> -> memref<128xi32, #tpu.memory_space<vmem>>
      %dma_wait3A_691 = arith.constant 0 : i32
      %dma_wait3A_692 = arith.constant 0 : i32
      %dma_wait3A_693 = tpu.memref_slice %arg15[%dma_wait3A_691, %dma_wait3A_692] : memref<10000x64xf32, #tpu.memory_space<vmem_shared>> -> memref<10000x64xf32, #tpu.memory_space<vmem_shared>>
      tpu.wait_indirect_dma semaphore(%arg18 : memref<!tpu.dma_semaphore, #tpu.memory_space<semaphore_mem>>) src(%dma_wait3A_693 : memref<10000x64xf32, #tpu.memory_space<vmem_shared>>) dst(%arg12 : memref<128x64xf32, #tpu.memory_space<vmem>>)
      %dma_start3A_694 = arith.constant 0 : i32
      %dma_start3A_695 = tpu.memref_slice %arg10[%add3A_683, %dma_start3A_694] : memref<16x128xi32, #tpu.memory_space<vmem>> -> memref<1x128xi32, #tpu.memory_space<vmem>>
      %dma_start3A_696 = tpu.memref_squeeze %dma_start3A_695 : memref<1x128xi32, #tpu.memory_space<vmem>> -> memref<128xi32, #tpu.memory_space<vmem>>
      %dma_start3A_697 = arith.constant 0 : i32
      %dma_start3A_698 = arith.constant 0 : i32
      %dma_start3A_699 = tpu.memref_slice %arg15[%dma_start3A_697, %dma_start3A_698] : memref<10000x64xf32, #tpu.memory_space<vmem_shared>> -> memref<10000x64xf32, #tpu.memory_space<vmem_shared>>
      tpu.enqueue_indirect_dma source(%dma_start3A_699 : memref<10000x64xf32, #tpu.memory_space<vmem_shared>>) target(%arg13 : memref<128x64xf32, #tpu.memory_space<vmem>>) offsets(%dma_start3A_696 : memref<128xi32, #tpu.memory_space<vmem>>) semaphore(%arg19 : memref<!tpu.dma_semaphore, #tpu.memory_space<semaphore_mem>>)
      %dma_start3A_700 = arith.constant 0 : i32
      %dma_start3A_701 = tpu.memref_slice %arg11[%add3A_687, %dma_start3A_700] : memref<16x128xi32, #tpu.memory_space<vmem>> -> memref<1x128xi32, #tpu.memory_space<vmem>>
      %dma_start3A_702 = tpu.memref_squeeze %dma_start3A_701 : memref<1x128xi32, #tpu.memory_space<vmem>> -> memref<128xi32, #tpu.memory_space<vmem>>
      %dma_start3A_703 = arith.constant 0 : i32
      %dma_start3A_704 = arith.constant 0 : i32
      %dma_start3A_705 = tpu.memref_slice %arg16[%dma_start3A_703, %dma_start3A_704] : memref<10016x64xf32, #tpu.memory_space<vmem_shared>> -> memref<10016x64xf32, #tpu.memory_space<vmem_shared>>
      tpu.enqueue_indirect_dma source(%arg12 : memref<128x64xf32, #tpu.memory_space<vmem>>) target(%dma_start3A_705 : memref<10016x64xf32, #tpu.memory_space<vmem_shared>>) offsets(%dma_start3A_702 : memref<128xi32, #tpu.memory_space<vmem>>) semaphore(%arg20 : memref<!tpu.dma_semaphore, #tpu.memory_space<semaphore_mem>>) {add = true}
      %eq3A_706 = arith.constant 0 : i32
      %eq3A_707 = arith.cmpi eq, %arg0, %eq3A_706 : i32
      %lt3A = arith.constant 80 : i32
      %lt3A_708 = arith.cmpi slt, %add3A_685, %lt3A : i32
      %and3A_709 = arith.andi %eq3A_707, %lt3A_708 : i1
      %eq3A_710 = arith.constant 1 : i32
      %eq3A_711 = arith.cmpi eq, %arg0, %eq3A_710 : i32
      %ge3A = arith.constant 80 : i32
      %ge3A_712 = arith.cmpi sge, %add3A_685, %ge3A : i32
      %and3A_713 = arith.andi %eq3A_711, %ge3A_712 : i1
      %or3A_714 = arith.ori %and3A_709, %and3A_713 : i1
      %convert_element_type3A_715 = arith.extui %or3A_714 : i1 to i32
      %cond3A_716 = arith.constant 0 : i32
      %cond3A_717 = arith.cmpi ne, %convert_element_type3A_715, %cond3A_716 : i32
      scf.if %cond3A_717 {
        "tpu.region"() ({
          %run_scoped3A = tpu.sem_alloc : memref<!tpu.dma_semaphore, #tpu.memory_space<semaphore_mem>>
          %dma_start3A_1070 = arith.constant 0 : i32
          %dma_start3A_1071 = tpu.memref_slice %arg11[%add3A_687, %dma_start3A_1070] : memref<16x128xi32, #tpu.memory_space<vmem>> -> memref<1x128xi32, #tpu.memory_space<vmem>>
          %dma_start3A_1072 = tpu.memref_squeeze %dma_start3A_1071 : memref<1x128xi32, #tpu.memory_space<vmem>> -> memref<128xi32, #tpu.memory_space<vmem>>
          %dma_start3A_1073 = arith.constant 0 : i32
          %dma_start3A_1074 = arith.constant 0 : i32
          %dma_start3A_1075 = tpu.memref_slice %arg17[%dma_start3A_1073, %dma_start3A_1074] : memref<10016x16xf32, #tpu.memory_space<vmem_shared>> -> memref<10016x16xf32, #tpu.memory_space<vmem_shared>>
          tpu.enqueue_indirect_dma source(%arg14 : memref<128x16xf32, #tpu.memory_space<vmem>>) target(%dma_start3A_1075 : memref<10016x16xf32, #tpu.memory_space<vmem_shared>>) offsets(%dma_start3A_1072 : memref<128xi32, #tpu.memory_space<vmem>>) semaphore(%run_scoped3A : memref<!tpu.dma_semaphore, #tpu.memory_space<semaphore_mem>>) {add = true}
          %dma_wait3A_1076 = arith.constant 0 : i32
          %dma_wait3A_1077 = tpu.memref_slice %arg11[%add3A_687, %dma_wait3A_1076] : memref<16x128xi32, #tpu.memory_space<vmem>> -> memref<1x128xi32, #tpu.memory_space<vmem>>
          %dma_wait3A_1078 = tpu.memref_squeeze %dma_wait3A_1077 : memref<1x128xi32, #tpu.memory_space<vmem>> -> memref<128xi32, #tpu.memory_space<vmem>>
          %dma_wait3A_1079 = arith.constant 0 : i32
          %dma_wait3A_1080 = arith.constant 0 : i32
          %dma_wait3A_1081 = tpu.memref_slice %arg17[%dma_wait3A_1079, %dma_wait3A_1080] : memref<10016x16xf32, #tpu.memory_space<vmem_shared>> -> memref<10016x16xf32, #tpu.memory_space<vmem_shared>>
          tpu.wait_indirect_dma semaphore(%run_scoped3A : memref<!tpu.dma_semaphore, #tpu.memory_space<semaphore_mem>>) src(%arg14 : memref<128x16xf32, #tpu.memory_space<vmem>>) dst(%dma_wait3A_1081 : memref<10016x16xf32, #tpu.memory_space<vmem_shared>>)
          tpu.yield
        }) : () -> ()
      } else {
      }
      %dma_wait3A_718 = arith.constant 0 : i32
      %dma_wait3A_719 = tpu.memref_slice %arg11[%add3A_687, %dma_wait3A_718] : memref<16x128xi32, #tpu.memory_space<vmem>> -> memref<1x128xi32, #tpu.memory_space<vmem>>
      %dma_wait3A_720 = tpu.memref_squeeze %dma_wait3A_719 : memref<1x128xi32, #tpu.memory_space<vmem>> -> memref<128xi32, #tpu.memory_space<vmem>>
      %dma_wait3A_721 = arith.constant 0 : i32
      %dma_wait3A_722 = arith.constant 0 : i32
      %dma_wait3A_723 = tpu.memref_slice %arg16[%dma_wait3A_721, %dma_wait3A_722] : memref<10016x64xf32, #tpu.memory_space<vmem_shared>> -> memref<10016x64xf32, #tpu.memory_space<vmem_shared>>
      tpu.wait_indirect_dma semaphore(%arg20 : memref<!tpu.dma_semaphore, #tpu.memory_space<semaphore_mem>>) src(%arg12 : memref<128x64xf32, #tpu.memory_space<vmem>>) dst(%dma_wait3A_723 : memref<10016x64xf32, #tpu.memory_space<vmem_shared>>)
      %add3A_724 = arith.constant 1 : i32
      %add3A_725 = arith.addi %mul3A_648, %add3A_724 : i32
      %add3A_726 = arith.constant 1 : i32
      %add3A_727 = arith.addi %add3A_725, %add3A_726 : i32
      %add3A_728 = arith.constant 1 : i32
      %add3A_729 = arith.addi %add3A_644, %add3A_728 : i32
      %add3A_730 = arith.constant 1 : i32
      %add3A_731 = arith.addi %mul3A_648, %add3A_730 : i32
      %dma_wait3A_732 = arith.constant 0 : i32
      %dma_wait3A_733 = tpu.memref_slice %arg10[%add3A_731, %dma_wait3A_732] : memref<16x128xi32, #tpu.memory_space<vmem>> -> memref<1x128xi32, #tpu.memory_space<vmem>>
      %dma_wait3A_734 = tpu.memref_squeeze %dma_wait3A_733 : memref<1x128xi32, #tpu.memory_space<vmem>> -> memref<128xi32, #tpu.memory_space<vmem>>
      %dma_wait3A_735 = arith.constant 0 : i32
      %dma_wait3A_736 = arith.constant 0 : i32
      %dma_wait3A_737 = tpu.memref_slice %arg15[%dma_wait3A_735, %dma_wait3A_736] : memref<10000x64xf32, #tpu.memory_space<vmem_shared>> -> memref<10000x64xf32, #tpu.memory_space<vmem_shared>>
      tpu.wait_indirect_dma semaphore(%arg19 : memref<!tpu.dma_semaphore, #tpu.memory_space<semaphore_mem>>) src(%dma_wait3A_737 : memref<10000x64xf32, #tpu.memory_space<vmem_shared>>) dst(%arg13 : memref<128x64xf32, #tpu.memory_space<vmem>>)
      %dma_start3A_738 = arith.constant 0 : i32
      %dma_start3A_739 = tpu.memref_slice %arg10[%add3A_727, %dma_start3A_738] : memref<16x128xi32, #tpu.memory_space<vmem>> -> memref<1x128xi32, #tpu.memory_space<vmem>>
      %dma_start3A_740 = tpu.memref_squeeze %dma_start3A_739 : memref<1x128xi32, #tpu.memory_space<vmem>> -> memref<128xi32, #tpu.memory_space<vmem>>
      %dma_start3A_741 = arith.constant 0 : i32
      %dma_start3A_742 = arith.constant 0 : i32
      %dma_start3A_743 = tpu.memref_slice %arg15[%dma_start3A_741, %dma_start3A_742] : memref<10000x64xf32, #tpu.memory_space<vmem_shared>> -> memref<10000x64xf32, #tpu.memory_space<vmem_shared>>
      tpu.enqueue_indirect_dma source(%dma_start3A_743 : memref<10000x64xf32, #tpu.memory_space<vmem_shared>>) target(%arg12 : memref<128x64xf32, #tpu.memory_space<vmem>>) offsets(%dma_start3A_740 : memref<128xi32, #tpu.memory_space<vmem>>) semaphore(%arg18 : memref<!tpu.dma_semaphore, #tpu.memory_space<semaphore_mem>>)
      %dma_start3A_744 = arith.constant 0 : i32
      %dma_start3A_745 = tpu.memref_slice %arg11[%add3A_731, %dma_start3A_744] : memref<16x128xi32, #tpu.memory_space<vmem>> -> memref<1x128xi32, #tpu.memory_space<vmem>>
      %dma_start3A_746 = tpu.memref_squeeze %dma_start3A_745 : memref<1x128xi32, #tpu.memory_space<vmem>> -> memref<128xi32, #tpu.memory_space<vmem>>
      %dma_start3A_747 = arith.constant 0 : i32
      %dma_start3A_748 = arith.constant 0 : i32
      %dma_start3A_749 = tpu.memref_slice %arg16[%dma_start3A_747, %dma_start3A_748] : memref<10016x64xf32, #tpu.memory_space<vmem_shared>> -> memref<10016x64xf32, #tpu.memory_space<vmem_shared>>
      tpu.enqueue_indirect_dma source(%arg13 : memref<128x64xf32, #tpu.memory_space<vmem>>) target(%dma_start3A_749 : memref<10016x64xf32, #tpu.memory_space<vmem_shared>>) offsets(%dma_start3A_746 : memref<128xi32, #tpu.memory_space<vmem>>) semaphore(%arg20 : memref<!tpu.dma_semaphore, #tpu.memory_space<semaphore_mem>>) {add = true}
      %eq3A_750 = arith.constant 0 : i32
      %eq3A_751 = arith.cmpi eq, %arg0, %eq3A_750 : i32
      %lt3A_752 = arith.constant 80 : i32
      %lt3A_753 = arith.cmpi slt, %add3A_729, %lt3A_752 : i32
      %and3A_754 = arith.andi %eq3A_751, %lt3A_753 : i1
      %eq3A_755 = arith.constant 1 : i32
      %eq3A_756 = arith.cmpi eq, %arg0, %eq3A_755 : i32
      %ge3A_757 = arith.constant 80 : i32
      %ge3A_758 = arith.cmpi sge, %add3A_729, %ge3A_757 : i32
      %and3A_759 = arith.andi %eq3A_756, %ge3A_758 : i1
      %or3A_760 = arith.ori %and3A_754, %and3A_759 : i1
      %convert_element_type3A_761 = arith.extui %or3A_760 : i1 to i32
      %cond3A_762 = arith.constant 0 : i32
      %cond3A_763 = arith.cmpi ne, %convert_element_type3A_761, %cond3A_762 : i32
      scf.if %cond3A_763 {
        "tpu.region"() ({
          %run_scoped3A = tpu.sem_alloc : memref<!tpu.dma_semaphore, #tpu.memory_space<semaphore_mem>>
          %dma_start3A_1070 = arith.constant 0 : i32
          %dma_start3A_1071 = tpu.memref_slice %arg11[%add3A_731, %dma_start3A_1070] : memref<16x128xi32, #tpu.memory_space<vmem>> -> memref<1x128xi32, #tpu.memory_space<vmem>>
          %dma_start3A_1072 = tpu.memref_squeeze %dma_start3A_1071 : memref<1x128xi32, #tpu.memory_space<vmem>> -> memref<128xi32, #tpu.memory_space<vmem>>
          %dma_start3A_1073 = arith.constant 0 : i32
          %dma_start3A_1074 = arith.constant 0 : i32
          %dma_start3A_1075 = tpu.memref_slice %arg17[%dma_start3A_1073, %dma_start3A_1074] : memref<10016x16xf32, #tpu.memory_space<vmem_shared>> -> memref<10016x16xf32, #tpu.memory_space<vmem_shared>>
          tpu.enqueue_indirect_dma source(%arg14 : memref<128x16xf32, #tpu.memory_space<vmem>>) target(%dma_start3A_1075 : memref<10016x16xf32, #tpu.memory_space<vmem_shared>>) offsets(%dma_start3A_1072 : memref<128xi32, #tpu.memory_space<vmem>>) semaphore(%run_scoped3A : memref<!tpu.dma_semaphore, #tpu.memory_space<semaphore_mem>>) {add = true}
          %dma_wait3A_1076 = arith.constant 0 : i32
          %dma_wait3A_1077 = tpu.memref_slice %arg11[%add3A_731, %dma_wait3A_1076] : memref<16x128xi32, #tpu.memory_space<vmem>> -> memref<1x128xi32, #tpu.memory_space<vmem>>
          %dma_wait3A_1078 = tpu.memref_squeeze %dma_wait3A_1077 : memref<1x128xi32, #tpu.memory_space<vmem>> -> memref<128xi32, #tpu.memory_space<vmem>>
          %dma_wait3A_1079 = arith.constant 0 : i32
          %dma_wait3A_1080 = arith.constant 0 : i32
          %dma_wait3A_1081 = tpu.memref_slice %arg17[%dma_wait3A_1079, %dma_wait3A_1080] : memref<10016x16xf32, #tpu.memory_space<vmem_shared>> -> memref<10016x16xf32, #tpu.memory_space<vmem_shared>>
          tpu.wait_indirect_dma semaphore(%run_scoped3A : memref<!tpu.dma_semaphore, #tpu.memory_space<semaphore_mem>>) src(%arg14 : memref<128x16xf32, #tpu.memory_space<vmem>>) dst(%dma_wait3A_1081 : memref<10016x16xf32, #tpu.memory_space<vmem_shared>>)
          tpu.yield
        }) : () -> ()
      } else {
      }
      %dma_wait3A_764 = arith.constant 0 : i32
      %dma_wait3A_765 = tpu.memref_slice %arg11[%add3A_731, %dma_wait3A_764] : memref<16x128xi32, #tpu.memory_space<vmem>> -> memref<1x128xi32, #tpu.memory_space<vmem>>
      %dma_wait3A_766 = tpu.memref_squeeze %dma_wait3A_765 : memref<1x128xi32, #tpu.memory_space<vmem>> -> memref<128xi32, #tpu.memory_space<vmem>>
      %dma_wait3A_767 = arith.constant 0 : i32
      %dma_wait3A_768 = arith.constant 0 : i32
      %dma_wait3A_769 = tpu.memref_slice %arg16[%dma_wait3A_767, %dma_wait3A_768] : memref<10016x64xf32, #tpu.memory_space<vmem_shared>> -> memref<10016x64xf32, #tpu.memory_space<vmem_shared>>
      tpu.wait_indirect_dma semaphore(%arg20 : memref<!tpu.dma_semaphore, #tpu.memory_space<semaphore_mem>>) src(%arg13 : memref<128x64xf32, #tpu.memory_space<vmem>>) dst(%dma_wait3A_769 : memref<10016x64xf32, #tpu.memory_space<vmem_shared>>)
      %add3A_770 = arith.constant 2 : i32
      %add3A_771 = arith.addi %mul3A_648, %add3A_770 : i32
      %add3A_772 = arith.constant 1 : i32
      %add3A_773 = arith.addi %add3A_771, %add3A_772 : i32
      %add3A_774 = arith.constant 2 : i32
      %add3A_775 = arith.addi %add3A_644, %add3A_774 : i32
      %add3A_776 = arith.constant 2 : i32
      %add3A_777 = arith.addi %mul3A_648, %add3A_776 : i32
      %dma_wait3A_778 = arith.constant 0 : i32
      %dma_wait3A_779 = tpu.memref_slice %arg10[%add3A_777, %dma_wait3A_778] : memref<16x128xi32, #tpu.memory_space<vmem>> -> memref<1x128xi32, #tpu.memory_space<vmem>>
      %dma_wait3A_780 = tpu.memref_squeeze %dma_wait3A_779 : memref<1x128xi32, #tpu.memory_space<vmem>> -> memref<128xi32, #tpu.memory_space<vmem>>
      %dma_wait3A_781 = arith.constant 0 : i32
      %dma_wait3A_782 = arith.constant 0 : i32
      %dma_wait3A_783 = tpu.memref_slice %arg15[%dma_wait3A_781, %dma_wait3A_782] : memref<10000x64xf32, #tpu.memory_space<vmem_shared>> -> memref<10000x64xf32, #tpu.memory_space<vmem_shared>>
      tpu.wait_indirect_dma semaphore(%arg18 : memref<!tpu.dma_semaphore, #tpu.memory_space<semaphore_mem>>) src(%dma_wait3A_783 : memref<10000x64xf32, #tpu.memory_space<vmem_shared>>) dst(%arg12 : memref<128x64xf32, #tpu.memory_space<vmem>>)
      %dma_start3A_784 = arith.constant 0 : i32
      %dma_start3A_785 = tpu.memref_slice %arg10[%add3A_773, %dma_start3A_784] : memref<16x128xi32, #tpu.memory_space<vmem>> -> memref<1x128xi32, #tpu.memory_space<vmem>>
      %dma_start3A_786 = tpu.memref_squeeze %dma_start3A_785 : memref<1x128xi32, #tpu.memory_space<vmem>> -> memref<128xi32, #tpu.memory_space<vmem>>
      %dma_start3A_787 = arith.constant 0 : i32
      %dma_start3A_788 = arith.constant 0 : i32
      %dma_start3A_789 = tpu.memref_slice %arg15[%dma_start3A_787, %dma_start3A_788] : memref<10000x64xf32, #tpu.memory_space<vmem_shared>> -> memref<10000x64xf32, #tpu.memory_space<vmem_shared>>
      tpu.enqueue_indirect_dma source(%dma_start3A_789 : memref<10000x64xf32, #tpu.memory_space<vmem_shared>>) target(%arg13 : memref<128x64xf32, #tpu.memory_space<vmem>>) offsets(%dma_start3A_786 : memref<128xi32, #tpu.memory_space<vmem>>) semaphore(%arg19 : memref<!tpu.dma_semaphore, #tpu.memory_space<semaphore_mem>>)
      %dma_start3A_790 = arith.constant 0 : i32
      %dma_start3A_791 = tpu.memref_slice %arg11[%add3A_777, %dma_start3A_790] : memref<16x128xi32, #tpu.memory_space<vmem>> -> memref<1x128xi32, #tpu.memory_space<vmem>>
      %dma_start3A_792 = tpu.memref_squeeze %dma_start3A_791 : memref<1x128xi32, #tpu.memory_space<vmem>> -> memref<128xi32, #tpu.memory_space<vmem>>
      %dma_start3A_793 = arith.constant 0 : i32
      %dma_start3A_794 = arith.constant 0 : i32
      %dma_start3A_795 = tpu.memref_slice %arg16[%dma_start3A_793, %dma_start3A_794] : memref<10016x64xf32, #tpu.memory_space<vmem_shared>> -> memref<10016x64xf32, #tpu.memory_space<vmem_shared>>
      tpu.enqueue_indirect_dma source(%arg12 : memref<128x64xf32, #tpu.memory_space<vmem>>) target(%dma_start3A_795 : memref<10016x64xf32, #tpu.memory_space<vmem_shared>>) offsets(%dma_start3A_792 : memref<128xi32, #tpu.memory_space<vmem>>) semaphore(%arg20 : memref<!tpu.dma_semaphore, #tpu.memory_space<semaphore_mem>>) {add = true}
      %eq3A_796 = arith.constant 0 : i32
      %eq3A_797 = arith.cmpi eq, %arg0, %eq3A_796 : i32
      %lt3A_798 = arith.constant 80 : i32
      %lt3A_799 = arith.cmpi slt, %add3A_775, %lt3A_798 : i32
      %and3A_800 = arith.andi %eq3A_797, %lt3A_799 : i1
      %eq3A_801 = arith.constant 1 : i32
      %eq3A_802 = arith.cmpi eq, %arg0, %eq3A_801 : i32
      %ge3A_803 = arith.constant 80 : i32
      %ge3A_804 = arith.cmpi sge, %add3A_775, %ge3A_803 : i32
      %and3A_805 = arith.andi %eq3A_802, %ge3A_804 : i1
      %or3A_806 = arith.ori %and3A_800, %and3A_805 : i1
      %convert_element_type3A_807 = arith.extui %or3A_806 : i1 to i32
      %cond3A_808 = arith.constant 0 : i32
      %cond3A_809 = arith.cmpi ne, %convert_element_type3A_807, %cond3A_808 : i32
      scf.if %cond3A_809 {
        "tpu.region"() ({
          %run_scoped3A = tpu.sem_alloc : memref<!tpu.dma_semaphore, #tpu.memory_space<semaphore_mem>>
          %dma_start3A_1070 = arith.constant 0 : i32
          %dma_start3A_1071 = tpu.memref_slice %arg11[%add3A_777, %dma_start3A_1070] : memref<16x128xi32, #tpu.memory_space<vmem>> -> memref<1x128xi32, #tpu.memory_space<vmem>>
          %dma_start3A_1072 = tpu.memref_squeeze %dma_start3A_1071 : memref<1x128xi32, #tpu.memory_space<vmem>> -> memref<128xi32, #tpu.memory_space<vmem>>
          %dma_start3A_1073 = arith.constant 0 : i32
          %dma_start3A_1074 = arith.constant 0 : i32
          %dma_start3A_1075 = tpu.memref_slice %arg17[%dma_start3A_1073, %dma_start3A_1074] : memref<10016x16xf32, #tpu.memory_space<vmem_shared>> -> memref<10016x16xf32, #tpu.memory_space<vmem_shared>>
          tpu.enqueue_indirect_dma source(%arg14 : memref<128x16xf32, #tpu.memory_space<vmem>>) target(%dma_start3A_1075 : memref<10016x16xf32, #tpu.memory_space<vmem_shared>>) offsets(%dma_start3A_1072 : memref<128xi32, #tpu.memory_space<vmem>>) semaphore(%run_scoped3A : memref<!tpu.dma_semaphore, #tpu.memory_space<semaphore_mem>>) {add = true}
          %dma_wait3A_1076 = arith.constant 0 : i32
          %dma_wait3A_1077 = tpu.memref_slice %arg11[%add3A_777, %dma_wait3A_1076] : memref<16x128xi32, #tpu.memory_space<vmem>> -> memref<1x128xi32, #tpu.memory_space<vmem>>
          %dma_wait3A_1078 = tpu.memref_squeeze %dma_wait3A_1077 : memref<1x128xi32, #tpu.memory_space<vmem>> -> memref<128xi32, #tpu.memory_space<vmem>>
          %dma_wait3A_1079 = arith.constant 0 : i32
          %dma_wait3A_1080 = arith.constant 0 : i32
          %dma_wait3A_1081 = tpu.memref_slice %arg17[%dma_wait3A_1079, %dma_wait3A_1080] : memref<10016x16xf32, #tpu.memory_space<vmem_shared>> -> memref<10016x16xf32, #tpu.memory_space<vmem_shared>>
          tpu.wait_indirect_dma semaphore(%run_scoped3A : memref<!tpu.dma_semaphore, #tpu.memory_space<semaphore_mem>>) src(%arg14 : memref<128x16xf32, #tpu.memory_space<vmem>>) dst(%dma_wait3A_1081 : memref<10016x16xf32, #tpu.memory_space<vmem_shared>>)
          tpu.yield
        }) : () -> ()
      } else {
      }
      %dma_wait3A_810 = arith.constant 0 : i32
      %dma_wait3A_811 = tpu.memref_slice %arg11[%add3A_777, %dma_wait3A_810] : memref<16x128xi32, #tpu.memory_space<vmem>> -> memref<1x128xi32, #tpu.memory_space<vmem>>
      %dma_wait3A_812 = tpu.memref_squeeze %dma_wait3A_811 : memref<1x128xi32, #tpu.memory_space<vmem>> -> memref<128xi32, #tpu.memory_space<vmem>>
      %dma_wait3A_813 = arith.constant 0 : i32
      %dma_wait3A_814 = arith.constant 0 : i32
      %dma_wait3A_815 = tpu.memref_slice %arg16[%dma_wait3A_813, %dma_wait3A_814] : memref<10016x64xf32, #tpu.memory_space<vmem_shared>> -> memref<10016x64xf32, #tpu.memory_space<vmem_shared>>
      tpu.wait_indirect_dma semaphore(%arg20 : memref<!tpu.dma_semaphore, #tpu.memory_space<semaphore_mem>>) src(%arg12 : memref<128x64xf32, #tpu.memory_space<vmem>>) dst(%dma_wait3A_815 : memref<10016x64xf32, #tpu.memory_space<vmem_shared>>)
      %add3A_816 = arith.constant 3 : i32
      %add3A_817 = arith.addi %mul3A_648, %add3A_816 : i32
      %add3A_818 = arith.constant 1 : i32
      %add3A_819 = arith.addi %add3A_817, %add3A_818 : i32
      %add3A_820 = arith.constant 3 : i32
      %add3A_821 = arith.addi %add3A_644, %add3A_820 : i32
      %add3A_822 = arith.constant 3 : i32
      %add3A_823 = arith.addi %mul3A_648, %add3A_822 : i32
      %dma_wait3A_824 = arith.constant 0 : i32
      %dma_wait3A_825 = tpu.memref_slice %arg10[%add3A_823, %dma_wait3A_824] : memref<16x128xi32, #tpu.memory_space<vmem>> -> memref<1x128xi32, #tpu.memory_space<vmem>>
      %dma_wait3A_826 = tpu.memref_squeeze %dma_wait3A_825 : memref<1x128xi32, #tpu.memory_space<vmem>> -> memref<128xi32, #tpu.memory_space<vmem>>
      %dma_wait3A_827 = arith.constant 0 : i32
      %dma_wait3A_828 = arith.constant 0 : i32
      %dma_wait3A_829 = tpu.memref_slice %arg15[%dma_wait3A_827, %dma_wait3A_828] : memref<10000x64xf32, #tpu.memory_space<vmem_shared>> -> memref<10000x64xf32, #tpu.memory_space<vmem_shared>>
      tpu.wait_indirect_dma semaphore(%arg19 : memref<!tpu.dma_semaphore, #tpu.memory_space<semaphore_mem>>) src(%dma_wait3A_829 : memref<10000x64xf32, #tpu.memory_space<vmem_shared>>) dst(%arg13 : memref<128x64xf32, #tpu.memory_space<vmem>>)
      %dma_start3A_830 = arith.constant 0 : i32
      %dma_start3A_831 = tpu.memref_slice %arg10[%add3A_819, %dma_start3A_830] : memref<16x128xi32, #tpu.memory_space<vmem>> -> memref<1x128xi32, #tpu.memory_space<vmem>>
      %dma_start3A_832 = tpu.memref_squeeze %dma_start3A_831 : memref<1x128xi32, #tpu.memory_space<vmem>> -> memref<128xi32, #tpu.memory_space<vmem>>
      %dma_start3A_833 = arith.constant 0 : i32
      %dma_start3A_834 = arith.constant 0 : i32
      %dma_start3A_835 = tpu.memref_slice %arg15[%dma_start3A_833, %dma_start3A_834] : memref<10000x64xf32, #tpu.memory_space<vmem_shared>> -> memref<10000x64xf32, #tpu.memory_space<vmem_shared>>
      tpu.enqueue_indirect_dma source(%dma_start3A_835 : memref<10000x64xf32, #tpu.memory_space<vmem_shared>>) target(%arg12 : memref<128x64xf32, #tpu.memory_space<vmem>>) offsets(%dma_start3A_832 : memref<128xi32, #tpu.memory_space<vmem>>) semaphore(%arg18 : memref<!tpu.dma_semaphore, #tpu.memory_space<semaphore_mem>>)
      %dma_start3A_836 = arith.constant 0 : i32
      %dma_start3A_837 = tpu.memref_slice %arg11[%add3A_823, %dma_start3A_836] : memref<16x128xi32, #tpu.memory_space<vmem>> -> memref<1x128xi32, #tpu.memory_space<vmem>>
      %dma_start3A_838 = tpu.memref_squeeze %dma_start3A_837 : memref<1x128xi32, #tpu.memory_space<vmem>> -> memref<128xi32, #tpu.memory_space<vmem>>
      %dma_start3A_839 = arith.constant 0 : i32
      %dma_start3A_840 = arith.constant 0 : i32
      %dma_start3A_841 = tpu.memref_slice %arg16[%dma_start3A_839, %dma_start3A_840] : memref<10016x64xf32, #tpu.memory_space<vmem_shared>> -> memref<10016x64xf32, #tpu.memory_space<vmem_shared>>
      tpu.enqueue_indirect_dma source(%arg13 : memref<128x64xf32, #tpu.memory_space<vmem>>) target(%dma_start3A_841 : memref<10016x64xf32, #tpu.memory_space<vmem_shared>>) offsets(%dma_start3A_838 : memref<128xi32, #tpu.memory_space<vmem>>) semaphore(%arg20 : memref<!tpu.dma_semaphore, #tpu.memory_space<semaphore_mem>>) {add = true}
      %eq3A_842 = arith.constant 0 : i32
      %eq3A_843 = arith.cmpi eq, %arg0, %eq3A_842 : i32
      %lt3A_844 = arith.constant 80 : i32
      %lt3A_845 = arith.cmpi slt, %add3A_821, %lt3A_844 : i32
      %and3A_846 = arith.andi %eq3A_843, %lt3A_845 : i1
      %eq3A_847 = arith.constant 1 : i32
      %eq3A_848 = arith.cmpi eq, %arg0, %eq3A_847 : i32
      %ge3A_849 = arith.constant 80 : i32
      %ge3A_850 = arith.cmpi sge, %add3A_821, %ge3A_849 : i32
      %and3A_851 = arith.andi %eq3A_848, %ge3A_850 : i1
      %or3A_852 = arith.ori %and3A_846, %and3A_851 : i1
      %convert_element_type3A_853 = arith.extui %or3A_852 : i1 to i32
      %cond3A_854 = arith.constant 0 : i32
      %cond3A_855 = arith.cmpi ne, %convert_element_type3A_853, %cond3A_854 : i32
      scf.if %cond3A_855 {
        "tpu.region"() ({
          %run_scoped3A = tpu.sem_alloc : memref<!tpu.dma_semaphore, #tpu.memory_space<semaphore_mem>>
          %dma_start3A_1070 = arith.constant 0 : i32
          %dma_start3A_1071 = tpu.memref_slice %arg11[%add3A_823, %dma_start3A_1070] : memref<16x128xi32, #tpu.memory_space<vmem>> -> memref<1x128xi32, #tpu.memory_space<vmem>>
          %dma_start3A_1072 = tpu.memref_squeeze %dma_start3A_1071 : memref<1x128xi32, #tpu.memory_space<vmem>> -> memref<128xi32, #tpu.memory_space<vmem>>
          %dma_start3A_1073 = arith.constant 0 : i32
          %dma_start3A_1074 = arith.constant 0 : i32
          %dma_start3A_1075 = tpu.memref_slice %arg17[%dma_start3A_1073, %dma_start3A_1074] : memref<10016x16xf32, #tpu.memory_space<vmem_shared>> -> memref<10016x16xf32, #tpu.memory_space<vmem_shared>>
          tpu.enqueue_indirect_dma source(%arg14 : memref<128x16xf32, #tpu.memory_space<vmem>>) target(%dma_start3A_1075 : memref<10016x16xf32, #tpu.memory_space<vmem_shared>>) offsets(%dma_start3A_1072 : memref<128xi32, #tpu.memory_space<vmem>>) semaphore(%run_scoped3A : memref<!tpu.dma_semaphore, #tpu.memory_space<semaphore_mem>>) {add = true}
          %dma_wait3A_1076 = arith.constant 0 : i32
          %dma_wait3A_1077 = tpu.memref_slice %arg11[%add3A_823, %dma_wait3A_1076] : memref<16x128xi32, #tpu.memory_space<vmem>> -> memref<1x128xi32, #tpu.memory_space<vmem>>
          %dma_wait3A_1078 = tpu.memref_squeeze %dma_wait3A_1077 : memref<1x128xi32, #tpu.memory_space<vmem>> -> memref<128xi32, #tpu.memory_space<vmem>>
          %dma_wait3A_1079 = arith.constant 0 : i32
          %dma_wait3A_1080 = arith.constant 0 : i32
          %dma_wait3A_1081 = tpu.memref_slice %arg17[%dma_wait3A_1079, %dma_wait3A_1080] : memref<10016x16xf32, #tpu.memory_space<vmem_shared>> -> memref<10016x16xf32, #tpu.memory_space<vmem_shared>>
          tpu.wait_indirect_dma semaphore(%run_scoped3A : memref<!tpu.dma_semaphore, #tpu.memory_space<semaphore_mem>>) src(%arg14 : memref<128x16xf32, #tpu.memory_space<vmem>>) dst(%dma_wait3A_1081 : memref<10016x16xf32, #tpu.memory_space<vmem_shared>>)
          tpu.yield
        }) : () -> ()
      } else {
      }
      %dma_wait3A_856 = arith.constant 0 : i32
      %dma_wait3A_857 = tpu.memref_slice %arg11[%add3A_823, %dma_wait3A_856] : memref<16x128xi32, #tpu.memory_space<vmem>> -> memref<1x128xi32, #tpu.memory_space<vmem>>
      %dma_wait3A_858 = tpu.memref_squeeze %dma_wait3A_857 : memref<1x128xi32, #tpu.memory_space<vmem>> -> memref<128xi32, #tpu.memory_space<vmem>>
      %dma_wait3A_859 = arith.constant 0 : i32
      %dma_wait3A_860 = arith.constant 0 : i32
      %dma_wait3A_861 = tpu.memref_slice %arg16[%dma_wait3A_859, %dma_wait3A_860] : memref<10016x64xf32, #tpu.memory_space<vmem_shared>> -> memref<10016x64xf32, #tpu.memory_space<vmem_shared>>
      tpu.wait_indirect_dma semaphore(%arg20 : memref<!tpu.dma_semaphore, #tpu.memory_space<semaphore_mem>>) src(%arg13 : memref<128x64xf32, #tpu.memory_space<vmem>>) dst(%dma_wait3A_861 : memref<10016x64xf32, #tpu.memory_space<vmem_shared>>)
      %add3A_862 = arith.constant 4 : i32
      %add3A_863 = arith.addi %mul3A_648, %add3A_862 : i32
      %add3A_864 = arith.constant 1 : i32
      %add3A_865 = arith.addi %add3A_863, %add3A_864 : i32
      %add3A_866 = arith.constant 4 : i32
      %add3A_867 = arith.addi %add3A_644, %add3A_866 : i32
      %add3A_868 = arith.constant 4 : i32
      %add3A_869 = arith.addi %mul3A_648, %add3A_868 : i32
      %dma_wait3A_870 = arith.constant 0 : i32
      %dma_wait3A_871 = tpu.memref_slice %arg10[%add3A_869, %dma_wait3A_870] : memref<16x128xi32, #tpu.memory_space<vmem>> -> memref<1x128xi32, #tpu.memory_space<vmem>>
      %dma_wait3A_872 = tpu.memref_squeeze %dma_wait3A_871 : memref<1x128xi32, #tpu.memory_space<vmem>> -> memref<128xi32, #tpu.memory_space<vmem>>
      %dma_wait3A_873 = arith.constant 0 : i32
      %dma_wait3A_874 = arith.constant 0 : i32
      %dma_wait3A_875 = tpu.memref_slice %arg15[%dma_wait3A_873, %dma_wait3A_874] : memref<10000x64xf32, #tpu.memory_space<vmem_shared>> -> memref<10000x64xf32, #tpu.memory_space<vmem_shared>>
      tpu.wait_indirect_dma semaphore(%arg18 : memref<!tpu.dma_semaphore, #tpu.memory_space<semaphore_mem>>) src(%dma_wait3A_875 : memref<10000x64xf32, #tpu.memory_space<vmem_shared>>) dst(%arg12 : memref<128x64xf32, #tpu.memory_space<vmem>>)
      %dma_start3A_876 = arith.constant 0 : i32
      %dma_start3A_877 = tpu.memref_slice %arg10[%add3A_865, %dma_start3A_876] : memref<16x128xi32, #tpu.memory_space<vmem>> -> memref<1x128xi32, #tpu.memory_space<vmem>>
      %dma_start3A_878 = tpu.memref_squeeze %dma_start3A_877 : memref<1x128xi32, #tpu.memory_space<vmem>> -> memref<128xi32, #tpu.memory_space<vmem>>
      %dma_start3A_879 = arith.constant 0 : i32
      %dma_start3A_880 = arith.constant 0 : i32
      %dma_start3A_881 = tpu.memref_slice %arg15[%dma_start3A_879, %dma_start3A_880] : memref<10000x64xf32, #tpu.memory_space<vmem_shared>> -> memref<10000x64xf32, #tpu.memory_space<vmem_shared>>
      tpu.enqueue_indirect_dma source(%dma_start3A_881 : memref<10000x64xf32, #tpu.memory_space<vmem_shared>>) target(%arg13 : memref<128x64xf32, #tpu.memory_space<vmem>>) offsets(%dma_start3A_878 : memref<128xi32, #tpu.memory_space<vmem>>) semaphore(%arg19 : memref<!tpu.dma_semaphore, #tpu.memory_space<semaphore_mem>>)
      %dma_start3A_882 = arith.constant 0 : i32
      %dma_start3A_883 = tpu.memref_slice %arg11[%add3A_869, %dma_start3A_882] : memref<16x128xi32, #tpu.memory_space<vmem>> -> memref<1x128xi32, #tpu.memory_space<vmem>>
      %dma_start3A_884 = tpu.memref_squeeze %dma_start3A_883 : memref<1x128xi32, #tpu.memory_space<vmem>> -> memref<128xi32, #tpu.memory_space<vmem>>
      %dma_start3A_885 = arith.constant 0 : i32
      %dma_start3A_886 = arith.constant 0 : i32
      %dma_start3A_887 = tpu.memref_slice %arg16[%dma_start3A_885, %dma_start3A_886] : memref<10016x64xf32, #tpu.memory_space<vmem_shared>> -> memref<10016x64xf32, #tpu.memory_space<vmem_shared>>
      tpu.enqueue_indirect_dma source(%arg12 : memref<128x64xf32, #tpu.memory_space<vmem>>) target(%dma_start3A_887 : memref<10016x64xf32, #tpu.memory_space<vmem_shared>>) offsets(%dma_start3A_884 : memref<128xi32, #tpu.memory_space<vmem>>) semaphore(%arg20 : memref<!tpu.dma_semaphore, #tpu.memory_space<semaphore_mem>>) {add = true}
      %eq3A_888 = arith.constant 0 : i32
      %eq3A_889 = arith.cmpi eq, %arg0, %eq3A_888 : i32
      %lt3A_890 = arith.constant 80 : i32
      %lt3A_891 = arith.cmpi slt, %add3A_867, %lt3A_890 : i32
      %and3A_892 = arith.andi %eq3A_889, %lt3A_891 : i1
      %eq3A_893 = arith.constant 1 : i32
      %eq3A_894 = arith.cmpi eq, %arg0, %eq3A_893 : i32
      %ge3A_895 = arith.constant 80 : i32
      %ge3A_896 = arith.cmpi sge, %add3A_867, %ge3A_895 : i32
      %and3A_897 = arith.andi %eq3A_894, %ge3A_896 : i1
      %or3A_898 = arith.ori %and3A_892, %and3A_897 : i1
      %convert_element_type3A_899 = arith.extui %or3A_898 : i1 to i32
      %cond3A_900 = arith.constant 0 : i32
      %cond3A_901 = arith.cmpi ne, %convert_element_type3A_899, %cond3A_900 : i32
      scf.if %cond3A_901 {
        "tpu.region"() ({
          %run_scoped3A = tpu.sem_alloc : memref<!tpu.dma_semaphore, #tpu.memory_space<semaphore_mem>>
          %dma_start3A_1070 = arith.constant 0 : i32
          %dma_start3A_1071 = tpu.memref_slice %arg11[%add3A_869, %dma_start3A_1070] : memref<16x128xi32, #tpu.memory_space<vmem>> -> memref<1x128xi32, #tpu.memory_space<vmem>>
          %dma_start3A_1072 = tpu.memref_squeeze %dma_start3A_1071 : memref<1x128xi32, #tpu.memory_space<vmem>> -> memref<128xi32, #tpu.memory_space<vmem>>
          %dma_start3A_1073 = arith.constant 0 : i32
          %dma_start3A_1074 = arith.constant 0 : i32
          %dma_start3A_1075 = tpu.memref_slice %arg17[%dma_start3A_1073, %dma_start3A_1074] : memref<10016x16xf32, #tpu.memory_space<vmem_shared>> -> memref<10016x16xf32, #tpu.memory_space<vmem_shared>>
          tpu.enqueue_indirect_dma source(%arg14 : memref<128x16xf32, #tpu.memory_space<vmem>>) target(%dma_start3A_1075 : memref<10016x16xf32, #tpu.memory_space<vmem_shared>>) offsets(%dma_start3A_1072 : memref<128xi32, #tpu.memory_space<vmem>>) semaphore(%run_scoped3A : memref<!tpu.dma_semaphore, #tpu.memory_space<semaphore_mem>>) {add = true}
          %dma_wait3A_1076 = arith.constant 0 : i32
          %dma_wait3A_1077 = tpu.memref_slice %arg11[%add3A_869, %dma_wait3A_1076] : memref<16x128xi32, #tpu.memory_space<vmem>> -> memref<1x128xi32, #tpu.memory_space<vmem>>
          %dma_wait3A_1078 = tpu.memref_squeeze %dma_wait3A_1077 : memref<1x128xi32, #tpu.memory_space<vmem>> -> memref<128xi32, #tpu.memory_space<vmem>>
          %dma_wait3A_1079 = arith.constant 0 : i32
          %dma_wait3A_1080 = arith.constant 0 : i32
          %dma_wait3A_1081 = tpu.memref_slice %arg17[%dma_wait3A_1079, %dma_wait3A_1080] : memref<10016x16xf32, #tpu.memory_space<vmem_shared>> -> memref<10016x16xf32, #tpu.memory_space<vmem_shared>>
          tpu.wait_indirect_dma semaphore(%run_scoped3A : memref<!tpu.dma_semaphore, #tpu.memory_space<semaphore_mem>>) src(%arg14 : memref<128x16xf32, #tpu.memory_space<vmem>>) dst(%dma_wait3A_1081 : memref<10016x16xf32, #tpu.memory_space<vmem_shared>>)
          tpu.yield
        }) : () -> ()
      } else {
      }
      %dma_wait3A_902 = arith.constant 0 : i32
      %dma_wait3A_903 = tpu.memref_slice %arg11[%add3A_869, %dma_wait3A_902] : memref<16x128xi32, #tpu.memory_space<vmem>> -> memref<1x128xi32, #tpu.memory_space<vmem>>
      %dma_wait3A_904 = tpu.memref_squeeze %dma_wait3A_903 : memref<1x128xi32, #tpu.memory_space<vmem>> -> memref<128xi32, #tpu.memory_space<vmem>>
      %dma_wait3A_905 = arith.constant 0 : i32
      %dma_wait3A_906 = arith.constant 0 : i32
      %dma_wait3A_907 = tpu.memref_slice %arg16[%dma_wait3A_905, %dma_wait3A_906] : memref<10016x64xf32, #tpu.memory_space<vmem_shared>> -> memref<10016x64xf32, #tpu.memory_space<vmem_shared>>
      tpu.wait_indirect_dma semaphore(%arg20 : memref<!tpu.dma_semaphore, #tpu.memory_space<semaphore_mem>>) src(%arg12 : memref<128x64xf32, #tpu.memory_space<vmem>>) dst(%dma_wait3A_907 : memref<10016x64xf32, #tpu.memory_space<vmem_shared>>)
      %add3A_908 = arith.constant 5 : i32
      %add3A_909 = arith.addi %mul3A_648, %add3A_908 : i32
      %add3A_910 = arith.constant 1 : i32
      %add3A_911 = arith.addi %add3A_909, %add3A_910 : i32
      %add3A_912 = arith.constant 5 : i32
      %add3A_913 = arith.addi %add3A_644, %add3A_912 : i32
      %add3A_914 = arith.constant 5 : i32
      %add3A_915 = arith.addi %mul3A_648, %add3A_914 : i32
      %dma_wait3A_916 = arith.constant 0 : i32
      %dma_wait3A_917 = tpu.memref_slice %arg10[%add3A_915, %dma_wait3A_916] : memref<16x128xi32, #tpu.memory_space<vmem>> -> memref<1x128xi32, #tpu.memory_space<vmem>>
      %dma_wait3A_918 = tpu.memref_squeeze %dma_wait3A_917 : memref<1x128xi32, #tpu.memory_space<vmem>> -> memref<128xi32, #tpu.memory_space<vmem>>
      %dma_wait3A_919 = arith.constant 0 : i32
      %dma_wait3A_920 = arith.constant 0 : i32
      %dma_wait3A_921 = tpu.memref_slice %arg15[%dma_wait3A_919, %dma_wait3A_920] : memref<10000x64xf32, #tpu.memory_space<vmem_shared>> -> memref<10000x64xf32, #tpu.memory_space<vmem_shared>>
      tpu.wait_indirect_dma semaphore(%arg19 : memref<!tpu.dma_semaphore, #tpu.memory_space<semaphore_mem>>) src(%dma_wait3A_921 : memref<10000x64xf32, #tpu.memory_space<vmem_shared>>) dst(%arg13 : memref<128x64xf32, #tpu.memory_space<vmem>>)
      %dma_start3A_922 = arith.constant 0 : i32
      %dma_start3A_923 = tpu.memref_slice %arg10[%add3A_911, %dma_start3A_922] : memref<16x128xi32, #tpu.memory_space<vmem>> -> memref<1x128xi32, #tpu.memory_space<vmem>>
      %dma_start3A_924 = tpu.memref_squeeze %dma_start3A_923 : memref<1x128xi32, #tpu.memory_space<vmem>> -> memref<128xi32, #tpu.memory_space<vmem>>
      %dma_start3A_925 = arith.constant 0 : i32
      %dma_start3A_926 = arith.constant 0 : i32
      %dma_start3A_927 = tpu.memref_slice %arg15[%dma_start3A_925, %dma_start3A_926] : memref<10000x64xf32, #tpu.memory_space<vmem_shared>> -> memref<10000x64xf32, #tpu.memory_space<vmem_shared>>
      tpu.enqueue_indirect_dma source(%dma_start3A_927 : memref<10000x64xf32, #tpu.memory_space<vmem_shared>>) target(%arg12 : memref<128x64xf32, #tpu.memory_space<vmem>>) offsets(%dma_start3A_924 : memref<128xi32, #tpu.memory_space<vmem>>) semaphore(%arg18 : memref<!tpu.dma_semaphore, #tpu.memory_space<semaphore_mem>>)
      %dma_start3A_928 = arith.constant 0 : i32
      %dma_start3A_929 = tpu.memref_slice %arg11[%add3A_915, %dma_start3A_928] : memref<16x128xi32, #tpu.memory_space<vmem>> -> memref<1x128xi32, #tpu.memory_space<vmem>>
      %dma_start3A_930 = tpu.memref_squeeze %dma_start3A_929 : memref<1x128xi32, #tpu.memory_space<vmem>> -> memref<128xi32, #tpu.memory_space<vmem>>
      %dma_start3A_931 = arith.constant 0 : i32
      %dma_start3A_932 = arith.constant 0 : i32
      %dma_start3A_933 = tpu.memref_slice %arg16[%dma_start3A_931, %dma_start3A_932] : memref<10016x64xf32, #tpu.memory_space<vmem_shared>> -> memref<10016x64xf32, #tpu.memory_space<vmem_shared>>
      tpu.enqueue_indirect_dma source(%arg13 : memref<128x64xf32, #tpu.memory_space<vmem>>) target(%dma_start3A_933 : memref<10016x64xf32, #tpu.memory_space<vmem_shared>>) offsets(%dma_start3A_930 : memref<128xi32, #tpu.memory_space<vmem>>) semaphore(%arg20 : memref<!tpu.dma_semaphore, #tpu.memory_space<semaphore_mem>>) {add = true}
      %eq3A_934 = arith.constant 0 : i32
      %eq3A_935 = arith.cmpi eq, %arg0, %eq3A_934 : i32
      %lt3A_936 = arith.constant 80 : i32
      %lt3A_937 = arith.cmpi slt, %add3A_913, %lt3A_936 : i32
      %and3A_938 = arith.andi %eq3A_935, %lt3A_937 : i1
      %eq3A_939 = arith.constant 1 : i32
      %eq3A_940 = arith.cmpi eq, %arg0, %eq3A_939 : i32
      %ge3A_941 = arith.constant 80 : i32
      %ge3A_942 = arith.cmpi sge, %add3A_913, %ge3A_941 : i32
      %and3A_943 = arith.andi %eq3A_940, %ge3A_942 : i1
      %or3A_944 = arith.ori %and3A_938, %and3A_943 : i1
      %convert_element_type3A_945 = arith.extui %or3A_944 : i1 to i32
      %cond3A_946 = arith.constant 0 : i32
      %cond3A_947 = arith.cmpi ne, %convert_element_type3A_945, %cond3A_946 : i32
      scf.if %cond3A_947 {
        "tpu.region"() ({
          %run_scoped3A = tpu.sem_alloc : memref<!tpu.dma_semaphore, #tpu.memory_space<semaphore_mem>>
          %dma_start3A_1070 = arith.constant 0 : i32
          %dma_start3A_1071 = tpu.memref_slice %arg11[%add3A_915, %dma_start3A_1070] : memref<16x128xi32, #tpu.memory_space<vmem>> -> memref<1x128xi32, #tpu.memory_space<vmem>>
          %dma_start3A_1072 = tpu.memref_squeeze %dma_start3A_1071 : memref<1x128xi32, #tpu.memory_space<vmem>> -> memref<128xi32, #tpu.memory_space<vmem>>
          %dma_start3A_1073 = arith.constant 0 : i32
          %dma_start3A_1074 = arith.constant 0 : i32
          %dma_start3A_1075 = tpu.memref_slice %arg17[%dma_start3A_1073, %dma_start3A_1074] : memref<10016x16xf32, #tpu.memory_space<vmem_shared>> -> memref<10016x16xf32, #tpu.memory_space<vmem_shared>>
          tpu.enqueue_indirect_dma source(%arg14 : memref<128x16xf32, #tpu.memory_space<vmem>>) target(%dma_start3A_1075 : memref<10016x16xf32, #tpu.memory_space<vmem_shared>>) offsets(%dma_start3A_1072 : memref<128xi32, #tpu.memory_space<vmem>>) semaphore(%run_scoped3A : memref<!tpu.dma_semaphore, #tpu.memory_space<semaphore_mem>>) {add = true}
          %dma_wait3A_1076 = arith.constant 0 : i32
          %dma_wait3A_1077 = tpu.memref_slice %arg11[%add3A_915, %dma_wait3A_1076] : memref<16x128xi32, #tpu.memory_space<vmem>> -> memref<1x128xi32, #tpu.memory_space<vmem>>
          %dma_wait3A_1078 = tpu.memref_squeeze %dma_wait3A_1077 : memref<1x128xi32, #tpu.memory_space<vmem>> -> memref<128xi32, #tpu.memory_space<vmem>>
          %dma_wait3A_1079 = arith.constant 0 : i32
          %dma_wait3A_1080 = arith.constant 0 : i32
          %dma_wait3A_1081 = tpu.memref_slice %arg17[%dma_wait3A_1079, %dma_wait3A_1080] : memref<10016x16xf32, #tpu.memory_space<vmem_shared>> -> memref<10016x16xf32, #tpu.memory_space<vmem_shared>>
          tpu.wait_indirect_dma semaphore(%run_scoped3A : memref<!tpu.dma_semaphore, #tpu.memory_space<semaphore_mem>>) src(%arg14 : memref<128x16xf32, #tpu.memory_space<vmem>>) dst(%dma_wait3A_1081 : memref<10016x16xf32, #tpu.memory_space<vmem_shared>>)
          tpu.yield
        }) : () -> ()
      } else {
      }
      %dma_wait3A_948 = arith.constant 0 : i32
      %dma_wait3A_949 = tpu.memref_slice %arg11[%add3A_915, %dma_wait3A_948] : memref<16x128xi32, #tpu.memory_space<vmem>> -> memref<1x128xi32, #tpu.memory_space<vmem>>
      %dma_wait3A_950 = tpu.memref_squeeze %dma_wait3A_949 : memref<1x128xi32, #tpu.memory_space<vmem>> -> memref<128xi32, #tpu.memory_space<vmem>>
      %dma_wait3A_951 = arith.constant 0 : i32
      %dma_wait3A_952 = arith.constant 0 : i32
      %dma_wait3A_953 = tpu.memref_slice %arg16[%dma_wait3A_951, %dma_wait3A_952] : memref<10016x64xf32, #tpu.memory_space<vmem_shared>> -> memref<10016x64xf32, #tpu.memory_space<vmem_shared>>
      tpu.wait_indirect_dma semaphore(%arg20 : memref<!tpu.dma_semaphore, #tpu.memory_space<semaphore_mem>>) src(%arg13 : memref<128x64xf32, #tpu.memory_space<vmem>>) dst(%dma_wait3A_953 : memref<10016x64xf32, #tpu.memory_space<vmem_shared>>)
      %add3A_954 = arith.constant 6 : i32
      %add3A_955 = arith.addi %mul3A_648, %add3A_954 : i32
      %add3A_956 = arith.constant 1 : i32
      %add3A_957 = arith.addi %add3A_955, %add3A_956 : i32
      %add3A_958 = arith.constant 6 : i32
      %add3A_959 = arith.addi %add3A_644, %add3A_958 : i32
      %add3A_960 = arith.constant 6 : i32
      %add3A_961 = arith.addi %mul3A_648, %add3A_960 : i32
      %dma_wait3A_962 = arith.constant 0 : i32
      %dma_wait3A_963 = tpu.memref_slice %arg10[%add3A_961, %dma_wait3A_962] : memref<16x128xi32, #tpu.memory_space<vmem>> -> memref<1x128xi32, #tpu.memory_space<vmem>>
      %dma_wait3A_964 = tpu.memref_squeeze %dma_wait3A_963 : memref<1x128xi32, #tpu.memory_space<vmem>> -> memref<128xi32, #tpu.memory_space<vmem>>
      %dma_wait3A_965 = arith.constant 0 : i32
      %dma_wait3A_966 = arith.constant 0 : i32
      %dma_wait3A_967 = tpu.memref_slice %arg15[%dma_wait3A_965, %dma_wait3A_966] : memref<10000x64xf32, #tpu.memory_space<vmem_shared>> -> memref<10000x64xf32, #tpu.memory_space<vmem_shared>>
      tpu.wait_indirect_dma semaphore(%arg18 : memref<!tpu.dma_semaphore, #tpu.memory_space<semaphore_mem>>) src(%dma_wait3A_967 : memref<10000x64xf32, #tpu.memory_space<vmem_shared>>) dst(%arg12 : memref<128x64xf32, #tpu.memory_space<vmem>>)
      %dma_start3A_968 = arith.constant 0 : i32
      %dma_start3A_969 = tpu.memref_slice %arg10[%add3A_957, %dma_start3A_968] : memref<16x128xi32, #tpu.memory_space<vmem>> -> memref<1x128xi32, #tpu.memory_space<vmem>>
      %dma_start3A_970 = tpu.memref_squeeze %dma_start3A_969 : memref<1x128xi32, #tpu.memory_space<vmem>> -> memref<128xi32, #tpu.memory_space<vmem>>
      %dma_start3A_971 = arith.constant 0 : i32
      %dma_start3A_972 = arith.constant 0 : i32
      %dma_start3A_973 = tpu.memref_slice %arg15[%dma_start3A_971, %dma_start3A_972] : memref<10000x64xf32, #tpu.memory_space<vmem_shared>> -> memref<10000x64xf32, #tpu.memory_space<vmem_shared>>
      tpu.enqueue_indirect_dma source(%dma_start3A_973 : memref<10000x64xf32, #tpu.memory_space<vmem_shared>>) target(%arg13 : memref<128x64xf32, #tpu.memory_space<vmem>>) offsets(%dma_start3A_970 : memref<128xi32, #tpu.memory_space<vmem>>) semaphore(%arg19 : memref<!tpu.dma_semaphore, #tpu.memory_space<semaphore_mem>>)
      %dma_start3A_974 = arith.constant 0 : i32
      %dma_start3A_975 = tpu.memref_slice %arg11[%add3A_961, %dma_start3A_974] : memref<16x128xi32, #tpu.memory_space<vmem>> -> memref<1x128xi32, #tpu.memory_space<vmem>>
      %dma_start3A_976 = tpu.memref_squeeze %dma_start3A_975 : memref<1x128xi32, #tpu.memory_space<vmem>> -> memref<128xi32, #tpu.memory_space<vmem>>
      %dma_start3A_977 = arith.constant 0 : i32
      %dma_start3A_978 = arith.constant 0 : i32
      %dma_start3A_979 = tpu.memref_slice %arg16[%dma_start3A_977, %dma_start3A_978] : memref<10016x64xf32, #tpu.memory_space<vmem_shared>> -> memref<10016x64xf32, #tpu.memory_space<vmem_shared>>
      tpu.enqueue_indirect_dma source(%arg12 : memref<128x64xf32, #tpu.memory_space<vmem>>) target(%dma_start3A_979 : memref<10016x64xf32, #tpu.memory_space<vmem_shared>>) offsets(%dma_start3A_976 : memref<128xi32, #tpu.memory_space<vmem>>) semaphore(%arg20 : memref<!tpu.dma_semaphore, #tpu.memory_space<semaphore_mem>>) {add = true}
      %eq3A_980 = arith.constant 0 : i32
      %eq3A_981 = arith.cmpi eq, %arg0, %eq3A_980 : i32
      %lt3A_982 = arith.constant 80 : i32
      %lt3A_983 = arith.cmpi slt, %add3A_959, %lt3A_982 : i32
      %and3A_984 = arith.andi %eq3A_981, %lt3A_983 : i1
      %eq3A_985 = arith.constant 1 : i32
      %eq3A_986 = arith.cmpi eq, %arg0, %eq3A_985 : i32
      %ge3A_987 = arith.constant 80 : i32
      %ge3A_988 = arith.cmpi sge, %add3A_959, %ge3A_987 : i32
      %and3A_989 = arith.andi %eq3A_986, %ge3A_988 : i1
      %or3A_990 = arith.ori %and3A_984, %and3A_989 : i1
      %convert_element_type3A_991 = arith.extui %or3A_990 : i1 to i32
      %cond3A_992 = arith.constant 0 : i32
      %cond3A_993 = arith.cmpi ne, %convert_element_type3A_991, %cond3A_992 : i32
      scf.if %cond3A_993 {
        "tpu.region"() ({
          %run_scoped3A = tpu.sem_alloc : memref<!tpu.dma_semaphore, #tpu.memory_space<semaphore_mem>>
          %dma_start3A_1070 = arith.constant 0 : i32
          %dma_start3A_1071 = tpu.memref_slice %arg11[%add3A_961, %dma_start3A_1070] : memref<16x128xi32, #tpu.memory_space<vmem>> -> memref<1x128xi32, #tpu.memory_space<vmem>>
          %dma_start3A_1072 = tpu.memref_squeeze %dma_start3A_1071 : memref<1x128xi32, #tpu.memory_space<vmem>> -> memref<128xi32, #tpu.memory_space<vmem>>
          %dma_start3A_1073 = arith.constant 0 : i32
          %dma_start3A_1074 = arith.constant 0 : i32
          %dma_start3A_1075 = tpu.memref_slice %arg17[%dma_start3A_1073, %dma_start3A_1074] : memref<10016x16xf32, #tpu.memory_space<vmem_shared>> -> memref<10016x16xf32, #tpu.memory_space<vmem_shared>>
          tpu.enqueue_indirect_dma source(%arg14 : memref<128x16xf32, #tpu.memory_space<vmem>>) target(%dma_start3A_1075 : memref<10016x16xf32, #tpu.memory_space<vmem_shared>>) offsets(%dma_start3A_1072 : memref<128xi32, #tpu.memory_space<vmem>>) semaphore(%run_scoped3A : memref<!tpu.dma_semaphore, #tpu.memory_space<semaphore_mem>>) {add = true}
          %dma_wait3A_1076 = arith.constant 0 : i32
          %dma_wait3A_1077 = tpu.memref_slice %arg11[%add3A_961, %dma_wait3A_1076] : memref<16x128xi32, #tpu.memory_space<vmem>> -> memref<1x128xi32, #tpu.memory_space<vmem>>
          %dma_wait3A_1078 = tpu.memref_squeeze %dma_wait3A_1077 : memref<1x128xi32, #tpu.memory_space<vmem>> -> memref<128xi32, #tpu.memory_space<vmem>>
          %dma_wait3A_1079 = arith.constant 0 : i32
          %dma_wait3A_1080 = arith.constant 0 : i32
          %dma_wait3A_1081 = tpu.memref_slice %arg17[%dma_wait3A_1079, %dma_wait3A_1080] : memref<10016x16xf32, #tpu.memory_space<vmem_shared>> -> memref<10016x16xf32, #tpu.memory_space<vmem_shared>>
          tpu.wait_indirect_dma semaphore(%run_scoped3A : memref<!tpu.dma_semaphore, #tpu.memory_space<semaphore_mem>>) src(%arg14 : memref<128x16xf32, #tpu.memory_space<vmem>>) dst(%dma_wait3A_1081 : memref<10016x16xf32, #tpu.memory_space<vmem_shared>>)
          tpu.yield
        }) : () -> ()
      } else {
      }
      %dma_wait3A_994 = arith.constant 0 : i32
      %dma_wait3A_995 = tpu.memref_slice %arg11[%add3A_961, %dma_wait3A_994] : memref<16x128xi32, #tpu.memory_space<vmem>> -> memref<1x128xi32, #tpu.memory_space<vmem>>
      %dma_wait3A_996 = tpu.memref_squeeze %dma_wait3A_995 : memref<1x128xi32, #tpu.memory_space<vmem>> -> memref<128xi32, #tpu.memory_space<vmem>>
      %dma_wait3A_997 = arith.constant 0 : i32
      %dma_wait3A_998 = arith.constant 0 : i32
      %dma_wait3A_999 = tpu.memref_slice %arg16[%dma_wait3A_997, %dma_wait3A_998] : memref<10016x64xf32, #tpu.memory_space<vmem_shared>> -> memref<10016x64xf32, #tpu.memory_space<vmem_shared>>
      tpu.wait_indirect_dma semaphore(%arg20 : memref<!tpu.dma_semaphore, #tpu.memory_space<semaphore_mem>>) src(%arg12 : memref<128x64xf32, #tpu.memory_space<vmem>>) dst(%dma_wait3A_999 : memref<10016x64xf32, #tpu.memory_space<vmem_shared>>)
      %add3A_1000 = arith.constant 8 : i32
      %add3A_1001 = arith.addi %add3A_644, %add3A_1000 : i32
      %sub3A_1002 = arith.constant 1 : i32
      %sub3A_1003 = arith.subi %sub3A_1002, %rem3A_646 : i32
      %mul3A_1004 = arith.constant 8 : i32
      %mul3A_1005 = arith.muli %sub3A_1003, %mul3A_1004 : i32
      %dma_wait3A_1006 = arith.constant 0 : i32
      %dma_wait3A_1007 = tpu.memref_slice %arg10[%mul3A_1005, %dma_wait3A_1006] : memref<16x128xi32, #tpu.memory_space<vmem>> -> memref<8x128xi32, #tpu.memory_space<vmem>>
      %dma_wait3A_1008 = arith.constant 0 : i32
      %dma_wait3A_1009 = tpu.memref_slice %arg3[%arg1, %add3A_1001, %dma_wait3A_1008] : memref<16x160x128xi32, #tpu.memory_space<hbm>> -> memref<1x8x128xi32, #tpu.memory_space<hbm>>
      %dma_wait3A_1010 = tpu.memref_squeeze %dma_wait3A_1009 : memref<1x8x128xi32, #tpu.memory_space<hbm>> -> memref<8x128xi32, #tpu.memory_space<hbm>>
      %dma_wait3A_1011 = arith.constant 0 : i32
      %dma_wait3A_1012 = tpu.memref_slice %arg10[%mul3A_1005, %dma_wait3A_1011] : memref<16x128xi32, #tpu.memory_space<vmem>> -> memref<8x128xi32, #tpu.memory_space<vmem>>
      %dma_wait3A_1013 = arith.constant 0 : i32
      %dma_wait3A_1014 = tpu.memref_slice %arg3[%arg1, %add3A_1001, %dma_wait3A_1013] : memref<16x160x128xi32, #tpu.memory_space<hbm>> -> memref<1x8x128xi32, #tpu.memory_space<hbm>>
      %dma_wait3A_1015 = tpu.memref_squeeze %dma_wait3A_1014 : memref<1x8x128xi32, #tpu.memory_space<hbm>> -> memref<8x128xi32, #tpu.memory_space<hbm>>
      tpu.wait_dma2 semaphore(%arg21 : memref<!tpu.dma_semaphore, #tpu.memory_space<semaphore_mem>>) src(%dma_wait3A_1015 : memref<8x128xi32, #tpu.memory_space<hbm>>) dst(%dma_wait3A_1012 : memref<8x128xi32, #tpu.memory_space<vmem>>)
      %mul3A_1016 = arith.constant 8 : i32
      %mul3A_1017 = arith.muli %sub3A_1003, %mul3A_1016 : i32
      %dma_wait3A_1018 = arith.constant 0 : i32
      %dma_wait3A_1019 = tpu.memref_slice %arg11[%mul3A_1017, %dma_wait3A_1018] : memref<16x128xi32, #tpu.memory_space<vmem>> -> memref<8x128xi32, #tpu.memory_space<vmem>>
      %dma_wait3A_1020 = arith.constant 0 : i32
      %dma_wait3A_1021 = tpu.memref_slice %arg4[%arg1, %add3A_1001, %dma_wait3A_1020] : memref<16x160x128xi32, #tpu.memory_space<hbm>> -> memref<1x8x128xi32, #tpu.memory_space<hbm>>
      %dma_wait3A_1022 = tpu.memref_squeeze %dma_wait3A_1021 : memref<1x8x128xi32, #tpu.memory_space<hbm>> -> memref<8x128xi32, #tpu.memory_space<hbm>>
      %dma_wait3A_1023 = arith.constant 0 : i32
      %dma_wait3A_1024 = tpu.memref_slice %arg11[%mul3A_1017, %dma_wait3A_1023] : memref<16x128xi32, #tpu.memory_space<vmem>> -> memref<8x128xi32, #tpu.memory_space<vmem>>
      %dma_wait3A_1025 = arith.constant 0 : i32
      %dma_wait3A_1026 = tpu.memref_slice %arg4[%arg1, %add3A_1001, %dma_wait3A_1025] : memref<16x160x128xi32, #tpu.memory_space<hbm>> -> memref<1x8x128xi32, #tpu.memory_space<hbm>>
      %dma_wait3A_1027 = tpu.memref_squeeze %dma_wait3A_1026 : memref<1x8x128xi32, #tpu.memory_space<hbm>> -> memref<8x128xi32, #tpu.memory_space<hbm>>
      tpu.wait_dma2 semaphore(%arg21 : memref<!tpu.dma_semaphore, #tpu.memory_space<semaphore_mem>>) src(%dma_wait3A_1027 : memref<8x128xi32, #tpu.memory_space<hbm>>) dst(%dma_wait3A_1024 : memref<8x128xi32, #tpu.memory_space<vmem>>)
      %add3A_1028 = arith.constant 7 : i32
      %add3A_1029 = arith.addi %add3A_644, %add3A_1028 : i32
      %add3A_1030 = arith.constant 7 : i32
      %add3A_1031 = arith.addi %mul3A_648, %add3A_1030 : i32
      %dma_wait3A_1032 = arith.constant 0 : i32
      %dma_wait3A_1033 = tpu.memref_slice %arg10[%add3A_1031, %dma_wait3A_1032] : memref<16x128xi32, #tpu.memory_space<vmem>> -> memref<1x128xi32, #tpu.memory_space<vmem>>
      %dma_wait3A_1034 = tpu.memref_squeeze %dma_wait3A_1033 : memref<1x128xi32, #tpu.memory_space<vmem>> -> memref<128xi32, #tpu.memory_space<vmem>>
      %dma_wait3A_1035 = arith.constant 0 : i32
      %dma_wait3A_1036 = arith.constant 0 : i32
      %dma_wait3A_1037 = tpu.memref_slice %arg15[%dma_wait3A_1035, %dma_wait3A_1036] : memref<10000x64xf32, #tpu.memory_space<vmem_shared>> -> memref<10000x64xf32, #tpu.memory_space<vmem_shared>>
      tpu.wait_indirect_dma semaphore(%arg19 : memref<!tpu.dma_semaphore, #tpu.memory_space<semaphore_mem>>) src(%dma_wait3A_1037 : memref<10000x64xf32, #tpu.memory_space<vmem_shared>>) dst(%arg13 : memref<128x64xf32, #tpu.memory_space<vmem>>)
      %dma_start3A_1038 = arith.constant 0 : i32
      %dma_start3A_1039 = tpu.memref_slice %arg10[%mul3A_651, %dma_start3A_1038] : memref<16x128xi32, #tpu.memory_space<vmem>> -> memref<1x128xi32, #tpu.memory_space<vmem>>
      %dma_start3A_1040 = tpu.memref_squeeze %dma_start3A_1039 : memref<1x128xi32, #tpu.memory_space<vmem>> -> memref<128xi32, #tpu.memory_space<vmem>>
      %dma_start3A_1041 = arith.constant 0 : i32
      %dma_start3A_1042 = arith.constant 0 : i32
      %dma_start3A_1043 = tpu.memref_slice %arg15[%dma_start3A_1041, %dma_start3A_1042] : memref<10000x64xf32, #tpu.memory_space<vmem_shared>> -> memref<10000x64xf32, #tpu.memory_space<vmem_shared>>
      tpu.enqueue_indirect_dma source(%dma_start3A_1043 : memref<10000x64xf32, #tpu.memory_space<vmem_shared>>) target(%arg12 : memref<128x64xf32, #tpu.memory_space<vmem>>) offsets(%dma_start3A_1040 : memref<128xi32, #tpu.memory_space<vmem>>) semaphore(%arg18 : memref<!tpu.dma_semaphore, #tpu.memory_space<semaphore_mem>>)
      %dma_start3A_1044 = arith.constant 0 : i32
      %dma_start3A_1045 = tpu.memref_slice %arg11[%add3A_1031, %dma_start3A_1044] : memref<16x128xi32, #tpu.memory_space<vmem>> -> memref<1x128xi32, #tpu.memory_space<vmem>>
      %dma_start3A_1046 = tpu.memref_squeeze %dma_start3A_1045 : memref<1x128xi32, #tpu.memory_space<vmem>> -> memref<128xi32, #tpu.memory_space<vmem>>
      %dma_start3A_1047 = arith.constant 0 : i32
      %dma_start3A_1048 = arith.constant 0 : i32
      %dma_start3A_1049 = tpu.memref_slice %arg16[%dma_start3A_1047, %dma_start3A_1048] : memref<10016x64xf32, #tpu.memory_space<vmem_shared>> -> memref<10016x64xf32, #tpu.memory_space<vmem_shared>>
      tpu.enqueue_indirect_dma source(%arg13 : memref<128x64xf32, #tpu.memory_space<vmem>>) target(%dma_start3A_1049 : memref<10016x64xf32, #tpu.memory_space<vmem_shared>>) offsets(%dma_start3A_1046 : memref<128xi32, #tpu.memory_space<vmem>>) semaphore(%arg20 : memref<!tpu.dma_semaphore, #tpu.memory_space<semaphore_mem>>) {add = true}
      %eq3A_1050 = arith.constant 0 : i32
      %eq3A_1051 = arith.cmpi eq, %arg0, %eq3A_1050 : i32
      %lt3A_1052 = arith.constant 80 : i32
      %lt3A_1053 = arith.cmpi slt, %add3A_1029, %lt3A_1052 : i32
      %and3A_1054 = arith.andi %eq3A_1051, %lt3A_1053 : i1
      %eq3A_1055 = arith.constant 1 : i32
      %eq3A_1056 = arith.cmpi eq, %arg0, %eq3A_1055 : i32
      %ge3A_1057 = arith.constant 80 : i32
      %ge3A_1058 = arith.cmpi sge, %add3A_1029, %ge3A_1057 : i32
      %and3A_1059 = arith.andi %eq3A_1056, %ge3A_1058 : i1
      %or3A_1060 = arith.ori %and3A_1054, %and3A_1059 : i1
      %convert_element_type3A_1061 = arith.extui %or3A_1060 : i1 to i32
      %cond3A_1062 = arith.constant 0 : i32
      %cond3A_1063 = arith.cmpi ne, %convert_element_type3A_1061, %cond3A_1062 : i32
      scf.if %cond3A_1063 {
        "tpu.region"() ({
          %run_scoped3A = tpu.sem_alloc : memref<!tpu.dma_semaphore, #tpu.memory_space<semaphore_mem>>
          %dma_start3A_1070 = arith.constant 0 : i32
          %dma_start3A_1071 = tpu.memref_slice %arg11[%add3A_1031, %dma_start3A_1070] : memref<16x128xi32, #tpu.memory_space<vmem>> -> memref<1x128xi32, #tpu.memory_space<vmem>>
          %dma_start3A_1072 = tpu.memref_squeeze %dma_start3A_1071 : memref<1x128xi32, #tpu.memory_space<vmem>> -> memref<128xi32, #tpu.memory_space<vmem>>
          %dma_start3A_1073 = arith.constant 0 : i32
          %dma_start3A_1074 = arith.constant 0 : i32
          %dma_start3A_1075 = tpu.memref_slice %arg17[%dma_start3A_1073, %dma_start3A_1074] : memref<10016x16xf32, #tpu.memory_space<vmem_shared>> -> memref<10016x16xf32, #tpu.memory_space<vmem_shared>>
          tpu.enqueue_indirect_dma source(%arg14 : memref<128x16xf32, #tpu.memory_space<vmem>>) target(%dma_start3A_1075 : memref<10016x16xf32, #tpu.memory_space<vmem_shared>>) offsets(%dma_start3A_1072 : memref<128xi32, #tpu.memory_space<vmem>>) semaphore(%run_scoped3A : memref<!tpu.dma_semaphore, #tpu.memory_space<semaphore_mem>>) {add = true}
          %dma_wait3A_1076 = arith.constant 0 : i32
          %dma_wait3A_1077 = tpu.memref_slice %arg11[%add3A_1031, %dma_wait3A_1076] : memref<16x128xi32, #tpu.memory_space<vmem>> -> memref<1x128xi32, #tpu.memory_space<vmem>>
          %dma_wait3A_1078 = tpu.memref_squeeze %dma_wait3A_1077 : memref<1x128xi32, #tpu.memory_space<vmem>> -> memref<128xi32, #tpu.memory_space<vmem>>
          %dma_wait3A_1079 = arith.constant 0 : i32
          %dma_wait3A_1080 = arith.constant 0 : i32
          %dma_wait3A_1081 = tpu.memref_slice %arg17[%dma_wait3A_1079, %dma_wait3A_1080] : memref<10016x16xf32, #tpu.memory_space<vmem_shared>> -> memref<10016x16xf32, #tpu.memory_space<vmem_shared>>
          tpu.wait_indirect_dma semaphore(%run_scoped3A : memref<!tpu.dma_semaphore, #tpu.memory_space<semaphore_mem>>) src(%arg14 : memref<128x16xf32, #tpu.memory_space<vmem>>) dst(%dma_wait3A_1081 : memref<10016x16xf32, #tpu.memory_space<vmem_shared>>)
          tpu.yield
        }) : () -> ()
      } else {
      }
      %dma_wait3A_1064 = arith.constant 0 : i32
      %dma_wait3A_1065 = tpu.memref_slice %arg11[%add3A_1031, %dma_wait3A_1064] : memref<16x128xi32, #tpu.memory_space<vmem>> -> memref<1x128xi32, #tpu.memory_space<vmem>>
      %dma_wait3A_1066 = tpu.memref_squeeze %dma_wait3A_1065 : memref<1x128xi32, #tpu.memory_space<vmem>> -> memref<128xi32, #tpu.memory_space<vmem>>
      %dma_wait3A_1067 = arith.constant 0 : i32
      %dma_wait3A_1068 = arith.constant 0 : i32
      %dma_wait3A_1069 = tpu.memref_slice %arg16[%dma_wait3A_1067, %dma_wait3A_1068] : memref<10016x64xf32, #tpu.memory_space<vmem_shared>> -> memref<10016x64xf32, #tpu.memory_space<vmem_shared>>
      tpu.wait_indirect_dma semaphore(%arg20 : memref<!tpu.dma_semaphore, #tpu.memory_space<semaphore_mem>>) src(%arg13 : memref<128x64xf32, #tpu.memory_space<vmem>>) dst(%dma_wait3A_1069 : memref<10016x64xf32, #tpu.memory_space<vmem_shared>>)
    }
    %scan3A_326 = arith.constant 18 : i32
    %dma_wait3A_327 = arith.constant 8 : i32
    %dma_wait3A_328 = arith.constant 0 : i32
    %dma_wait3A_329 = tpu.memref_slice %arg10[%dma_wait3A_327, %dma_wait3A_328] : memref<16x128xi32, #tpu.memory_space<vmem>> -> memref<1x128xi32, #tpu.memory_space<vmem>>
    %dma_wait3A_330 = tpu.memref_squeeze %dma_wait3A_329 : memref<1x128xi32, #tpu.memory_space<vmem>> -> memref<128xi32, #tpu.memory_space<vmem>>
    %dma_wait3A_331 = arith.constant 0 : i32
    %dma_wait3A_332 = arith.constant 0 : i32
    %dma_wait3A_333 = tpu.memref_slice %arg15[%dma_wait3A_331, %dma_wait3A_332] : memref<10000x64xf32, #tpu.memory_space<vmem_shared>> -> memref<10000x64xf32, #tpu.memory_space<vmem_shared>>
    tpu.wait_indirect_dma semaphore(%arg18 : memref<!tpu.dma_semaphore, #tpu.memory_space<semaphore_mem>>) src(%dma_wait3A_333 : memref<10000x64xf32, #tpu.memory_space<vmem_shared>>) dst(%arg12 : memref<128x64xf32, #tpu.memory_space<vmem>>)
    %dma_start3A_334 = arith.constant 9 : i32
    %dma_start3A_335 = arith.constant 0 : i32
    %dma_start3A_336 = tpu.memref_slice %arg10[%dma_start3A_334, %dma_start3A_335] : memref<16x128xi32, #tpu.memory_space<vmem>> -> memref<1x128xi32, #tpu.memory_space<vmem>>
    %dma_start3A_337 = tpu.memref_squeeze %dma_start3A_336 : memref<1x128xi32, #tpu.memory_space<vmem>> -> memref<128xi32, #tpu.memory_space<vmem>>
    %dma_start3A_338 = arith.constant 0 : i32
    %dma_start3A_339 = arith.constant 0 : i32
    %dma_start3A_340 = tpu.memref_slice %arg15[%dma_start3A_338, %dma_start3A_339] : memref<10000x64xf32, #tpu.memory_space<vmem_shared>> -> memref<10000x64xf32, #tpu.memory_space<vmem_shared>>
    tpu.enqueue_indirect_dma source(%dma_start3A_340 : memref<10000x64xf32, #tpu.memory_space<vmem_shared>>) target(%arg13 : memref<128x64xf32, #tpu.memory_space<vmem>>) offsets(%dma_start3A_337 : memref<128xi32, #tpu.memory_space<vmem>>) semaphore(%arg19 : memref<!tpu.dma_semaphore, #tpu.memory_space<semaphore_mem>>)
    %dma_start3A_341 = arith.constant 8 : i32
    %dma_start3A_342 = arith.constant 0 : i32
    %dma_start3A_343 = tpu.memref_slice %arg11[%dma_start3A_341, %dma_start3A_342] : memref<16x128xi32, #tpu.memory_space<vmem>> -> memref<1x128xi32, #tpu.memory_space<vmem>>
    %dma_start3A_344 = tpu.memref_squeeze %dma_start3A_343 : memref<1x128xi32, #tpu.memory_space<vmem>> -> memref<128xi32, #tpu.memory_space<vmem>>
    %dma_start3A_345 = arith.constant 0 : i32
    %dma_start3A_346 = arith.constant 0 : i32
    %dma_start3A_347 = tpu.memref_slice %arg16[%dma_start3A_345, %dma_start3A_346] : memref<10016x64xf32, #tpu.memory_space<vmem_shared>> -> memref<10016x64xf32, #tpu.memory_space<vmem_shared>>
    tpu.enqueue_indirect_dma source(%arg12 : memref<128x64xf32, #tpu.memory_space<vmem>>) target(%dma_start3A_347 : memref<10016x64xf32, #tpu.memory_space<vmem_shared>>) offsets(%dma_start3A_344 : memref<128xi32, #tpu.memory_space<vmem>>) semaphore(%arg20 : memref<!tpu.dma_semaphore, #tpu.memory_space<semaphore_mem>>) {add = true}
    %eq3A_348 = arith.constant 0 : i32
    %eq3A_349 = arith.cmpi eq, %arg0, %eq3A_348 : i32
    %and3A_350 = arith.constant false
    %and3A_351 = arith.andi %eq3A_349, %and3A_350 : i1
    %eq3A_352 = arith.constant 1 : i32
    %eq3A_353 = arith.cmpi eq, %arg0, %eq3A_352 : i32
    %and3A_354 = arith.constant true
    %and3A_355 = arith.andi %eq3A_353, %and3A_354 : i1
    %or3A_356 = arith.ori %and3A_351, %and3A_355 : i1
    %convert_element_type3A_357 = arith.extui %or3A_356 : i1 to i32
    %cond3A_358 = arith.constant 0 : i32
    %cond3A_359 = arith.cmpi ne, %convert_element_type3A_357, %cond3A_358 : i32
    scf.if %cond3A_359 {
      %run_scoped3A = arith.constant 8 : i32
      "tpu.region"() ({
        %run_scoped3A_641 = tpu.sem_alloc : memref<!tpu.dma_semaphore, #tpu.memory_space<semaphore_mem>>
        %dma_start3A_642 = arith.constant 0 : i32
        %dma_start3A_643 = tpu.memref_slice %arg11[%run_scoped3A, %dma_start3A_642] : memref<16x128xi32, #tpu.memory_space<vmem>> -> memref<1x128xi32, #tpu.memory_space<vmem>>
        %dma_start3A_644 = tpu.memref_squeeze %dma_start3A_643 : memref<1x128xi32, #tpu.memory_space<vmem>> -> memref<128xi32, #tpu.memory_space<vmem>>
        %dma_start3A_645 = arith.constant 0 : i32
        %dma_start3A_646 = arith.constant 0 : i32
        %dma_start3A_647 = tpu.memref_slice %arg17[%dma_start3A_645, %dma_start3A_646] : memref<10016x16xf32, #tpu.memory_space<vmem_shared>> -> memref<10016x16xf32, #tpu.memory_space<vmem_shared>>
        tpu.enqueue_indirect_dma source(%arg14 : memref<128x16xf32, #tpu.memory_space<vmem>>) target(%dma_start3A_647 : memref<10016x16xf32, #tpu.memory_space<vmem_shared>>) offsets(%dma_start3A_644 : memref<128xi32, #tpu.memory_space<vmem>>) semaphore(%run_scoped3A_641 : memref<!tpu.dma_semaphore, #tpu.memory_space<semaphore_mem>>) {add = true}
        %dma_wait3A_648 = arith.constant 0 : i32
        %dma_wait3A_649 = tpu.memref_slice %arg11[%run_scoped3A, %dma_wait3A_648] : memref<16x128xi32, #tpu.memory_space<vmem>> -> memref<1x128xi32, #tpu.memory_space<vmem>>
        %dma_wait3A_650 = tpu.memref_squeeze %dma_wait3A_649 : memref<1x128xi32, #tpu.memory_space<vmem>> -> memref<128xi32, #tpu.memory_space<vmem>>
        %dma_wait3A_651 = arith.constant 0 : i32
        %dma_wait3A_652 = arith.constant 0 : i32
        %dma_wait3A_653 = tpu.memref_slice %arg17[%dma_wait3A_651, %dma_wait3A_652] : memref<10016x16xf32, #tpu.memory_space<vmem_shared>> -> memref<10016x16xf32, #tpu.memory_space<vmem_shared>>
        tpu.wait_indirect_dma semaphore(%run_scoped3A_641 : memref<!tpu.dma_semaphore, #tpu.memory_space<semaphore_mem>>) src(%arg14 : memref<128x16xf32, #tpu.memory_space<vmem>>) dst(%dma_wait3A_653 : memref<10016x16xf32, #tpu.memory_space<vmem_shared>>)
        tpu.yield
      }) : () -> ()
    } else {
    }
    %dma_wait3A_360 = arith.constant 8 : i32
    %dma_wait3A_361 = arith.constant 0 : i32
    %dma_wait3A_362 = tpu.memref_slice %arg11[%dma_wait3A_360, %dma_wait3A_361] : memref<16x128xi32, #tpu.memory_space<vmem>> -> memref<1x128xi32, #tpu.memory_space<vmem>>
    %dma_wait3A_363 = tpu.memref_squeeze %dma_wait3A_362 : memref<1x128xi32, #tpu.memory_space<vmem>> -> memref<128xi32, #tpu.memory_space<vmem>>
    %dma_wait3A_364 = arith.constant 0 : i32
    %dma_wait3A_365 = arith.constant 0 : i32
    %dma_wait3A_366 = tpu.memref_slice %arg16[%dma_wait3A_364, %dma_wait3A_365] : memref<10016x64xf32, #tpu.memory_space<vmem_shared>> -> memref<10016x64xf32, #tpu.memory_space<vmem_shared>>
    tpu.wait_indirect_dma semaphore(%arg20 : memref<!tpu.dma_semaphore, #tpu.memory_space<semaphore_mem>>) src(%arg12 : memref<128x64xf32, #tpu.memory_space<vmem>>) dst(%dma_wait3A_366 : memref<10016x64xf32, #tpu.memory_space<vmem_shared>>)
    %dma_wait3A_367 = arith.constant 9 : i32
    %dma_wait3A_368 = arith.constant 0 : i32
    %dma_wait3A_369 = tpu.memref_slice %arg10[%dma_wait3A_367, %dma_wait3A_368] : memref<16x128xi32, #tpu.memory_space<vmem>> -> memref<1x128xi32, #tpu.memory_space<vmem>>
    %dma_wait3A_370 = tpu.memref_squeeze %dma_wait3A_369 : memref<1x128xi32, #tpu.memory_space<vmem>> -> memref<128xi32, #tpu.memory_space<vmem>>
    %dma_wait3A_371 = arith.constant 0 : i32
    %dma_wait3A_372 = arith.constant 0 : i32
    %dma_wait3A_373 = tpu.memref_slice %arg15[%dma_wait3A_371, %dma_wait3A_372] : memref<10000x64xf32, #tpu.memory_space<vmem_shared>> -> memref<10000x64xf32, #tpu.memory_space<vmem_shared>>
    tpu.wait_indirect_dma semaphore(%arg19 : memref<!tpu.dma_semaphore, #tpu.memory_space<semaphore_mem>>) src(%dma_wait3A_373 : memref<10000x64xf32, #tpu.memory_space<vmem_shared>>) dst(%arg13 : memref<128x64xf32, #tpu.memory_space<vmem>>)
    %dma_start3A_374 = arith.constant 10 : i32
    %dma_start3A_375 = arith.constant 0 : i32
    %dma_start3A_376 = tpu.memref_slice %arg10[%dma_start3A_374, %dma_start3A_375] : memref<16x128xi32, #tpu.memory_space<vmem>> -> memref<1x128xi32, #tpu.memory_space<vmem>>
    %dma_start3A_377 = tpu.memref_squeeze %dma_start3A_376 : memref<1x128xi32, #tpu.memory_space<vmem>> -> memref<128xi32, #tpu.memory_space<vmem>>
    %dma_start3A_378 = arith.constant 0 : i32
    %dma_start3A_379 = arith.constant 0 : i32
    %dma_start3A_380 = tpu.memref_slice %arg15[%dma_start3A_378, %dma_start3A_379] : memref<10000x64xf32, #tpu.memory_space<vmem_shared>> -> memref<10000x64xf32, #tpu.memory_space<vmem_shared>>
    tpu.enqueue_indirect_dma source(%dma_start3A_380 : memref<10000x64xf32, #tpu.memory_space<vmem_shared>>) target(%arg12 : memref<128x64xf32, #tpu.memory_space<vmem>>) offsets(%dma_start3A_377 : memref<128xi32, #tpu.memory_space<vmem>>) semaphore(%arg18 : memref<!tpu.dma_semaphore, #tpu.memory_space<semaphore_mem>>)
    %dma_start3A_381 = arith.constant 9 : i32
    %dma_start3A_382 = arith.constant 0 : i32
    %dma_start3A_383 = tpu.memref_slice %arg11[%dma_start3A_381, %dma_start3A_382] : memref<16x128xi32, #tpu.memory_space<vmem>> -> memref<1x128xi32, #tpu.memory_space<vmem>>
    %dma_start3A_384 = tpu.memref_squeeze %dma_start3A_383 : memref<1x128xi32, #tpu.memory_space<vmem>> -> memref<128xi32, #tpu.memory_space<vmem>>
    %dma_start3A_385 = arith.constant 0 : i32
    %dma_start3A_386 = arith.constant 0 : i32
    %dma_start3A_387 = tpu.memref_slice %arg16[%dma_start3A_385, %dma_start3A_386] : memref<10016x64xf32, #tpu.memory_space<vmem_shared>> -> memref<10016x64xf32, #tpu.memory_space<vmem_shared>>
    tpu.enqueue_indirect_dma source(%arg13 : memref<128x64xf32, #tpu.memory_space<vmem>>) target(%dma_start3A_387 : memref<10016x64xf32, #tpu.memory_space<vmem_shared>>) offsets(%dma_start3A_384 : memref<128xi32, #tpu.memory_space<vmem>>) semaphore(%arg20 : memref<!tpu.dma_semaphore, #tpu.memory_space<semaphore_mem>>) {add = true}
    %eq3A_388 = arith.constant 0 : i32
    %eq3A_389 = arith.cmpi eq, %arg0, %eq3A_388 : i32
    %and3A_390 = arith.constant false
    %and3A_391 = arith.andi %eq3A_389, %and3A_390 : i1
    %eq3A_392 = arith.constant 1 : i32
    %eq3A_393 = arith.cmpi eq, %arg0, %eq3A_392 : i32
    %and3A_394 = arith.constant true
    %and3A_395 = arith.andi %eq3A_393, %and3A_394 : i1
    %or3A_396 = arith.ori %and3A_391, %and3A_395 : i1
    %convert_element_type3A_397 = arith.extui %or3A_396 : i1 to i32
    %cond3A_398 = arith.constant 0 : i32
    %cond3A_399 = arith.cmpi ne, %convert_element_type3A_397, %cond3A_398 : i32
    scf.if %cond3A_399 {
      %run_scoped3A = arith.constant 9 : i32
      "tpu.region"() ({
        %run_scoped3A_641 = tpu.sem_alloc : memref<!tpu.dma_semaphore, #tpu.memory_space<semaphore_mem>>
        %dma_start3A_642 = arith.constant 0 : i32
        %dma_start3A_643 = tpu.memref_slice %arg11[%run_scoped3A, %dma_start3A_642] : memref<16x128xi32, #tpu.memory_space<vmem>> -> memref<1x128xi32, #tpu.memory_space<vmem>>
        %dma_start3A_644 = tpu.memref_squeeze %dma_start3A_643 : memref<1x128xi32, #tpu.memory_space<vmem>> -> memref<128xi32, #tpu.memory_space<vmem>>
        %dma_start3A_645 = arith.constant 0 : i32
        %dma_start3A_646 = arith.constant 0 : i32
        %dma_start3A_647 = tpu.memref_slice %arg17[%dma_start3A_645, %dma_start3A_646] : memref<10016x16xf32, #tpu.memory_space<vmem_shared>> -> memref<10016x16xf32, #tpu.memory_space<vmem_shared>>
        tpu.enqueue_indirect_dma source(%arg14 : memref<128x16xf32, #tpu.memory_space<vmem>>) target(%dma_start3A_647 : memref<10016x16xf32, #tpu.memory_space<vmem_shared>>) offsets(%dma_start3A_644 : memref<128xi32, #tpu.memory_space<vmem>>) semaphore(%run_scoped3A_641 : memref<!tpu.dma_semaphore, #tpu.memory_space<semaphore_mem>>) {add = true}
        %dma_wait3A_648 = arith.constant 0 : i32
        %dma_wait3A_649 = tpu.memref_slice %arg11[%run_scoped3A, %dma_wait3A_648] : memref<16x128xi32, #tpu.memory_space<vmem>> -> memref<1x128xi32, #tpu.memory_space<vmem>>
        %dma_wait3A_650 = tpu.memref_squeeze %dma_wait3A_649 : memref<1x128xi32, #tpu.memory_space<vmem>> -> memref<128xi32, #tpu.memory_space<vmem>>
        %dma_wait3A_651 = arith.constant 0 : i32
        %dma_wait3A_652 = arith.constant 0 : i32
        %dma_wait3A_653 = tpu.memref_slice %arg17[%dma_wait3A_651, %dma_wait3A_652] : memref<10016x16xf32, #tpu.memory_space<vmem_shared>> -> memref<10016x16xf32, #tpu.memory_space<vmem_shared>>
        tpu.wait_indirect_dma semaphore(%run_scoped3A_641 : memref<!tpu.dma_semaphore, #tpu.memory_space<semaphore_mem>>) src(%arg14 : memref<128x16xf32, #tpu.memory_space<vmem>>) dst(%dma_wait3A_653 : memref<10016x16xf32, #tpu.memory_space<vmem_shared>>)
        tpu.yield
      }) : () -> ()
    } else {
    }
    %dma_wait3A_400 = arith.constant 9 : i32
    %dma_wait3A_401 = arith.constant 0 : i32
    %dma_wait3A_402 = tpu.memref_slice %arg11[%dma_wait3A_400, %dma_wait3A_401] : memref<16x128xi32, #tpu.memory_space<vmem>> -> memref<1x128xi32, #tpu.memory_space<vmem>>
    %dma_wait3A_403 = tpu.memref_squeeze %dma_wait3A_402 : memref<1x128xi32, #tpu.memory_space<vmem>> -> memref<128xi32, #tpu.memory_space<vmem>>
    %dma_wait3A_404 = arith.constant 0 : i32
    %dma_wait3A_405 = arith.constant 0 : i32
    %dma_wait3A_406 = tpu.memref_slice %arg16[%dma_wait3A_404, %dma_wait3A_405] : memref<10016x64xf32, #tpu.memory_space<vmem_shared>> -> memref<10016x64xf32, #tpu.memory_space<vmem_shared>>
    tpu.wait_indirect_dma semaphore(%arg20 : memref<!tpu.dma_semaphore, #tpu.memory_space<semaphore_mem>>) src(%arg13 : memref<128x64xf32, #tpu.memory_space<vmem>>) dst(%dma_wait3A_406 : memref<10016x64xf32, #tpu.memory_space<vmem_shared>>)
    %dma_wait3A_407 = arith.constant 10 : i32
    %dma_wait3A_408 = arith.constant 0 : i32
    %dma_wait3A_409 = tpu.memref_slice %arg10[%dma_wait3A_407, %dma_wait3A_408] : memref<16x128xi32, #tpu.memory_space<vmem>> -> memref<1x128xi32, #tpu.memory_space<vmem>>
    %dma_wait3A_410 = tpu.memref_squeeze %dma_wait3A_409 : memref<1x128xi32, #tpu.memory_space<vmem>> -> memref<128xi32, #tpu.memory_space<vmem>>
    %dma_wait3A_411 = arith.constant 0 : i32
    %dma_wait3A_412 = arith.constant 0 : i32
    %dma_wait3A_413 = tpu.memref_slice %arg15[%dma_wait3A_411, %dma_wait3A_412] : memref<10000x64xf32, #tpu.memory_space<vmem_shared>> -> memref<10000x64xf32, #tpu.memory_space<vmem_shared>>
    tpu.wait_indirect_dma semaphore(%arg18 : memref<!tpu.dma_semaphore, #tpu.memory_space<semaphore_mem>>) src(%dma_wait3A_413 : memref<10000x64xf32, #tpu.memory_space<vmem_shared>>) dst(%arg12 : memref<128x64xf32, #tpu.memory_space<vmem>>)
    %dma_start3A_414 = arith.constant 11 : i32
    %dma_start3A_415 = arith.constant 0 : i32
    %dma_start3A_416 = tpu.memref_slice %arg10[%dma_start3A_414, %dma_start3A_415] : memref<16x128xi32, #tpu.memory_space<vmem>> -> memref<1x128xi32, #tpu.memory_space<vmem>>
    %dma_start3A_417 = tpu.memref_squeeze %dma_start3A_416 : memref<1x128xi32, #tpu.memory_space<vmem>> -> memref<128xi32, #tpu.memory_space<vmem>>
    %dma_start3A_418 = arith.constant 0 : i32
    %dma_start3A_419 = arith.constant 0 : i32
    %dma_start3A_420 = tpu.memref_slice %arg15[%dma_start3A_418, %dma_start3A_419] : memref<10000x64xf32, #tpu.memory_space<vmem_shared>> -> memref<10000x64xf32, #tpu.memory_space<vmem_shared>>
    tpu.enqueue_indirect_dma source(%dma_start3A_420 : memref<10000x64xf32, #tpu.memory_space<vmem_shared>>) target(%arg13 : memref<128x64xf32, #tpu.memory_space<vmem>>) offsets(%dma_start3A_417 : memref<128xi32, #tpu.memory_space<vmem>>) semaphore(%arg19 : memref<!tpu.dma_semaphore, #tpu.memory_space<semaphore_mem>>)
    %dma_start3A_421 = arith.constant 10 : i32
    %dma_start3A_422 = arith.constant 0 : i32
    %dma_start3A_423 = tpu.memref_slice %arg11[%dma_start3A_421, %dma_start3A_422] : memref<16x128xi32, #tpu.memory_space<vmem>> -> memref<1x128xi32, #tpu.memory_space<vmem>>
    %dma_start3A_424 = tpu.memref_squeeze %dma_start3A_423 : memref<1x128xi32, #tpu.memory_space<vmem>> -> memref<128xi32, #tpu.memory_space<vmem>>
    %dma_start3A_425 = arith.constant 0 : i32
    %dma_start3A_426 = arith.constant 0 : i32
    %dma_start3A_427 = tpu.memref_slice %arg16[%dma_start3A_425, %dma_start3A_426] : memref<10016x64xf32, #tpu.memory_space<vmem_shared>> -> memref<10016x64xf32, #tpu.memory_space<vmem_shared>>
    tpu.enqueue_indirect_dma source(%arg12 : memref<128x64xf32, #tpu.memory_space<vmem>>) target(%dma_start3A_427 : memref<10016x64xf32, #tpu.memory_space<vmem_shared>>) offsets(%dma_start3A_424 : memref<128xi32, #tpu.memory_space<vmem>>) semaphore(%arg20 : memref<!tpu.dma_semaphore, #tpu.memory_space<semaphore_mem>>) {add = true}
    %eq3A_428 = arith.constant 0 : i32
    %eq3A_429 = arith.cmpi eq, %arg0, %eq3A_428 : i32
    %and3A_430 = arith.constant false
    %and3A_431 = arith.andi %eq3A_429, %and3A_430 : i1
    %eq3A_432 = arith.constant 1 : i32
    %eq3A_433 = arith.cmpi eq, %arg0, %eq3A_432 : i32
    %and3A_434 = arith.constant true
    %and3A_435 = arith.andi %eq3A_433, %and3A_434 : i1
    %or3A_436 = arith.ori %and3A_431, %and3A_435 : i1
    %convert_element_type3A_437 = arith.extui %or3A_436 : i1 to i32
    %cond3A_438 = arith.constant 0 : i32
    %cond3A_439 = arith.cmpi ne, %convert_element_type3A_437, %cond3A_438 : i32
    scf.if %cond3A_439 {
      %run_scoped3A = arith.constant 10 : i32
      "tpu.region"() ({
        %run_scoped3A_641 = tpu.sem_alloc : memref<!tpu.dma_semaphore, #tpu.memory_space<semaphore_mem>>
        %dma_start3A_642 = arith.constant 0 : i32
        %dma_start3A_643 = tpu.memref_slice %arg11[%run_scoped3A, %dma_start3A_642] : memref<16x128xi32, #tpu.memory_space<vmem>> -> memref<1x128xi32, #tpu.memory_space<vmem>>
        %dma_start3A_644 = tpu.memref_squeeze %dma_start3A_643 : memref<1x128xi32, #tpu.memory_space<vmem>> -> memref<128xi32, #tpu.memory_space<vmem>>
        %dma_start3A_645 = arith.constant 0 : i32
        %dma_start3A_646 = arith.constant 0 : i32
        %dma_start3A_647 = tpu.memref_slice %arg17[%dma_start3A_645, %dma_start3A_646] : memref<10016x16xf32, #tpu.memory_space<vmem_shared>> -> memref<10016x16xf32, #tpu.memory_space<vmem_shared>>
        tpu.enqueue_indirect_dma source(%arg14 : memref<128x16xf32, #tpu.memory_space<vmem>>) target(%dma_start3A_647 : memref<10016x16xf32, #tpu.memory_space<vmem_shared>>) offsets(%dma_start3A_644 : memref<128xi32, #tpu.memory_space<vmem>>) semaphore(%run_scoped3A_641 : memref<!tpu.dma_semaphore, #tpu.memory_space<semaphore_mem>>) {add = true}
        %dma_wait3A_648 = arith.constant 0 : i32
        %dma_wait3A_649 = tpu.memref_slice %arg11[%run_scoped3A, %dma_wait3A_648] : memref<16x128xi32, #tpu.memory_space<vmem>> -> memref<1x128xi32, #tpu.memory_space<vmem>>
        %dma_wait3A_650 = tpu.memref_squeeze %dma_wait3A_649 : memref<1x128xi32, #tpu.memory_space<vmem>> -> memref<128xi32, #tpu.memory_space<vmem>>
        %dma_wait3A_651 = arith.constant 0 : i32
        %dma_wait3A_652 = arith.constant 0 : i32
        %dma_wait3A_653 = tpu.memref_slice %arg17[%dma_wait3A_651, %dma_wait3A_652] : memref<10016x16xf32, #tpu.memory_space<vmem_shared>> -> memref<10016x16xf32, #tpu.memory_space<vmem_shared>>
        tpu.wait_indirect_dma semaphore(%run_scoped3A_641 : memref<!tpu.dma_semaphore, #tpu.memory_space<semaphore_mem>>) src(%arg14 : memref<128x16xf32, #tpu.memory_space<vmem>>) dst(%dma_wait3A_653 : memref<10016x16xf32, #tpu.memory_space<vmem_shared>>)
        tpu.yield
      }) : () -> ()
    } else {
    }
    %dma_wait3A_440 = arith.constant 10 : i32
    %dma_wait3A_441 = arith.constant 0 : i32
    %dma_wait3A_442 = tpu.memref_slice %arg11[%dma_wait3A_440, %dma_wait3A_441] : memref<16x128xi32, #tpu.memory_space<vmem>> -> memref<1x128xi32, #tpu.memory_space<vmem>>
    %dma_wait3A_443 = tpu.memref_squeeze %dma_wait3A_442 : memref<1x128xi32, #tpu.memory_space<vmem>> -> memref<128xi32, #tpu.memory_space<vmem>>
    %dma_wait3A_444 = arith.constant 0 : i32
    %dma_wait3A_445 = arith.constant 0 : i32
    %dma_wait3A_446 = tpu.memref_slice %arg16[%dma_wait3A_444, %dma_wait3A_445] : memref<10016x64xf32, #tpu.memory_space<vmem_shared>> -> memref<10016x64xf32, #tpu.memory_space<vmem_shared>>
    tpu.wait_indirect_dma semaphore(%arg20 : memref<!tpu.dma_semaphore, #tpu.memory_space<semaphore_mem>>) src(%arg12 : memref<128x64xf32, #tpu.memory_space<vmem>>) dst(%dma_wait3A_446 : memref<10016x64xf32, #tpu.memory_space<vmem_shared>>)
    %dma_wait3A_447 = arith.constant 11 : i32
    %dma_wait3A_448 = arith.constant 0 : i32
    %dma_wait3A_449 = tpu.memref_slice %arg10[%dma_wait3A_447, %dma_wait3A_448] : memref<16x128xi32, #tpu.memory_space<vmem>> -> memref<1x128xi32, #tpu.memory_space<vmem>>
    %dma_wait3A_450 = tpu.memref_squeeze %dma_wait3A_449 : memref<1x128xi32, #tpu.memory_space<vmem>> -> memref<128xi32, #tpu.memory_space<vmem>>
    %dma_wait3A_451 = arith.constant 0 : i32
    %dma_wait3A_452 = arith.constant 0 : i32
    %dma_wait3A_453 = tpu.memref_slice %arg15[%dma_wait3A_451, %dma_wait3A_452] : memref<10000x64xf32, #tpu.memory_space<vmem_shared>> -> memref<10000x64xf32, #tpu.memory_space<vmem_shared>>
    tpu.wait_indirect_dma semaphore(%arg19 : memref<!tpu.dma_semaphore, #tpu.memory_space<semaphore_mem>>) src(%dma_wait3A_453 : memref<10000x64xf32, #tpu.memory_space<vmem_shared>>) dst(%arg13 : memref<128x64xf32, #tpu.memory_space<vmem>>)
    %dma_start3A_454 = arith.constant 12 : i32
    %dma_start3A_455 = arith.constant 0 : i32
    %dma_start3A_456 = tpu.memref_slice %arg10[%dma_start3A_454, %dma_start3A_455] : memref<16x128xi32, #tpu.memory_space<vmem>> -> memref<1x128xi32, #tpu.memory_space<vmem>>
    %dma_start3A_457 = tpu.memref_squeeze %dma_start3A_456 : memref<1x128xi32, #tpu.memory_space<vmem>> -> memref<128xi32, #tpu.memory_space<vmem>>
    %dma_start3A_458 = arith.constant 0 : i32
    %dma_start3A_459 = arith.constant 0 : i32
    %dma_start3A_460 = tpu.memref_slice %arg15[%dma_start3A_458, %dma_start3A_459] : memref<10000x64xf32, #tpu.memory_space<vmem_shared>> -> memref<10000x64xf32, #tpu.memory_space<vmem_shared>>
    tpu.enqueue_indirect_dma source(%dma_start3A_460 : memref<10000x64xf32, #tpu.memory_space<vmem_shared>>) target(%arg12 : memref<128x64xf32, #tpu.memory_space<vmem>>) offsets(%dma_start3A_457 : memref<128xi32, #tpu.memory_space<vmem>>) semaphore(%arg18 : memref<!tpu.dma_semaphore, #tpu.memory_space<semaphore_mem>>)
    %dma_start3A_461 = arith.constant 11 : i32
    %dma_start3A_462 = arith.constant 0 : i32
    %dma_start3A_463 = tpu.memref_slice %arg11[%dma_start3A_461, %dma_start3A_462] : memref<16x128xi32, #tpu.memory_space<vmem>> -> memref<1x128xi32, #tpu.memory_space<vmem>>
    %dma_start3A_464 = tpu.memref_squeeze %dma_start3A_463 : memref<1x128xi32, #tpu.memory_space<vmem>> -> memref<128xi32, #tpu.memory_space<vmem>>
    %dma_start3A_465 = arith.constant 0 : i32
    %dma_start3A_466 = arith.constant 0 : i32
    %dma_start3A_467 = tpu.memref_slice %arg16[%dma_start3A_465, %dma_start3A_466] : memref<10016x64xf32, #tpu.memory_space<vmem_shared>> -> memref<10016x64xf32, #tpu.memory_space<vmem_shared>>
    tpu.enqueue_indirect_dma source(%arg13 : memref<128x64xf32, #tpu.memory_space<vmem>>) target(%dma_start3A_467 : memref<10016x64xf32, #tpu.memory_space<vmem_shared>>) offsets(%dma_start3A_464 : memref<128xi32, #tpu.memory_space<vmem>>) semaphore(%arg20 : memref<!tpu.dma_semaphore, #tpu.memory_space<semaphore_mem>>) {add = true}
    %eq3A_468 = arith.constant 0 : i32
    %eq3A_469 = arith.cmpi eq, %arg0, %eq3A_468 : i32
    %and3A_470 = arith.constant false
    %and3A_471 = arith.andi %eq3A_469, %and3A_470 : i1
    %eq3A_472 = arith.constant 1 : i32
    %eq3A_473 = arith.cmpi eq, %arg0, %eq3A_472 : i32
    %and3A_474 = arith.constant true
    %and3A_475 = arith.andi %eq3A_473, %and3A_474 : i1
    %or3A_476 = arith.ori %and3A_471, %and3A_475 : i1
    %convert_element_type3A_477 = arith.extui %or3A_476 : i1 to i32
    %cond3A_478 = arith.constant 0 : i32
    %cond3A_479 = arith.cmpi ne, %convert_element_type3A_477, %cond3A_478 : i32
    scf.if %cond3A_479 {
      %run_scoped3A = arith.constant 11 : i32
      "tpu.region"() ({
        %run_scoped3A_641 = tpu.sem_alloc : memref<!tpu.dma_semaphore, #tpu.memory_space<semaphore_mem>>
        %dma_start3A_642 = arith.constant 0 : i32
        %dma_start3A_643 = tpu.memref_slice %arg11[%run_scoped3A, %dma_start3A_642] : memref<16x128xi32, #tpu.memory_space<vmem>> -> memref<1x128xi32, #tpu.memory_space<vmem>>
        %dma_start3A_644 = tpu.memref_squeeze %dma_start3A_643 : memref<1x128xi32, #tpu.memory_space<vmem>> -> memref<128xi32, #tpu.memory_space<vmem>>
        %dma_start3A_645 = arith.constant 0 : i32
        %dma_start3A_646 = arith.constant 0 : i32
        %dma_start3A_647 = tpu.memref_slice %arg17[%dma_start3A_645, %dma_start3A_646] : memref<10016x16xf32, #tpu.memory_space<vmem_shared>> -> memref<10016x16xf32, #tpu.memory_space<vmem_shared>>
        tpu.enqueue_indirect_dma source(%arg14 : memref<128x16xf32, #tpu.memory_space<vmem>>) target(%dma_start3A_647 : memref<10016x16xf32, #tpu.memory_space<vmem_shared>>) offsets(%dma_start3A_644 : memref<128xi32, #tpu.memory_space<vmem>>) semaphore(%run_scoped3A_641 : memref<!tpu.dma_semaphore, #tpu.memory_space<semaphore_mem>>) {add = true}
        %dma_wait3A_648 = arith.constant 0 : i32
        %dma_wait3A_649 = tpu.memref_slice %arg11[%run_scoped3A, %dma_wait3A_648] : memref<16x128xi32, #tpu.memory_space<vmem>> -> memref<1x128xi32, #tpu.memory_space<vmem>>
        %dma_wait3A_650 = tpu.memref_squeeze %dma_wait3A_649 : memref<1x128xi32, #tpu.memory_space<vmem>> -> memref<128xi32, #tpu.memory_space<vmem>>
        %dma_wait3A_651 = arith.constant 0 : i32
        %dma_wait3A_652 = arith.constant 0 : i32
        %dma_wait3A_653 = tpu.memref_slice %arg17[%dma_wait3A_651, %dma_wait3A_652] : memref<10016x16xf32, #tpu.memory_space<vmem_shared>> -> memref<10016x16xf32, #tpu.memory_space<vmem_shared>>
        tpu.wait_indirect_dma semaphore(%run_scoped3A_641 : memref<!tpu.dma_semaphore, #tpu.memory_space<semaphore_mem>>) src(%arg14 : memref<128x16xf32, #tpu.memory_space<vmem>>) dst(%dma_wait3A_653 : memref<10016x16xf32, #tpu.memory_space<vmem_shared>>)
        tpu.yield
      }) : () -> ()
    } else {
    }
    %dma_wait3A_480 = arith.constant 11 : i32
    %dma_wait3A_481 = arith.constant 0 : i32
    %dma_wait3A_482 = tpu.memref_slice %arg11[%dma_wait3A_480, %dma_wait3A_481] : memref<16x128xi32, #tpu.memory_space<vmem>> -> memref<1x128xi32, #tpu.memory_space<vmem>>
    %dma_wait3A_483 = tpu.memref_squeeze %dma_wait3A_482 : memref<1x128xi32, #tpu.memory_space<vmem>> -> memref<128xi32, #tpu.memory_space<vmem>>
    %dma_wait3A_484 = arith.constant 0 : i32
    %dma_wait3A_485 = arith.constant 0 : i32
    %dma_wait3A_486 = tpu.memref_slice %arg16[%dma_wait3A_484, %dma_wait3A_485] : memref<10016x64xf32, #tpu.memory_space<vmem_shared>> -> memref<10016x64xf32, #tpu.memory_space<vmem_shared>>
    tpu.wait_indirect_dma semaphore(%arg20 : memref<!tpu.dma_semaphore, #tpu.memory_space<semaphore_mem>>) src(%arg13 : memref<128x64xf32, #tpu.memory_space<vmem>>) dst(%dma_wait3A_486 : memref<10016x64xf32, #tpu.memory_space<vmem_shared>>)
    %dma_wait3A_487 = arith.constant 12 : i32
    %dma_wait3A_488 = arith.constant 0 : i32
    %dma_wait3A_489 = tpu.memref_slice %arg10[%dma_wait3A_487, %dma_wait3A_488] : memref<16x128xi32, #tpu.memory_space<vmem>> -> memref<1x128xi32, #tpu.memory_space<vmem>>
    %dma_wait3A_490 = tpu.memref_squeeze %dma_wait3A_489 : memref<1x128xi32, #tpu.memory_space<vmem>> -> memref<128xi32, #tpu.memory_space<vmem>>
    %dma_wait3A_491 = arith.constant 0 : i32
    %dma_wait3A_492 = arith.constant 0 : i32
    %dma_wait3A_493 = tpu.memref_slice %arg15[%dma_wait3A_491, %dma_wait3A_492] : memref<10000x64xf32, #tpu.memory_space<vmem_shared>> -> memref<10000x64xf32, #tpu.memory_space<vmem_shared>>
    tpu.wait_indirect_dma semaphore(%arg18 : memref<!tpu.dma_semaphore, #tpu.memory_space<semaphore_mem>>) src(%dma_wait3A_493 : memref<10000x64xf32, #tpu.memory_space<vmem_shared>>) dst(%arg12 : memref<128x64xf32, #tpu.memory_space<vmem>>)
    %dma_start3A_494 = arith.constant 13 : i32
    %dma_start3A_495 = arith.constant 0 : i32
    %dma_start3A_496 = tpu.memref_slice %arg10[%dma_start3A_494, %dma_start3A_495] : memref<16x128xi32, #tpu.memory_space<vmem>> -> memref<1x128xi32, #tpu.memory_space<vmem>>
    %dma_start3A_497 = tpu.memref_squeeze %dma_start3A_496 : memref<1x128xi32, #tpu.memory_space<vmem>> -> memref<128xi32, #tpu.memory_space<vmem>>
    %dma_start3A_498 = arith.constant 0 : i32
    %dma_start3A_499 = arith.constant 0 : i32
    %dma_start3A_500 = tpu.memref_slice %arg15[%dma_start3A_498, %dma_start3A_499] : memref<10000x64xf32, #tpu.memory_space<vmem_shared>> -> memref<10000x64xf32, #tpu.memory_space<vmem_shared>>
    tpu.enqueue_indirect_dma source(%dma_start3A_500 : memref<10000x64xf32, #tpu.memory_space<vmem_shared>>) target(%arg13 : memref<128x64xf32, #tpu.memory_space<vmem>>) offsets(%dma_start3A_497 : memref<128xi32, #tpu.memory_space<vmem>>) semaphore(%arg19 : memref<!tpu.dma_semaphore, #tpu.memory_space<semaphore_mem>>)
    %dma_start3A_501 = arith.constant 12 : i32
    %dma_start3A_502 = arith.constant 0 : i32
    %dma_start3A_503 = tpu.memref_slice %arg11[%dma_start3A_501, %dma_start3A_502] : memref<16x128xi32, #tpu.memory_space<vmem>> -> memref<1x128xi32, #tpu.memory_space<vmem>>
    %dma_start3A_504 = tpu.memref_squeeze %dma_start3A_503 : memref<1x128xi32, #tpu.memory_space<vmem>> -> memref<128xi32, #tpu.memory_space<vmem>>
    %dma_start3A_505 = arith.constant 0 : i32
    %dma_start3A_506 = arith.constant 0 : i32
    %dma_start3A_507 = tpu.memref_slice %arg16[%dma_start3A_505, %dma_start3A_506] : memref<10016x64xf32, #tpu.memory_space<vmem_shared>> -> memref<10016x64xf32, #tpu.memory_space<vmem_shared>>
    tpu.enqueue_indirect_dma source(%arg12 : memref<128x64xf32, #tpu.memory_space<vmem>>) target(%dma_start3A_507 : memref<10016x64xf32, #tpu.memory_space<vmem_shared>>) offsets(%dma_start3A_504 : memref<128xi32, #tpu.memory_space<vmem>>) semaphore(%arg20 : memref<!tpu.dma_semaphore, #tpu.memory_space<semaphore_mem>>) {add = true}
    %eq3A_508 = arith.constant 0 : i32
    %eq3A_509 = arith.cmpi eq, %arg0, %eq3A_508 : i32
    %and3A_510 = arith.constant false
    %and3A_511 = arith.andi %eq3A_509, %and3A_510 : i1
    %eq3A_512 = arith.constant 1 : i32
    %eq3A_513 = arith.cmpi eq, %arg0, %eq3A_512 : i32
    %and3A_514 = arith.constant true
    %and3A_515 = arith.andi %eq3A_513, %and3A_514 : i1
    %or3A_516 = arith.ori %and3A_511, %and3A_515 : i1
    %convert_element_type3A_517 = arith.extui %or3A_516 : i1 to i32
    %cond3A_518 = arith.constant 0 : i32
    %cond3A_519 = arith.cmpi ne, %convert_element_type3A_517, %cond3A_518 : i32
    scf.if %cond3A_519 {
      %run_scoped3A = arith.constant 12 : i32
      "tpu.region"() ({
        %run_scoped3A_641 = tpu.sem_alloc : memref<!tpu.dma_semaphore, #tpu.memory_space<semaphore_mem>>
        %dma_start3A_642 = arith.constant 0 : i32
        %dma_start3A_643 = tpu.memref_slice %arg11[%run_scoped3A, %dma_start3A_642] : memref<16x128xi32, #tpu.memory_space<vmem>> -> memref<1x128xi32, #tpu.memory_space<vmem>>
        %dma_start3A_644 = tpu.memref_squeeze %dma_start3A_643 : memref<1x128xi32, #tpu.memory_space<vmem>> -> memref<128xi32, #tpu.memory_space<vmem>>
        %dma_start3A_645 = arith.constant 0 : i32
        %dma_start3A_646 = arith.constant 0 : i32
        %dma_start3A_647 = tpu.memref_slice %arg17[%dma_start3A_645, %dma_start3A_646] : memref<10016x16xf32, #tpu.memory_space<vmem_shared>> -> memref<10016x16xf32, #tpu.memory_space<vmem_shared>>
        tpu.enqueue_indirect_dma source(%arg14 : memref<128x16xf32, #tpu.memory_space<vmem>>) target(%dma_start3A_647 : memref<10016x16xf32, #tpu.memory_space<vmem_shared>>) offsets(%dma_start3A_644 : memref<128xi32, #tpu.memory_space<vmem>>) semaphore(%run_scoped3A_641 : memref<!tpu.dma_semaphore, #tpu.memory_space<semaphore_mem>>) {add = true}
        %dma_wait3A_648 = arith.constant 0 : i32
        %dma_wait3A_649 = tpu.memref_slice %arg11[%run_scoped3A, %dma_wait3A_648] : memref<16x128xi32, #tpu.memory_space<vmem>> -> memref<1x128xi32, #tpu.memory_space<vmem>>
        %dma_wait3A_650 = tpu.memref_squeeze %dma_wait3A_649 : memref<1x128xi32, #tpu.memory_space<vmem>> -> memref<128xi32, #tpu.memory_space<vmem>>
        %dma_wait3A_651 = arith.constant 0 : i32
        %dma_wait3A_652 = arith.constant 0 : i32
        %dma_wait3A_653 = tpu.memref_slice %arg17[%dma_wait3A_651, %dma_wait3A_652] : memref<10016x16xf32, #tpu.memory_space<vmem_shared>> -> memref<10016x16xf32, #tpu.memory_space<vmem_shared>>
        tpu.wait_indirect_dma semaphore(%run_scoped3A_641 : memref<!tpu.dma_semaphore, #tpu.memory_space<semaphore_mem>>) src(%arg14 : memref<128x16xf32, #tpu.memory_space<vmem>>) dst(%dma_wait3A_653 : memref<10016x16xf32, #tpu.memory_space<vmem_shared>>)
        tpu.yield
      }) : () -> ()
    } else {
    }
    %dma_wait3A_520 = arith.constant 12 : i32
    %dma_wait3A_521 = arith.constant 0 : i32
    %dma_wait3A_522 = tpu.memref_slice %arg11[%dma_wait3A_520, %dma_wait3A_521] : memref<16x128xi32, #tpu.memory_space<vmem>> -> memref<1x128xi32, #tpu.memory_space<vmem>>
    %dma_wait3A_523 = tpu.memref_squeeze %dma_wait3A_522 : memref<1x128xi32, #tpu.memory_space<vmem>> -> memref<128xi32, #tpu.memory_space<vmem>>
    %dma_wait3A_524 = arith.constant 0 : i32
    %dma_wait3A_525 = arith.constant 0 : i32
    %dma_wait3A_526 = tpu.memref_slice %arg16[%dma_wait3A_524, %dma_wait3A_525] : memref<10016x64xf32, #tpu.memory_space<vmem_shared>> -> memref<10016x64xf32, #tpu.memory_space<vmem_shared>>
    tpu.wait_indirect_dma semaphore(%arg20 : memref<!tpu.dma_semaphore, #tpu.memory_space<semaphore_mem>>) src(%arg12 : memref<128x64xf32, #tpu.memory_space<vmem>>) dst(%dma_wait3A_526 : memref<10016x64xf32, #tpu.memory_space<vmem_shared>>)
    %dma_wait3A_527 = arith.constant 13 : i32
    %dma_wait3A_528 = arith.constant 0 : i32
    %dma_wait3A_529 = tpu.memref_slice %arg10[%dma_wait3A_527, %dma_wait3A_528] : memref<16x128xi32, #tpu.memory_space<vmem>> -> memref<1x128xi32, #tpu.memory_space<vmem>>
    %dma_wait3A_530 = tpu.memref_squeeze %dma_wait3A_529 : memref<1x128xi32, #tpu.memory_space<vmem>> -> memref<128xi32, #tpu.memory_space<vmem>>
    %dma_wait3A_531 = arith.constant 0 : i32
    %dma_wait3A_532 = arith.constant 0 : i32
    %dma_wait3A_533 = tpu.memref_slice %arg15[%dma_wait3A_531, %dma_wait3A_532] : memref<10000x64xf32, #tpu.memory_space<vmem_shared>> -> memref<10000x64xf32, #tpu.memory_space<vmem_shared>>
    tpu.wait_indirect_dma semaphore(%arg19 : memref<!tpu.dma_semaphore, #tpu.memory_space<semaphore_mem>>) src(%dma_wait3A_533 : memref<10000x64xf32, #tpu.memory_space<vmem_shared>>) dst(%arg13 : memref<128x64xf32, #tpu.memory_space<vmem>>)
    %dma_start3A_534 = arith.constant 14 : i32
    %dma_start3A_535 = arith.constant 0 : i32
    %dma_start3A_536 = tpu.memref_slice %arg10[%dma_start3A_534, %dma_start3A_535] : memref<16x128xi32, #tpu.memory_space<vmem>> -> memref<1x128xi32, #tpu.memory_space<vmem>>
    %dma_start3A_537 = tpu.memref_squeeze %dma_start3A_536 : memref<1x128xi32, #tpu.memory_space<vmem>> -> memref<128xi32, #tpu.memory_space<vmem>>
    %dma_start3A_538 = arith.constant 0 : i32
    %dma_start3A_539 = arith.constant 0 : i32
    %dma_start3A_540 = tpu.memref_slice %arg15[%dma_start3A_538, %dma_start3A_539] : memref<10000x64xf32, #tpu.memory_space<vmem_shared>> -> memref<10000x64xf32, #tpu.memory_space<vmem_shared>>
    tpu.enqueue_indirect_dma source(%dma_start3A_540 : memref<10000x64xf32, #tpu.memory_space<vmem_shared>>) target(%arg12 : memref<128x64xf32, #tpu.memory_space<vmem>>) offsets(%dma_start3A_537 : memref<128xi32, #tpu.memory_space<vmem>>) semaphore(%arg18 : memref<!tpu.dma_semaphore, #tpu.memory_space<semaphore_mem>>)
    %dma_start3A_541 = arith.constant 13 : i32
    %dma_start3A_542 = arith.constant 0 : i32
    %dma_start3A_543 = tpu.memref_slice %arg11[%dma_start3A_541, %dma_start3A_542] : memref<16x128xi32, #tpu.memory_space<vmem>> -> memref<1x128xi32, #tpu.memory_space<vmem>>
    %dma_start3A_544 = tpu.memref_squeeze %dma_start3A_543 : memref<1x128xi32, #tpu.memory_space<vmem>> -> memref<128xi32, #tpu.memory_space<vmem>>
    %dma_start3A_545 = arith.constant 0 : i32
    %dma_start3A_546 = arith.constant 0 : i32
    %dma_start3A_547 = tpu.memref_slice %arg16[%dma_start3A_545, %dma_start3A_546] : memref<10016x64xf32, #tpu.memory_space<vmem_shared>> -> memref<10016x64xf32, #tpu.memory_space<vmem_shared>>
    tpu.enqueue_indirect_dma source(%arg13 : memref<128x64xf32, #tpu.memory_space<vmem>>) target(%dma_start3A_547 : memref<10016x64xf32, #tpu.memory_space<vmem_shared>>) offsets(%dma_start3A_544 : memref<128xi32, #tpu.memory_space<vmem>>) semaphore(%arg20 : memref<!tpu.dma_semaphore, #tpu.memory_space<semaphore_mem>>) {add = true}
    %eq3A_548 = arith.constant 0 : i32
    %eq3A_549 = arith.cmpi eq, %arg0, %eq3A_548 : i32
    %and3A_550 = arith.constant false
    %and3A_551 = arith.andi %eq3A_549, %and3A_550 : i1
    %eq3A_552 = arith.constant 1 : i32
    %eq3A_553 = arith.cmpi eq, %arg0, %eq3A_552 : i32
    %and3A_554 = arith.constant true
    %and3A_555 = arith.andi %eq3A_553, %and3A_554 : i1
    %or3A_556 = arith.ori %and3A_551, %and3A_555 : i1
    %convert_element_type3A_557 = arith.extui %or3A_556 : i1 to i32
    %cond3A_558 = arith.constant 0 : i32
    %cond3A_559 = arith.cmpi ne, %convert_element_type3A_557, %cond3A_558 : i32
    scf.if %cond3A_559 {
      %run_scoped3A = arith.constant 13 : i32
      "tpu.region"() ({
        %run_scoped3A_641 = tpu.sem_alloc : memref<!tpu.dma_semaphore, #tpu.memory_space<semaphore_mem>>
        %dma_start3A_642 = arith.constant 0 : i32
        %dma_start3A_643 = tpu.memref_slice %arg11[%run_scoped3A, %dma_start3A_642] : memref<16x128xi32, #tpu.memory_space<vmem>> -> memref<1x128xi32, #tpu.memory_space<vmem>>
        %dma_start3A_644 = tpu.memref_squeeze %dma_start3A_643 : memref<1x128xi32, #tpu.memory_space<vmem>> -> memref<128xi32, #tpu.memory_space<vmem>>
        %dma_start3A_645 = arith.constant 0 : i32
        %dma_start3A_646 = arith.constant 0 : i32
        %dma_start3A_647 = tpu.memref_slice %arg17[%dma_start3A_645, %dma_start3A_646] : memref<10016x16xf32, #tpu.memory_space<vmem_shared>> -> memref<10016x16xf32, #tpu.memory_space<vmem_shared>>
        tpu.enqueue_indirect_dma source(%arg14 : memref<128x16xf32, #tpu.memory_space<vmem>>) target(%dma_start3A_647 : memref<10016x16xf32, #tpu.memory_space<vmem_shared>>) offsets(%dma_start3A_644 : memref<128xi32, #tpu.memory_space<vmem>>) semaphore(%run_scoped3A_641 : memref<!tpu.dma_semaphore, #tpu.memory_space<semaphore_mem>>) {add = true}
        %dma_wait3A_648 = arith.constant 0 : i32
        %dma_wait3A_649 = tpu.memref_slice %arg11[%run_scoped3A, %dma_wait3A_648] : memref<16x128xi32, #tpu.memory_space<vmem>> -> memref<1x128xi32, #tpu.memory_space<vmem>>
        %dma_wait3A_650 = tpu.memref_squeeze %dma_wait3A_649 : memref<1x128xi32, #tpu.memory_space<vmem>> -> memref<128xi32, #tpu.memory_space<vmem>>
        %dma_wait3A_651 = arith.constant 0 : i32
        %dma_wait3A_652 = arith.constant 0 : i32
        %dma_wait3A_653 = tpu.memref_slice %arg17[%dma_wait3A_651, %dma_wait3A_652] : memref<10016x16xf32, #tpu.memory_space<vmem_shared>> -> memref<10016x16xf32, #tpu.memory_space<vmem_shared>>
        tpu.wait_indirect_dma semaphore(%run_scoped3A_641 : memref<!tpu.dma_semaphore, #tpu.memory_space<semaphore_mem>>) src(%arg14 : memref<128x16xf32, #tpu.memory_space<vmem>>) dst(%dma_wait3A_653 : memref<10016x16xf32, #tpu.memory_space<vmem_shared>>)
        tpu.yield
      }) : () -> ()
    } else {
    }
    %dma_wait3A_560 = arith.constant 13 : i32
    %dma_wait3A_561 = arith.constant 0 : i32
    %dma_wait3A_562 = tpu.memref_slice %arg11[%dma_wait3A_560, %dma_wait3A_561] : memref<16x128xi32, #tpu.memory_space<vmem>> -> memref<1x128xi32, #tpu.memory_space<vmem>>
    %dma_wait3A_563 = tpu.memref_squeeze %dma_wait3A_562 : memref<1x128xi32, #tpu.memory_space<vmem>> -> memref<128xi32, #tpu.memory_space<vmem>>
    %dma_wait3A_564 = arith.constant 0 : i32
    %dma_wait3A_565 = arith.constant 0 : i32
    %dma_wait3A_566 = tpu.memref_slice %arg16[%dma_wait3A_564, %dma_wait3A_565] : memref<10016x64xf32, #tpu.memory_space<vmem_shared>> -> memref<10016x64xf32, #tpu.memory_space<vmem_shared>>
    tpu.wait_indirect_dma semaphore(%arg20 : memref<!tpu.dma_semaphore, #tpu.memory_space<semaphore_mem>>) src(%arg13 : memref<128x64xf32, #tpu.memory_space<vmem>>) dst(%dma_wait3A_566 : memref<10016x64xf32, #tpu.memory_space<vmem_shared>>)
    %dma_wait3A_567 = arith.constant 14 : i32
    %dma_wait3A_568 = arith.constant 0 : i32
    %dma_wait3A_569 = tpu.memref_slice %arg10[%dma_wait3A_567, %dma_wait3A_568] : memref<16x128xi32, #tpu.memory_space<vmem>> -> memref<1x128xi32, #tpu.memory_space<vmem>>
    %dma_wait3A_570 = tpu.memref_squeeze %dma_wait3A_569 : memref<1x128xi32, #tpu.memory_space<vmem>> -> memref<128xi32, #tpu.memory_space<vmem>>
    %dma_wait3A_571 = arith.constant 0 : i32
    %dma_wait3A_572 = arith.constant 0 : i32
    %dma_wait3A_573 = tpu.memref_slice %arg15[%dma_wait3A_571, %dma_wait3A_572] : memref<10000x64xf32, #tpu.memory_space<vmem_shared>> -> memref<10000x64xf32, #tpu.memory_space<vmem_shared>>
    tpu.wait_indirect_dma semaphore(%arg18 : memref<!tpu.dma_semaphore, #tpu.memory_space<semaphore_mem>>) src(%dma_wait3A_573 : memref<10000x64xf32, #tpu.memory_space<vmem_shared>>) dst(%arg12 : memref<128x64xf32, #tpu.memory_space<vmem>>)
    %dma_start3A_574 = arith.constant 15 : i32
    %dma_start3A_575 = arith.constant 0 : i32
    %dma_start3A_576 = tpu.memref_slice %arg10[%dma_start3A_574, %dma_start3A_575] : memref<16x128xi32, #tpu.memory_space<vmem>> -> memref<1x128xi32, #tpu.memory_space<vmem>>
    %dma_start3A_577 = tpu.memref_squeeze %dma_start3A_576 : memref<1x128xi32, #tpu.memory_space<vmem>> -> memref<128xi32, #tpu.memory_space<vmem>>
    %dma_start3A_578 = arith.constant 0 : i32
    %dma_start3A_579 = arith.constant 0 : i32
    %dma_start3A_580 = tpu.memref_slice %arg15[%dma_start3A_578, %dma_start3A_579] : memref<10000x64xf32, #tpu.memory_space<vmem_shared>> -> memref<10000x64xf32, #tpu.memory_space<vmem_shared>>
    tpu.enqueue_indirect_dma source(%dma_start3A_580 : memref<10000x64xf32, #tpu.memory_space<vmem_shared>>) target(%arg13 : memref<128x64xf32, #tpu.memory_space<vmem>>) offsets(%dma_start3A_577 : memref<128xi32, #tpu.memory_space<vmem>>) semaphore(%arg19 : memref<!tpu.dma_semaphore, #tpu.memory_space<semaphore_mem>>)
    %dma_start3A_581 = arith.constant 14 : i32
    %dma_start3A_582 = arith.constant 0 : i32
    %dma_start3A_583 = tpu.memref_slice %arg11[%dma_start3A_581, %dma_start3A_582] : memref<16x128xi32, #tpu.memory_space<vmem>> -> memref<1x128xi32, #tpu.memory_space<vmem>>
    %dma_start3A_584 = tpu.memref_squeeze %dma_start3A_583 : memref<1x128xi32, #tpu.memory_space<vmem>> -> memref<128xi32, #tpu.memory_space<vmem>>
    %dma_start3A_585 = arith.constant 0 : i32
    %dma_start3A_586 = arith.constant 0 : i32
    %dma_start3A_587 = tpu.memref_slice %arg16[%dma_start3A_585, %dma_start3A_586] : memref<10016x64xf32, #tpu.memory_space<vmem_shared>> -> memref<10016x64xf32, #tpu.memory_space<vmem_shared>>
    tpu.enqueue_indirect_dma source(%arg12 : memref<128x64xf32, #tpu.memory_space<vmem>>) target(%dma_start3A_587 : memref<10016x64xf32, #tpu.memory_space<vmem_shared>>) offsets(%dma_start3A_584 : memref<128xi32, #tpu.memory_space<vmem>>) semaphore(%arg20 : memref<!tpu.dma_semaphore, #tpu.memory_space<semaphore_mem>>) {add = true}
    %eq3A_588 = arith.constant 0 : i32
    %eq3A_589 = arith.cmpi eq, %arg0, %eq3A_588 : i32
    %and3A_590 = arith.constant false
    %and3A_591 = arith.andi %eq3A_589, %and3A_590 : i1
    %eq3A_592 = arith.constant 1 : i32
    %eq3A_593 = arith.cmpi eq, %arg0, %eq3A_592 : i32
    %and3A_594 = arith.constant true
    %and3A_595 = arith.andi %eq3A_593, %and3A_594 : i1
    %or3A_596 = arith.ori %and3A_591, %and3A_595 : i1
    %convert_element_type3A_597 = arith.extui %or3A_596 : i1 to i32
    %cond3A_598 = arith.constant 0 : i32
    %cond3A_599 = arith.cmpi ne, %convert_element_type3A_597, %cond3A_598 : i32
    scf.if %cond3A_599 {
      %run_scoped3A = arith.constant 14 : i32
      "tpu.region"() ({
        %run_scoped3A_641 = tpu.sem_alloc : memref<!tpu.dma_semaphore, #tpu.memory_space<semaphore_mem>>
        %dma_start3A_642 = arith.constant 0 : i32
        %dma_start3A_643 = tpu.memref_slice %arg11[%run_scoped3A, %dma_start3A_642] : memref<16x128xi32, #tpu.memory_space<vmem>> -> memref<1x128xi32, #tpu.memory_space<vmem>>
        %dma_start3A_644 = tpu.memref_squeeze %dma_start3A_643 : memref<1x128xi32, #tpu.memory_space<vmem>> -> memref<128xi32, #tpu.memory_space<vmem>>
        %dma_start3A_645 = arith.constant 0 : i32
        %dma_start3A_646 = arith.constant 0 : i32
        %dma_start3A_647 = tpu.memref_slice %arg17[%dma_start3A_645, %dma_start3A_646] : memref<10016x16xf32, #tpu.memory_space<vmem_shared>> -> memref<10016x16xf32, #tpu.memory_space<vmem_shared>>
        tpu.enqueue_indirect_dma source(%arg14 : memref<128x16xf32, #tpu.memory_space<vmem>>) target(%dma_start3A_647 : memref<10016x16xf32, #tpu.memory_space<vmem_shared>>) offsets(%dma_start3A_644 : memref<128xi32, #tpu.memory_space<vmem>>) semaphore(%run_scoped3A_641 : memref<!tpu.dma_semaphore, #tpu.memory_space<semaphore_mem>>) {add = true}
        %dma_wait3A_648 = arith.constant 0 : i32
        %dma_wait3A_649 = tpu.memref_slice %arg11[%run_scoped3A, %dma_wait3A_648] : memref<16x128xi32, #tpu.memory_space<vmem>> -> memref<1x128xi32, #tpu.memory_space<vmem>>
        %dma_wait3A_650 = tpu.memref_squeeze %dma_wait3A_649 : memref<1x128xi32, #tpu.memory_space<vmem>> -> memref<128xi32, #tpu.memory_space<vmem>>
        %dma_wait3A_651 = arith.constant 0 : i32
        %dma_wait3A_652 = arith.constant 0 : i32
        %dma_wait3A_653 = tpu.memref_slice %arg17[%dma_wait3A_651, %dma_wait3A_652] : memref<10016x16xf32, #tpu.memory_space<vmem_shared>> -> memref<10016x16xf32, #tpu.memory_space<vmem_shared>>
        tpu.wait_indirect_dma semaphore(%run_scoped3A_641 : memref<!tpu.dma_semaphore, #tpu.memory_space<semaphore_mem>>) src(%arg14 : memref<128x16xf32, #tpu.memory_space<vmem>>) dst(%dma_wait3A_653 : memref<10016x16xf32, #tpu.memory_space<vmem_shared>>)
        tpu.yield
      }) : () -> ()
    } else {
    }
    %dma_wait3A_600 = arith.constant 14 : i32
    %dma_wait3A_601 = arith.constant 0 : i32
    %dma_wait3A_602 = tpu.memref_slice %arg11[%dma_wait3A_600, %dma_wait3A_601] : memref<16x128xi32, #tpu.memory_space<vmem>> -> memref<1x128xi32, #tpu.memory_space<vmem>>
    %dma_wait3A_603 = tpu.memref_squeeze %dma_wait3A_602 : memref<1x128xi32, #tpu.memory_space<vmem>> -> memref<128xi32, #tpu.memory_space<vmem>>
    %dma_wait3A_604 = arith.constant 0 : i32
    %dma_wait3A_605 = arith.constant 0 : i32
    %dma_wait3A_606 = tpu.memref_slice %arg16[%dma_wait3A_604, %dma_wait3A_605] : memref<10016x64xf32, #tpu.memory_space<vmem_shared>> -> memref<10016x64xf32, #tpu.memory_space<vmem_shared>>
    tpu.wait_indirect_dma semaphore(%arg20 : memref<!tpu.dma_semaphore, #tpu.memory_space<semaphore_mem>>) src(%arg12 : memref<128x64xf32, #tpu.memory_space<vmem>>) dst(%dma_wait3A_606 : memref<10016x64xf32, #tpu.memory_space<vmem_shared>>)
    %dma_wait3A_607 = arith.constant 15 : i32
    %dma_wait3A_608 = arith.constant 0 : i32
    %dma_wait3A_609 = tpu.memref_slice %arg10[%dma_wait3A_607, %dma_wait3A_608] : memref<16x128xi32, #tpu.memory_space<vmem>> -> memref<1x128xi32, #tpu.memory_space<vmem>>
    %dma_wait3A_610 = tpu.memref_squeeze %dma_wait3A_609 : memref<1x128xi32, #tpu.memory_space<vmem>> -> memref<128xi32, #tpu.memory_space<vmem>>
    %dma_wait3A_611 = arith.constant 0 : i32
    %dma_wait3A_612 = arith.constant 0 : i32
    %dma_wait3A_613 = tpu.memref_slice %arg15[%dma_wait3A_611, %dma_wait3A_612] : memref<10000x64xf32, #tpu.memory_space<vmem_shared>> -> memref<10000x64xf32, #tpu.memory_space<vmem_shared>>
    tpu.wait_indirect_dma semaphore(%arg19 : memref<!tpu.dma_semaphore, #tpu.memory_space<semaphore_mem>>) src(%dma_wait3A_613 : memref<10000x64xf32, #tpu.memory_space<vmem_shared>>) dst(%arg13 : memref<128x64xf32, #tpu.memory_space<vmem>>)
    %dma_start3A_614 = arith.constant 15 : i32
    %dma_start3A_615 = arith.constant 0 : i32
    %dma_start3A_616 = tpu.memref_slice %arg11[%dma_start3A_614, %dma_start3A_615] : memref<16x128xi32, #tpu.memory_space<vmem>> -> memref<1x128xi32, #tpu.memory_space<vmem>>
    %dma_start3A_617 = tpu.memref_squeeze %dma_start3A_616 : memref<1x128xi32, #tpu.memory_space<vmem>> -> memref<128xi32, #tpu.memory_space<vmem>>
    %dma_start3A_618 = arith.constant 0 : i32
    %dma_start3A_619 = arith.constant 0 : i32
    %dma_start3A_620 = tpu.memref_slice %arg16[%dma_start3A_618, %dma_start3A_619] : memref<10016x64xf32, #tpu.memory_space<vmem_shared>> -> memref<10016x64xf32, #tpu.memory_space<vmem_shared>>
    tpu.enqueue_indirect_dma source(%arg13 : memref<128x64xf32, #tpu.memory_space<vmem>>) target(%dma_start3A_620 : memref<10016x64xf32, #tpu.memory_space<vmem_shared>>) offsets(%dma_start3A_617 : memref<128xi32, #tpu.memory_space<vmem>>) semaphore(%arg20 : memref<!tpu.dma_semaphore, #tpu.memory_space<semaphore_mem>>) {add = true}
    %eq3A_621 = arith.constant 0 : i32
    %eq3A_622 = arith.cmpi eq, %arg0, %eq3A_621 : i32
    %and3A_623 = arith.constant false
    %and3A_624 = arith.andi %eq3A_622, %and3A_623 : i1
    %eq3A_625 = arith.constant 1 : i32
    %eq3A_626 = arith.cmpi eq, %arg0, %eq3A_625 : i32
    %and3A_627 = arith.constant true
    %and3A_628 = arith.andi %eq3A_626, %and3A_627 : i1
    %or3A_629 = arith.ori %and3A_624, %and3A_628 : i1
    %convert_element_type3A_630 = arith.extui %or3A_629 : i1 to i32
    %cond3A_631 = arith.constant 0 : i32
    %cond3A_632 = arith.cmpi ne, %convert_element_type3A_630, %cond3A_631 : i32
    scf.if %cond3A_632 {
      %run_scoped3A = arith.constant 15 : i32
      "tpu.region"() ({
        %run_scoped3A_641 = tpu.sem_alloc : memref<!tpu.dma_semaphore, #tpu.memory_space<semaphore_mem>>
        %dma_start3A_642 = arith.constant 0 : i32
        %dma_start3A_643 = tpu.memref_slice %arg11[%run_scoped3A, %dma_start3A_642] : memref<16x128xi32, #tpu.memory_space<vmem>> -> memref<1x128xi32, #tpu.memory_space<vmem>>
        %dma_start3A_644 = tpu.memref_squeeze %dma_start3A_643 : memref<1x128xi32, #tpu.memory_space<vmem>> -> memref<128xi32, #tpu.memory_space<vmem>>
        %dma_start3A_645 = arith.constant 0 : i32
        %dma_start3A_646 = arith.constant 0 : i32
        %dma_start3A_647 = tpu.memref_slice %arg17[%dma_start3A_645, %dma_start3A_646] : memref<10016x16xf32, #tpu.memory_space<vmem_shared>> -> memref<10016x16xf32, #tpu.memory_space<vmem_shared>>
        tpu.enqueue_indirect_dma source(%arg14 : memref<128x16xf32, #tpu.memory_space<vmem>>) target(%dma_start3A_647 : memref<10016x16xf32, #tpu.memory_space<vmem_shared>>) offsets(%dma_start3A_644 : memref<128xi32, #tpu.memory_space<vmem>>) semaphore(%run_scoped3A_641 : memref<!tpu.dma_semaphore, #tpu.memory_space<semaphore_mem>>) {add = true}
        %dma_wait3A_648 = arith.constant 0 : i32
        %dma_wait3A_649 = tpu.memref_slice %arg11[%run_scoped3A, %dma_wait3A_648] : memref<16x128xi32, #tpu.memory_space<vmem>> -> memref<1x128xi32, #tpu.memory_space<vmem>>
        %dma_wait3A_650 = tpu.memref_squeeze %dma_wait3A_649 : memref<1x128xi32, #tpu.memory_space<vmem>> -> memref<128xi32, #tpu.memory_space<vmem>>
        %dma_wait3A_651 = arith.constant 0 : i32
        %dma_wait3A_652 = arith.constant 0 : i32
        %dma_wait3A_653 = tpu.memref_slice %arg17[%dma_wait3A_651, %dma_wait3A_652] : memref<10016x16xf32, #tpu.memory_space<vmem_shared>> -> memref<10016x16xf32, #tpu.memory_space<vmem_shared>>
        tpu.wait_indirect_dma semaphore(%run_scoped3A_641 : memref<!tpu.dma_semaphore, #tpu.memory_space<semaphore_mem>>) src(%arg14 : memref<128x16xf32, #tpu.memory_space<vmem>>) dst(%dma_wait3A_653 : memref<10016x16xf32, #tpu.memory_space<vmem_shared>>)
        tpu.yield
      }) : () -> ()
    } else {
    }
    %dma_wait3A_633 = arith.constant 15 : i32
    %dma_wait3A_634 = arith.constant 0 : i32
    %dma_wait3A_635 = tpu.memref_slice %arg11[%dma_wait3A_633, %dma_wait3A_634] : memref<16x128xi32, #tpu.memory_space<vmem>> -> memref<1x128xi32, #tpu.memory_space<vmem>>
    %dma_wait3A_636 = tpu.memref_squeeze %dma_wait3A_635 : memref<1x128xi32, #tpu.memory_space<vmem>> -> memref<128xi32, #tpu.memory_space<vmem>>
    %dma_wait3A_637 = arith.constant 0 : i32
    %dma_wait3A_638 = arith.constant 0 : i32
    %dma_wait3A_639 = tpu.memref_slice %arg16[%dma_wait3A_637, %dma_wait3A_638] : memref<10016x64xf32, #tpu.memory_space<vmem_shared>> -> memref<10016x64xf32, #tpu.memory_space<vmem_shared>>
    tpu.wait_indirect_dma semaphore(%arg20 : memref<!tpu.dma_semaphore, #tpu.memory_space<semaphore_mem>>) src(%arg13 : memref<128x64xf32, #tpu.memory_space<vmem>>) dst(%dma_wait3A_639 : memref<10016x64xf32, #tpu.memory_space<vmem_shared>>)
    %barrier3A_640 = arith.constant 0 : index
    tpu.barrier barrier_id(%barrier3A_640)
    "tpu.region"() ({
      %run_scoped3A = tpu.sem_alloc : memref<!tpu.dma_semaphore, #tpu.memory_space<semaphore_mem>>
      %dma_start3A_641 = arith.constant 0 : i32
      %dma_start3A_642 = tpu.memref_slice %arg8[%arg0, %mul3A_2, %dma_start3A_641] : memref<2x10016x64xf32, #tpu.memory_space<hbm>> -> memref<1x626x64xf32, #tpu.memory_space<hbm>>
      %dma_start3A_643 = tpu.memref_squeeze %dma_start3A_642 : memref<1x626x64xf32, #tpu.memory_space<hbm>> -> memref<626x64xf32, #tpu.memory_space<hbm>>
      %dma_start3A_644 = arith.constant 0 : i32
      %dma_start3A_645 = tpu.memref_slice %arg16[%mul3A_2, %dma_start3A_644] : memref<10016x64xf32, #tpu.memory_space<vmem_shared>> -> memref<626x64xf32, #tpu.memory_space<vmem_shared>>
      tpu.enqueue_dma source(%dma_start3A_645 : memref<626x64xf32, #tpu.memory_space<vmem_shared>>) target(%dma_start3A_643 : memref<626x64xf32, #tpu.memory_space<hbm>>) target_semaphore(%run_scoped3A : memref<!tpu.dma_semaphore, #tpu.memory_space<semaphore_mem>>)
      %dma_wait3A_646 = arith.constant 0 : i32
      %dma_wait3A_647 = tpu.memref_slice %arg8[%arg0, %mul3A_2, %dma_wait3A_646] : memref<2x10016x64xf32, #tpu.memory_space<hbm>> -> memref<1x626x64xf32, #tpu.memory_space<hbm>>
      %dma_wait3A_648 = tpu.memref_squeeze %dma_wait3A_647 : memref<1x626x64xf32, #tpu.memory_space<hbm>> -> memref<626x64xf32, #tpu.memory_space<hbm>>
      %dma_wait3A_649 = arith.constant 0 : i32
      %dma_wait3A_650 = tpu.memref_slice %arg16[%mul3A_2, %dma_wait3A_649] : memref<10016x64xf32, #tpu.memory_space<vmem_shared>> -> memref<626x64xf32, #tpu.memory_space<vmem_shared>>
      tpu.wait_dma2 semaphore(%run_scoped3A : memref<!tpu.dma_semaphore, #tpu.memory_space<semaphore_mem>>) src(%dma_wait3A_650 : memref<626x64xf32, #tpu.memory_space<vmem_shared>>) dst(%dma_wait3A_648 : memref<626x64xf32, #tpu.memory_space<hbm>>)
      tpu.yield
    }) : () -> ()
    "tpu.region"() ({
      %run_scoped3A = tpu.sem_alloc : memref<!tpu.dma_semaphore, #tpu.memory_space<semaphore_mem>>
      %dma_start3A_641 = arith.constant 0 : i32
      %dma_start3A_642 = tpu.memref_slice %arg9[%arg0, %mul3A_2, %dma_start3A_641] : memref<2x10016x16xf32, #tpu.memory_space<hbm>> -> memref<1x626x16xf32, #tpu.memory_space<hbm>>
      %dma_start3A_643 = tpu.memref_squeeze %dma_start3A_642 : memref<1x626x16xf32, #tpu.memory_space<hbm>> -> memref<626x16xf32, #tpu.memory_space<hbm>>
      %dma_start3A_644 = arith.constant 0 : i32
      %dma_start3A_645 = tpu.memref_slice %arg17[%mul3A_2, %dma_start3A_644] : memref<10016x16xf32, #tpu.memory_space<vmem_shared>> -> memref<626x16xf32, #tpu.memory_space<vmem_shared>>
      tpu.enqueue_dma source(%dma_start3A_645 : memref<626x16xf32, #tpu.memory_space<vmem_shared>>) target(%dma_start3A_643 : memref<626x16xf32, #tpu.memory_space<hbm>>) target_semaphore(%run_scoped3A : memref<!tpu.dma_semaphore, #tpu.memory_space<semaphore_mem>>)
      %dma_wait3A_646 = arith.constant 0 : i32
      %dma_wait3A_647 = tpu.memref_slice %arg9[%arg0, %mul3A_2, %dma_wait3A_646] : memref<2x10016x16xf32, #tpu.memory_space<hbm>> -> memref<1x626x16xf32, #tpu.memory_space<hbm>>
      %dma_wait3A_648 = tpu.memref_squeeze %dma_wait3A_647 : memref<1x626x16xf32, #tpu.memory_space<hbm>> -> memref<626x16xf32, #tpu.memory_space<hbm>>
      %dma_wait3A_649 = arith.constant 0 : i32
      %dma_wait3A_650 = tpu.memref_slice %arg17[%mul3A_2, %dma_wait3A_649] : memref<10016x16xf32, #tpu.memory_space<vmem_shared>> -> memref<626x16xf32, #tpu.memory_space<vmem_shared>>
      tpu.wait_dma2 semaphore(%run_scoped3A : memref<!tpu.dma_semaphore, #tpu.memory_space<semaphore_mem>>) src(%dma_wait3A_650 : memref<626x16xf32, #tpu.memory_space<vmem_shared>>) dst(%dma_wait3A_648 : memref<626x16xf32, #tpu.memory_space<hbm>>)
      tpu.yield
    }) : () -> ()
    return
  }
}

module attributes {stable_mosaic.version = 14 : i64} {
  func.func @_tc_body(%arg0: i32, %arg1: memref<2000x128xf32, #tpu.memory_space<vmem>>, %arg2: memref<2x2000x64xf32, #tpu.memory_space<vmem>>, %arg3: memref<2x2000x16xf32, #tpu.memory_space<vmem>>, %arg4: memref<128x128xf32, #tpu.memory_space<vmem>>, %arg5: memref<128x128xf32, #tpu.memory_space<vmem>>, %arg6: memref<1x128xf32, #tpu.memory_space<vmem>>, %arg7: memref<2000x128xf32, #tpu.memory_space<vmem>>) attributes {dimension_semantics = [#tpu.dimension_semantics<arbitrary>], iteration_bounds = array<i64: 5>, scalar_prefetch = 0 : i64, scratch_operands = 0 : i64, tpu.core_type = #tpu.core_type<tc>, window_params = [{transform_indices = @transform_0, window_bounds = array<i64: 2000, 128>}, {transform_indices = @transform_1, window_bounds = array<i64: 2, 2000, 64>}, {transform_indices = @transform_2, window_bounds = array<i64: 2, 2000, 16>}, {pipeline_mode = #tpu.pipeline_mode<synchronous>, transform_indices = @transform_3, window_bounds = array<i64: 128, 128>}, {pipeline_mode = #tpu.pipeline_mode<synchronous>, transform_indices = @transform_4, window_bounds = array<i64: 128, 128>}, {pipeline_mode = #tpu.pipeline_mode<synchronous>, transform_indices = @transform_5, window_bounds = array<i64: 1, 128>}, {transform_indices = @transform_6, window_bounds = array<i64: 2000, 128>}]} {
    %get3A = arith.constant 0 : index
    %get3A_0 = arith.constant 0 : index
    %get3A_1 = arith.constant 0 : index
    %get3A_2 = vector.load %arg2[%get3A, %get3A_0, %get3A_1] : memref<2x2000x64xf32, #tpu.memory_space<vmem>>, vector<1x2000x64xf32>
    %get3A_3 = vector.shape_cast %get3A_2 : vector<1x2000x64xf32> to vector<2000x64xf32>
    %get3A_4 = arith.constant 1 : index
    %get3A_5 = arith.constant 0 : index
    %get3A_6 = arith.constant 0 : index
    %get3A_7 = vector.load %arg2[%get3A_4, %get3A_5, %get3A_6] : memref<2x2000x64xf32, #tpu.memory_space<vmem>>, vector<1x2000x64xf32>
    %get3A_8 = vector.shape_cast %get3A_7 : vector<1x2000x64xf32> to vector<2000x64xf32>
    %concatenate3A = tpu.concatenate %get3A_3, %get3A_8 in 1 : vector<2000x64xf32>, vector<2000x64xf32> -> vector<2000x128xf32>
    %get3A_9 = arith.constant 0 : index
    %get3A_10 = arith.constant 0 : index
    %get3A_11 = arith.constant 0 : index
    %get3A_12 = vector.load %arg3[%get3A_9, %get3A_10, %get3A_11] : memref<2x2000x16xf32, #tpu.memory_space<vmem>>, vector<1x2000x1xf32>
    %get3A_13 = vector.shape_cast %get3A_12 : vector<1x2000x1xf32> to vector<2000x1xf32>
    %get3A_14 = arith.constant 1 : index
    %get3A_15 = arith.constant 0 : index
    %get3A_16 = arith.constant 0 : index
    %get3A_17 = vector.load %arg3[%get3A_14, %get3A_15, %get3A_16] : memref<2x2000x16xf32, #tpu.memory_space<vmem>>, vector<1x2000x1xf32>
    %get3A_18 = vector.shape_cast %get3A_17 : vector<1x2000x1xf32> to vector<2000x1xf32>
    %add3A = arith.addf %get3A_13, %get3A_18 : vector<2000x1xf32>
    %max3A = arith.constant 1.000000e+00 : f32
    %max3A_19 = vector.broadcast %max3A : f32 to vector<2000x1xf32>
    %max3A_20 = arith.maximumf %add3A, %max3A_19 : vector<2000x1xf32>
    %div3A = vector.broadcast %max3A_20 : vector<2000x1xf32> to vector<2000x128xf32>
    %div3A_21 = arith.divf %concatenate3A, %div3A : vector<2000x128xf32>
    %get3A_22 = arith.constant 0 : index
    %get3A_23 = arith.constant 0 : index
    %get3A_24 = vector.load %arg4[%get3A_22, %get3A_23] : memref<128x128xf32, #tpu.memory_space<vmem>>, vector<128x128xf32>
    %dot_general3A = arith.constant dense<0.000000e+00> : vector<2000x128xf32>
    %dot_general3A_25 = tpu.matmul %div3A_21, %get3A_24, %dot_general3A {dimension_numbers = #tpu.dot_dimension_numbers<[1], [0], [0], [1], [0, 0, 1, 1], [], []>, transpose_lhs_hint = false} : vector<2000x128xf32>, vector<128x128xf32>, vector<2000x128xf32> -> vector<2000x128xf32>
    %get3A_26 = arith.constant 0 : index
    %get3A_27 = arith.constant 0 : index
    %get3A_28 = vector.load %arg1[%get3A_26, %get3A_27] : memref<2000x128xf32, #tpu.memory_space<vmem>>, vector<2000x128xf32>
    %get3A_29 = arith.constant 0 : index
    %get3A_30 = arith.constant 0 : index
    %get3A_31 = vector.load %arg5[%get3A_29, %get3A_30] : memref<128x128xf32, #tpu.memory_space<vmem>>, vector<128x128xf32>
    %dot_general3A_32 = arith.constant dense<0.000000e+00> : vector<2000x128xf32>
    %dot_general3A_33 = tpu.matmul %get3A_28, %get3A_31, %dot_general3A_32 {dimension_numbers = #tpu.dot_dimension_numbers<[1], [0], [0], [1], [0, 0, 1, 1], [], []>, transpose_lhs_hint = false} : vector<2000x128xf32>, vector<128x128xf32>, vector<2000x128xf32> -> vector<2000x128xf32>
    %add3A_34 = arith.addf %dot_general3A_25, %dot_general3A_33 : vector<2000x128xf32>
    %get3A_35 = arith.constant 0 : index
    %get3A_36 = arith.constant 0 : index
    %get3A_37 = vector.load %arg6[%get3A_35, %get3A_36] : memref<1x128xf32, #tpu.memory_space<vmem>>, vector<1x128xf32>
    %add3A_38 = vector.broadcast %get3A_37 : vector<1x128xf32> to vector<2000x128xf32>
    %add3A_39 = arith.addf %add3A_34, %add3A_38 : vector<2000x128xf32>
    %swap3A = arith.constant 0 : index
    %swap3A_40 = arith.constant 0 : index
    %swap3A_41 = vector.load %arg7[%swap3A, %swap3A_40] : memref<2000x128xf32, #tpu.memory_space<vmem>>, vector<2000x128xf32>
    tpu.vector_store %arg7[%swap3A, %swap3A_40], %add3A_39 {strides = array<i32>} : memref<2000x128xf32, #tpu.memory_space<vmem>>, vector<2000x128xf32>,
    return
  }
  func.func @transform_0(%arg0: i32) -> (i32, i32) {
    %c0_i32 = arith.constant 0 : i32
    %c0_i32_0 = arith.constant 0 : i32
    return %arg0, %c0_i32 : i32, i32
  }
  func.func @transform_1(%arg0: i32) -> (i32, i32, i32) {
    %c0_i32 = arith.constant 0 : i32
    %c0_i32_0 = arith.constant 0 : i32
    %c0_i32_1 = arith.constant 0 : i32
    return %c0_i32, %arg0, %c0_i32_0 : i32, i32, i32
  }
  func.func @transform_2(%arg0: i32) -> (i32, i32, i32) {
    %c0_i32 = arith.constant 0 : i32
    %c0_i32_0 = arith.constant 0 : i32
    %c0_i32_1 = arith.constant 0 : i32
    return %c0_i32, %arg0, %c0_i32_0 : i32, i32, i32
  }
  func.func @transform_3(%arg0: i32) -> (i32, i32) {
    %c0_i32 = arith.constant 0 : i32
    %c0_i32_0 = arith.constant 0 : i32
    %c0_i32_1 = arith.constant 0 : i32
    return %c0_i32, %c0_i32_0 : i32, i32
  }
  func.func @transform_4(%arg0: i32) -> (i32, i32) {
    %c0_i32 = arith.constant 0 : i32
    %c0_i32_0 = arith.constant 0 : i32
    %c0_i32_1 = arith.constant 0 : i32
    return %c0_i32, %c0_i32_0 : i32, i32
  }
  func.func @transform_5(%arg0: i32) -> (i32, i32) {
    %c0_i32 = arith.constant 0 : i32
    %c0_i32_0 = arith.constant 0 : i32
    %c0_i32_1 = arith.constant 0 : i32
    return %c0_i32, %c0_i32_0 : i32, i32
  }
  func.func @transform_6(%arg0: i32) -> (i32, i32) {
    %c0_i32 = arith.constant 0 : i32
    %c0_i32_0 = arith.constant 0 : i32
    return %arg0, %c0_i32 : i32, i32
  }
}

</mosaic_0001>

<sc_bundles>
// kernel: kernel.4.cloned.1.call-start
scs
__scs_entry_jumppad:
0x0: {  	(pc) =	sbr.rel $0x88, $3  }
0x1: {  	(tag) =	ssettag $0x0;
	lr =	simm.s32 $0x1  }
0x2: {  	[smem:$0x3F9C] =	sst lr;
	_ =	strace $0xD0000000  }
0x3: {  	_ = 	snop  }
0x4: {  	_ = 	snop  }
0x5: {  	_ = 	snop  }
0x6: {  	_ = 	snop  }
0x7: {  	_ = 	snop  }
__scs_overlays_trampoline_lowered:
0x8: {  	[smem:$0x3FAB] =	sst s0  }
0x9: {  	[smem:$0x3FAC] =	sst s1  }
0xa: {  	[smem:$0x3FAD] =	sst s2  }
0xb: {  	[smem:$0x3FAE] =	sst s3  }
0xc: {  	[smem:$0x3FAF] =	sst s4  }
0xd: {  	[smem:$0x3FB0] =	sst s5  }
0xe: {  	[smem:$0x3FB1] =	sst s6  }
0xf: {  	[smem:$0x3FB2] =	sst s7  }
0x10: {  	[smem:$0x3FB3] =	sst s8  }
0x11: {  	[smem:$0x3FB4] =	sst s9;
	s0 =	simm.s32 @!p0 $0x0  }
0x12: {  	s1 =	sld [smem:$0x3F9A];
	s0 =	simm.s32 @p0 $0x1  }
0x13: {  	[smem:$0x3FB5] =	sst s0;
	s0 =	simm.s32 @!p1 $0x0  }
0x14: {  	s2 =	sld [smem:$0x3F99];
	s0 =	simm.s32 @p1 $0x1  }
0x15: {  	[smem:$0x3FB6] =	sst s0;
	s0 =	simm.s32 @!p2 $0x0  }
0x16: {  	s3 =	sld [smem:$0x3FDB];
	s0 =	simm.s32 @p2 $0x1  }
0x17: {  	s4 =	simm.s32 $0x1BF5;
	[smem:$0x3FB8] =	sst s0  }
0x18: {  	s0 =	sld [smem:$0x3F9B];
	_ =	swait.ge [sflag:s4], $0x0  }
0x19: {  	s7 =	sld [smem:$0x3F9C]  }
0x1a: {  	s8 =	sadd.s32 $0xFFFFE003, lr  }
0x1b: {  	s9 =	sadd.s32 $0xFFFFFEF7, lr;
	s5 =	simm.s32 $0xFFFFFFFF;
	p2 =	slt.u32 s8, $0xFFFFF086  }
0x1c: {  	p1 =	slt.u32 s9, $0xF7A;
	s5 =	simm.s32 @!p2 $0x0  }
0x1d: {  	s5 =	simm.s32 @p1 $0x1;
	p0 =	seq.s32 s7, s2  }
0x1e: {  	s7 =	smul.u32 @!p0 $0xF7A, s2;
	p2 =	seq.s32 @!p0 s5, $0x0  }
0x1f: {  	s9 =	smul.u32 $0xF7A, s1;
	s8 =	simm.s32 @!p0 $0x1BF5;
	p2 =	por !p2, p0  }
0x20: {  	[sflag:s8] =	ssyncset.s32 @!p0 $0xFFFFF086;
	s6 =	sadd.s32 @!p0 s3, s7;
	s7 =	simm.s32 @!p0 $0x108  }
0x21: {  	s3 =	sadd.s32 s3, s9;
	s6 =	sadd.s32 @!p0 $0x88, s6;
	s7 =	simm.s32 @p2 $0x1082  }
0x22: {  	[simem:s7], [sflag:s8] =	dma.local @!p0 [hbm:s6], $0xF7A  }
0x23: {  	s9 =	sor.u32 $0xD0000000, s2;
	s6 =	simm.s32 $0x108;
	_ =	swait.ge @!p0 [sflag:s8], $0x0  }
0x24: {  	s3 =	sadd.s32 $0x88, s3;
	s6 =	simm.s32 @!p1 $0x1082;
	[sflag:s4] =	ssyncset.s32 $0xFFFFF086  }
0x25: {  	[simem:s6], [sflag:s4] =	dma.local [hbm:s3], $0xF7A  }
0x26: {  	[smem:$0x3F9C] =	sst s1;
	(tag) =	ssettag s2;
	_ =	strace s9  }
0x27: {  	s1 =	sld [smem:$0x3FAC]  }
0x28: {  	s2 =	sld [smem:$0x3FAD]  }
0x29: {  	s4 =	sld [smem:$0x3FAF]  }
0x2a: {  	p0 =	seq.s32 s5, $0x0;
	s5 =	sld [smem:$0x3FB0]  }
0x2b: {  	s6 =	sld [smem:$0x3FB1]  }
0x2c: {  	s7 =	sld [smem:$0x3FB2]  }
0x2d: {  	s3 =	simm.s32 $0x108;
	s8 =	sld [smem:$0x3FB3]  }
0x2e: {  	s3 =	simm.s32 @!p0 $0x1082;
	s9 =	sld [smem:$0x3FB4]  }
0x2f: {  	lr =	sadd.s32 s0, s3;
	s0 =	sld [smem:$0x3FAB]  }
0x30: {  	s3 =	sld [smem:$0x3FAE]  }
0x31: {  	[smem:$0x3FB7] =	sst s10  }
0x32: {  	s10 =	sld [smem:$0x3FB5];
	_ =	sdelay $0x3  }
0x33: {  	p0 =	seq.s32 s10, $0x1;
	s10 =	sld [smem:$0x3FB7];
	_ =	sdelay $0x3  }
0x34: {  	[smem:$0x3FB7] =	sst s10  }
0x35: {  	s10 =	sld [smem:$0x3FB6];
	_ =	sdelay $0x3  }
0x36: {  	p1 =	seq.s32 s10, $0x1;
	s10 =	sld [smem:$0x3FB7];
	_ =	sdelay $0x3  }
0x37: {  	[smem:$0x3FB7] =	sst s10  }
0x38: {  	s10 =	sld [smem:$0x3FB8]  }
0x39: {  	_ = 	snop;
	(pc) =	sbr.ind lr, $3  }
0x3a: {  	_ = 	snop  }
0x3b: {  	_ = 	snop  }
0x3c: {  	p2 =	seq.s32 s10, $0x1;
	s10 =	sld [smem:$0x3FB7]  }
0x3d: {  	_ =	shalt  }
0x3e: {  	_ =	shalt  }
0x3f: {  	_ =	shalt  }
0x40: {  	_ =	shalt  }
0x41: {  	_ =	shalt  }
0x42: {  	_ =	shalt  }
0x43: {  	_ =	shalt  }
0x44: {  	_ =	shalt  }
0x45: {  	_ =	shalt  }
0x46: {  	_ =	shalt  }
0x47: {  	_ =	shalt  }
0x48: {  	_ =	shalt  }
0x49: {  	_ =	shalt  }
0x4a: {  	_ =	shalt  }
0x4b: {  	_ =	shalt  }
0x4c: {  	_ =	shalt  }
0x4d: {  	_ =	shalt  }
0x4e: {  	_ =	shalt  }
0x4f: {  	_ =	shalt  }
0x50: {  	_ =	shalt  }
0x51: {  	_ =	shalt  }
0x52: {  	_ =	shalt  }
0x53: {  	_ =	shalt  }
0x54: {  	_ =	shalt  }
0x55: {  	_ =	shalt  }
0x56: {  	_ =	shalt  }
0x57: {  	_ =	shalt  }
0x58: {  	_ =	shalt  }
0x59: {  	_ =	shalt  }
0x5a: {  	_ =	shalt  }
0x5b: {  	_ =	shalt  }
0x5c: {  	_ =	shalt  }
0x5d: {  	_ =	shalt  }
0x5e: {  	_ =	shalt  }
0x5f: {  	_ =	shalt  }
0x60: {  	_ =	shalt  }
0x61: {  	_ =	shalt  }
0x62: {  	_ =	shalt  }
0x63: {  	_ =	shalt  }
0x64: {  	_ =	shalt  }
0x65: {  	_ =	shalt  }
0x66: {  	_ =	shalt  }
0x67: {  	_ =	shalt  }
0x68: {  	_ =	shalt  }
0x69: {  	_ =	shalt  }
0x6a: {  	_ =	shalt  }
0x6b: {  	_ =	shalt  }
0x6c: {  	_ =	shalt  }
0x6d: {  	_ =	shalt  }
0x6e: {  	_ =	shalt  }
0x6f: {  	_ =	shalt  }
0x70: {  	_ =	shalt  }
0x71: {  	_ =	shalt  }
0x72: {  	_ =	shalt  }
0x73: {  	_ =	shalt  }
0x74: {  	_ =	shalt  }
0x75: {  	_ =	shalt  }
0x76: {  	_ =	shalt  }
0x77: {  	_ =	shalt  }
0x78: {  	_ =	shalt  }
0x79: {  	_ =	shalt  }
0x7a: {  	_ =	shalt  }
0x7b: {  	_ =	shalt  }
0x7c: {  	_ =	shalt  }
0x7d: {  	_ =	shalt  }
0x7e: {  	_ =	shalt  }
0x7f: {  	_ =	shalt  }
0x80: {  	_ =	shalt  }
0x81: {  	_ =	shalt  }
0x82: {  	_ =	shalt  }
0x83: {  	_ =	shalt  }
0x84: {  	_ =	shalt  }
0x85: {  	_ =	shalt  }
0x86: {  	_ =	shalt  }
0x87: {  	_ =	shalt  }
.Lfunc_end0:
.L_simem_size_0:
called_computation_lowered:
.L_overlay_start_0:
0x88: {  	s2 =	sld [smem:$0x3FD9]  }
0x89: {  	s3 =	sld [smem:$0x3FFE];
	_ =	sdelay $0x1  }
0x8a: {  	s1 =	srdreg.scid  }
0x8b: {  	s0 =	sand.u32 $0x1, s1  }
0x8c: {  	s17 =	sshll.u32 s0, $0xA;
	s2 =	sadd.s32 s3, s2  }
0x8d: {  	s2 =	sadd.s32 s2, s17  }
0x8e: {  	[smem:$0x3FC3] =	sst s2  }
0x8f: {  	_ = 	snop  }
0x90: {  	s2 =	sld [smem:$0x3FD0];
	(tm) =	ssettm $0x1  }
0x91: {  	s18 =	sld [smem:$0x3FFB];
	_ =	sdelay $0x3  }
0x92: {  	_ =	strace s18  }
0x93: {  	s3 =	sld [smem:$0x3FFC];
	_ =	sdelay $0x3  }
0x94: {  	_ =	strace s3  }
0x95: {  	s3 =	sld [smem:$0x3FFD];
	_ =	sdelay $0x3  }
0x96: {  	_ =	strace s3  }
0x97: {  	_ =	strace $0x8FFFFFFF  }
0x98: {  	s19 =	sld [smem:$0x3FDB];
	_ =	sdelay $0x1  }
0x99: {  	s4 =	simm.s32 $_scs_section_size  }
0x9a: {  	s5 =	simm.s32 $_size__tile_overlayer_lowered;
	s6 =	simm.s32 $_tile_overlayer_lowered  }
0x9b: {  	s22 =	simm.s32 $0x1BFF;
	s21 =	sshll.u32 s6, $0x1;
	s3 =	sadd.s32 s4, s19  }
0x9c: {  	s7 =	simm.s32 $0x0;
	s20 =	sshll.u32 s5, $0x1;
	s5 =	sadd.s32 s21, s3  }
0x9d: {  	[timem:s7], [sflag:s22] =	dma.local [hbm:s5], s20  }
0x9e: {  	_ =	swait.ge [sflag:s22], s20  }
0x9f: {  	s4 =	ssub.s32 $0x0, s20;
	[sflag:s22] =	ssyncset.done $0x0  }
0xa0: {  	[sflag:s22] =	ssyncadd.s32 s4;
	_ =	sdelay $0x1  }
0xa1: {  	s23 =	simm.s32 $0x1B8B  }
0xa2: {  	_ =	swait.ge [sflag:s23], $0x1  }
0xa3: {  	[sflag:s23] =	ssyncset.done $0x0  }
0xa4: {  	s25 =	simm.s32 $0x1B8E;
	s24 =	sld [smem:$0x3FFE];
	[sflag:s23] =	ssyncadd.s32 $0xFFFFFFFF  }
0xa5: {  	s26 =	simm.s32 $execute0_lowered;
	[smem:$0x3FD2] =	sst s25  }
0xa6: {  	s5 =	sshll.u32 s26, $0x1;
	_ =	strace $0x80000046;
	[dreg:$0x1] =	wrdreg $0xFFFFFFFF  }
0xa7: {  	s28 =	simm.s32 $_size_execute0_lowered;
	s3 =	sadd.s32 s3, s5;
	[dreg:$0x0] =	wrdreg $0x0  }
0xa8: {  	s5 =	sshll.u32 s28, $0x1;
	[dreg:$0x2] =	wrdreg s3  }
0xa9: {  	[dreg:$0x3] =	wrdreg s5  }
0xaa: {  	[dreg:$0x4] =	wrdreg $0xC0  }
0xab: {  	_ =	task [dreg:s7], $0x5FFFF  }
0xac: {  	[dreg:$0x1] =	wrdreg $0xFFFFFFFF  }
0xad: {  	[dreg:$0x0] =	wrdreg $0x60  }
0xae: {  	[dreg:$0x2] =	wrdreg s2  }
0xaf: {  	[dreg:$0x3] =	wrdreg s24  }
0xb0: {  	[dreg:$0x4] =	wrdreg $0x58000  }
0xb1: {  	[dreg:$0x5] =	wrdreg $0xF4400  }
0xb2: {  	[dreg:$0x6] =	wrdreg $0x190C00  }
0xb3: {  	[dreg:$0x7] =	wrdreg $0x9  }
0xb4: {  	_ =	task.clear_ibuf [dreg:s7], $0x8FFFF;
	_ =	strace $0x90000046  }
0xb5: {  	s29 =	simm.s32 $0x9;
	_ =	strace $0x80000048  }
0xb6: {  	_ =	swait.ge [sflag:s29], $0x1  }
0xb7: {  	[sflag:s29] =	ssyncadd.s32 $0xFFFFFFFF  }
0xb8: {  	_ =	strace $0x90000048  }
0xb9: {  	_ =	sfence  }
0xba: {  	s30 =	sld [smem:$0x0];
	_ =	sdelay $0x2  }
0xbb: {  	s31 =	sshll.u32 s1, $0xD;
	s1 =	sshrl.u32 s1, $0x2  }
0xbc: {  	s3 =	sand.u32 $0x4000, s31;
	s1 =	sadd.s32 s1, s30  }
0xbd: {  	s0 =	sor.u32 s3, s0;
	s1 =	sshll.u32 s1, $0x11  }
0xbe: {  	s0 =	sor.u32 s1, s0  }
0xbf: {  	s0 =	sadd.s32 $0x8F2B, s0  }
0xc0: {  	[sflag:s0] =	ssyncadd.remote.s32 $0x1  }
0xc1: {  	_ =	sfence.sel $0xFFFF  }
0xc2: {  	[dreg:$0x0] =	wrdreg $0xFFFFFFFF;
	(pc) =	sbr.abs _section_cstart, $3  }
0xc3: {  	[dreg:$0x1] =	wrdreg $0xFFFFFFFF  }
0xc4: {  	_ =	task.clear_ibuf [dreg:s7], $0x2FFFF;
	_ =	strace $0x9FFFFFFF  }
0xc5: {  	(tm) =	ssettm $0x7FFFFFFF  }
tec
execute0_lowered:
.L_overlay_start_1:
0x0: {  	(tag) =	ssettag $0x1  }
0x1: {  	s0 =	rddreg [dreg:$0x0]  }
0x2: {  	s2 =	rddreg [dreg:$0x1]  }
0x3: {  	s1 =	rddreg [dreg:$0x2]  }
0x4: {  	s3 =	rddreg [dreg:$0x3]  }
0x5: {  	s4 =	rddreg [dreg:$0x4]  }
0x6: {  	s6 =	srdreg.scid;
	s17 =	stileid.u32  }
0x7: {  	s5 =	simm.s32 $0x0;
	s28 =	simm.s32 $0x3000;
	s29 =	simm.s32 $0x3  }
0x8: {  	s31 =	simm.s32 $0x2;
	s30 =	simm.s32 $0x0;
	s7 =	smul.u32 $0x9C80, s17  }
0x9: {  	s6 =	sand.u32 $0x1, s6;
	[smem:$0x7FF] =	sst s5;
	s9 =	smul.u32 $0x2720, s17  }
0xa: {  	s11 =	sadd.s32 $0xAC00, s2;
	s12 =	sadd.s32 $0xC00, s2;
	s14 =	smul.u32 $0x9C40, s17  }
0xb: {  	s13 =	sadd.s32 $0x15400, s2;
	s22 =	sadd.s32 $0x14E00, s2;
	s16 =	smul.u32 $0x5000, s17  }
0xc: {  	s8 =	smul.u32 $0x9C800, s6;
	_ =	strace $0x80000047;
	[dreg:$0x6] =	wrdreg s13  }
0xd: {  	s23 =	sadd.s32 $0x14C00, s2;
	s10 =	smul.u32 $0x27200, s6;
	[dreg:$0x7] =	wrdreg s22  }
0xe: {  	[dreg:$0x8] =	wrdreg s23;
	s24 =	smul.u32 $0x9C400, s6;
	s25 =	ssub.s32 $0x2, s6  }
0xf: {  	s22 =	smul.u32 $0xA00, s17;
	p0 =	seq.s32 s6, $0x1;
	p1 =	sne.s32 s6, $0x0  }
0x10: {  	p2 =	seq.s32 s6, $0x0;
	s15 =	sshrl.u32 s25, $0x1;
	s16 =	sshrl.u32 s16, $0x3  }
0x11: {  	s20 =	sadd.s32 s7, s3;
	s21 =	sadd.s32 s9, s4;
	s8 =	sadd.s32 s7, s8  }
0x12: {  	s10 =	sadd.s32 s9, s10;
	s13 =	sadd.s32 s14, s24;
	s15 =	ssub.s32 s25, s15  }
0x13: {  	s14 =	sadd.s32 s14, s1;
	s18 =	sadd.s32 s11, s16;
	[dreg:$0xc] =	wrdreg s20  }
0x14: {  	s19 =	sadd.s32 s12, s16;
	[dreg:$0xd] =	wrdreg s21;
	s25 =	sadd.s32 s22, s12  }
0x15: {  	s21 =	simm.s32 $0x5;
	s8 =	sshrl.u32 s8, $0x3;
	s10 =	sshrl.u32 s10, $0x3  }
0x16: {  	s26 =	sshrl.u32 s13, $0x3;
	s13 =	sshll.u32 s17, $0x6;
	[dreg:$0xa] =	wrdreg s18  }
0x17: {  	[dreg:$0xb] =	wrdreg s19;
	s24 =	smax.u32 s15, $0x1;
	s18 =	sadd.s32 $0x100, s25  }
0x18: {  	s25 =	simm.s32 $0x1000;
	s8 =	sadd.s32 s8, s2;
	s2 =	sadd.s32 s10, s2  }
0x19: {  	s0 =	sadd.s32 s0, s26;
	s10 =	sor.u32 $0x1C05, s13;
	[dreg:$0x10] =	wrdreg s24  }
0x1a: {  	s26 =	sshrl.u32 s14, $0x3;
	s24 =	simm.s32 $0x80;
	[dreg:$0x9] =	wrdreg s0  }
0x1b: {  	s23 =	sadd.s32 $0x16800, s8;
	s2 =	sadd.s32 $0x3DA00, s2;
	[dreg:$0x11] =	wrdreg s26  }
0x1c: {  	s0 =	sadd.s32 s22, s11;
	s26 =	simm.s32 $0x1;
	[dreg:$0xe] =	wrdreg s23  }
0x1d: {  	[dreg:$0xf] =	wrdreg s2;
	s19 =	sadd.s32 $0x100, s0;
	s0 =	simm.s32 $0x4  }
.LBB2_1:
0x1e: {  	s2 =	rddreg [dreg:$0x9]  }
0x1f: {  	s6 =	rddreg [dreg:$0x11]  }
0x20: {  	[spmem:s6], [sflag:s10] =	dma.local [hbm:s2], $0x1388  }
0x21: {  	_ =	swait.ge [sflag:s21], $0x1388  }
0x22: {  	[sflag:s21] =	ssyncset.done $0x0  }
0x23: {  	s9 =	rddreg [dreg:$0xa];
	[sflag:s21] =	ssyncadd.s32 $0xFFFFEC78  }
0x24: {  	[tilespmem:s5], [sflag:$0x5] =	stream.linear.gather [hbm4b:s9+s5], $0x800, $0x38;
	[tilespmem:$0x1B7E0] =	vst v63  }
0x25: {  	_ =	swait.ge [sflag:s21], $0x800  }
0x26: {  	[sflag:s21] =	ssyncset.done $0x0  }
0x27: {  	s7 =	simm.s32 $0x800;
	s11 =	rddreg [dreg:$0xb];
	[sflag:s21] =	ssyncadd.s32 $0xFFFFF800  }
0x28: {  	[tilespmem:s7], [sflag:$0x5] =	stream.linear.gather [hbm4b:s11+s5], $0x800, $0x38;
	[tilespmem:$0x1B7E0] =	vst v63  }
0x29: {  	_ =	swait.ge [sflag:s21], $0x800  }
0x2a: {  	[sflag:s21] =	ssyncset.done $0x0  }
0x2b: {  	s13 =	simm.s32 $0x5000;
	s12 =	rddreg [dreg:$0x8];
	[sflag:s21] =	ssyncadd.s32 $0xFFFFF800  }
0x2c: {  	[tilespmem:s13], [sflag:$0x5] =	stream.linear.gather [hbm4b:s12+s5], $0x800, $0x38;
	[tilespmem:$0x1B7E0] =	vst v63  }
0x2d: {  	_ =	swait.ge [sflag:s21], $0x800  }
0x2e: {  	[sflag:s21] =	ssyncset.done $0x0;
	s14 =	rddreg [dreg:$0xc]  }
0x2f: {  	s15 =	rddreg [dreg:$0x6];
	[sflag:s21] =	ssyncadd.s32 $0xFFFFF800;
	s2 =	sshrl.u32 s14, $0x3  }
0x30: {  	[spmem:s2], [sflag:s10] =	dma.local [hbm:s15], $0x1390  }
0x31: {  	_ =	swait.ge [sflag:s21], $0x1390  }
0x32: {  	[sflag:s21] =	ssyncset.done $0x0;
	s16 =	rddreg [dreg:$0xd]  }
0x33: {  	s17 =	rddreg [dreg:$0x7];
	[sflag:s21] =	ssyncadd.s32 $0xFFFFEC70;
	s23 =	sshrl.u32 s16, $0x3  }
0x34: {  	[spmem:s23], [sflag:s10] =	dma.local [hbm:s17], $0x4E4  }
0x35: {  	_ =	swait.ge [sflag:s21], $0x4E4  }
0x36: {  	[sflag:s21] =	ssyncset.done $0x0  }
0x37: {  	[sflag:s21] =	ssyncadd.s32 $0xFFFFFB1C  }
0x38: {  	[bflag:$0x0] =	sbarrier.arrive $0xFFFF  }
0x39: {  	[tilespmem:s25], [sflag:$0x1] =	stream.indirect.gather [spmem:s1], $0x40, s5, s24, $0xb8;
	[tilespmem:$0x1B7E0] =	vst v63  }
0x3a: {  	_ =	swait.ge [sflag:s26], $0x2000  }
0x3b: {  	[sflag:s26] =	ssyncset.done $0x0  }
0x3c: {  	[sflag:s26] =	ssyncadd.s32 $0xFFFFE000  }
0x3d: {  	[tilespmem:s28], [sflag:$0x2] =	stream.indirect.gather [spmem:s1], $0x40, s24, s24, $0xb8;
	[tilespmem:$0x1B7E0] =	vst v63  }
0x3e: {  	s9 =	simm.s32 @p1 $0x3  }
0x3f: {  	[spmem:s3] =	stream.indirect.scatter.add.f32 [tilespmem:s25], [sflag:$0x3], $0x40, s7, s24, $0xb8;
	[tilespmem:$0x1B7E0] =	vst v63  }
0x40: {  	_ =	swait.ge @p1 [sflag:s9], $0x2000  }
0x41: {  	[sflag:s9] =	ssyncset.done @p1 $0x0  }
0x42: {  	s11 =	simm.s32 @p1 $0x2;
	[sflag:s9] =	ssyncadd.s32 @p1 $0xFFFFE000  }
0x43: {  	_ =	swait.ge @p1 [sflag:s11], $0x2000  }
0x44: {  	s6 =	simm.s32 @p1 $0x100;
	[sflag:s11] =	ssyncset.done @p1 $0x0  }
0x45: {  	s12 =	simm.s32 @p1 $0x80;
	s13 =	simm.s32 @p1 $0x1000;
	[sflag:s11] =	ssyncadd.s32 @p1 $0xFFFFE000  }
0x46: {  	[tilespmem:s13], [sflag:$0x1] =	stream.indirect.gather @p1 [spmem:s1], $0x40, s6, s12, $0xb8;
	[tilespmem:$0x1B7E0] =	vst v63  }
0x47: {  	s14 =	simm.s32 @p1 $0x3000;
	s6 =	simm.s32 @p1 $0x880  }
0x48: {  	[spmem:s3] =	stream.indirect.scatter.add.f32 @p1 [tilespmem:s14], [sflag:$0x3], $0x40, s6, s12, $0xb8;
	[tilespmem:$0x1B7E0] =	vst v63  }
0x49: {  	s8 =	simm.s32 @!p1 $0x5000;
	s7 =	simm.s32 @!p1 $0x800;
	s6 =	simm.s32 @!p1 $0x80  }
0x4a: {  	[spmem:s4] =	stream.indirect.scatter.add.f32 @!p1 [tilespmem:s8], [sflag:$0x5], $0x10, s7, s6, $0xb8;
	[tilespmem:$0x1B7E0] =	vst v63  }
0x4b: {  	s7 =	simm.s32 @!p1 $0x5  }
0x4c: {  	_ =	swait.ge @!p1 [sflag:s7], $0x800  }
0x4d: {  	[sflag:s7] =	ssyncset.done @!p1 $0x0  }
0x4e: {  	s22 =	simm.s32 @!p1 $0x3;
	[sflag:s7] =	ssyncadd.s32 @!p1 $0xFFFFF800  }
0x4f: {  	_ =	swait.ge @!p1 [sflag:s22], $0x2000  }
0x50: {  	[sflag:s22] =	ssyncset.done @!p1 $0x0  }
0x51: {  	s15 =	simm.s32 @!p1 $0x2;
	[sflag:s22] =	ssyncadd.s32 @!p1 $0xFFFFE000  }
0x52: {  	_ =	swait.ge @!p1 [sflag:s15], $0x2000  }
0x53: {  	[sflag:s15] =	ssyncset.done @!p1 $0x0  }
0x54: {  	s16 =	simm.s32 @!p1 $0x1000;
	s17 =	simm.s32 @!p1 $0x100;
	[sflag:s15] =	ssyncadd.s32 @!p1 $0xFFFFE000  }
0x55: {  	[tilespmem:s16], [sflag:$0x1] =	stream.indirect.gather @!p1 [spmem:s1], $0x40, s17, s6, $0xb8;
	[tilespmem:$0x1B7E0] =	vst v63  }
0x56: {  	s20 =	simm.s32 @!p1 $0x880;
	s17 =	simm.s32 @!p1 $0x3000  }
0x57: {  	[spmem:s3] =	stream.indirect.scatter.add.f32 @!p1 [tilespmem:s17], [sflag:$0x3], $0x40, s20, s6, $0xb8;
	[tilespmem:$0x1B7E0] =	vst v63  }
0x58: {  	_ = 	snop  }
0x59: {  	[spmem:s4] =	stream.indirect.scatter.add.f32 @!p1 [tilespmem:s8], [sflag:$0x5], $0x10, s20, s6, $0xb8;
	[tilespmem:$0x1B7E0] =	vst v63  }
0x5a: {  	_ =	swait.ge @!p1 [sflag:s7], $0x800  }
0x5b: {  	[sflag:s7] =	ssyncset.done @!p1 $0x0  }
0x5c: {  	[sflag:s7] =	ssyncadd.s32 @!p1 $0xFFFFF800  }
0x5d: {  	_ =	swait.ge [sflag:s29], $0x2000  }
0x5e: {  	[sflag:s29] =	ssyncset.done $0x0  }
0x5f: {  	[sflag:s29] =	ssyncadd.s32 $0xFFFFE000  }
0x60: {  	_ =	swait.ge [sflag:s26], $0x2000  }
0x61: {  	[sflag:s26] =	ssyncset.done $0x0  }
0x62: {  	s20 =	simm.s32 $0x180;
	[sflag:s26] =	ssyncadd.s32 $0xFFFFE000  }
0x63: {  	[tilespmem:s28], [sflag:$0x2] =	stream.indirect.gather [spmem:s1], $0x40, s20, s24, $0xb8;
	[tilespmem:$0x1B7E0] =	vst v63  }
0x64: {  	s20 =	simm.s32 $0x900  }
0x65: {  	[spmem:s3] =	stream.indirect.scatter.add.f32 [tilespmem:s25], [sflag:$0x3], $0x40, s20, s24, $0xb8;
	[tilespmem:$0x1B7E0] =	vst v63  }
0x66: {  	_ =	swait.ge @p1 [sflag:s9], $0x2000  }
0x67: {  	[sflag:s9] =	ssyncset.done @p1 $0x0  }
0x68: {  	[sflag:s9] =	ssyncadd.s32 @p1 $0xFFFFE000  }
0x69: {  	_ =	swait.ge @p1 [sflag:s11], $0x2000  }
0x6a: {  	[sflag:s11] =	ssyncset.done @p1 $0x0  }
0x6b: {  	s20 =	simm.s32 @p1 $0x200;
	[sflag:s11] =	ssyncadd.s32 @p1 $0xFFFFE000  }
0x6c: {  	[tilespmem:s13], [sflag:$0x1] =	stream.indirect.gather @p1 [spmem:s1], $0x40, s20, s12, $0xb8;
	[tilespmem:$0x1B7E0] =	vst v63  }
0x6d: {  	s20 =	simm.s32 @p1 $0x980  }
0x6e: {  	[spmem:s3] =	stream.indirect.scatter.add.f32 @p1 [tilespmem:s14], [sflag:$0x3], $0x40, s20, s12, $0xb8;
	[tilespmem:$0x1B7E0] =	vst v63  }
0x6f: {  	s20 =	simm.s32 @!p1 $0x900  }
0x70: {  	[spmem:s4] =	stream.indirect.scatter.add.f32 @!p1 [tilespmem:s8], [sflag:$0x5], $0x10, s20, s6, $0xb8;
	[tilespmem:$0x1B7E0] =	vst v63  }
0x71: {  	_ =	swait.ge @!p1 [sflag:s7], $0x800  }
0x72: {  	[sflag:s7] =	ssyncset.done @!p1 $0x0  }
0x73: {  	[sflag:s7] =	ssyncadd.s32 @!p1 $0xFFFFF800  }
0x74: {  	_ =	swait.ge @!p1 [sflag:s22], $0x2000  }
0x75: {  	[sflag:s22] =	ssyncset.done @!p1 $0x0  }
0x76: {  	[sflag:s22] =	ssyncadd.s32 @!p1 $0xFFFFE000  }
0x77: {  	_ =	swait.ge @!p1 [sflag:s15], $0x2000  }
0x78: {  	[sflag:s15] =	ssyncset.done @!p1 $0x0  }
0x79: {  	s20 =	simm.s32 @!p1 $0x200;
	[sflag:s15] =	ssyncadd.s32 @!p1 $0xFFFFE000  }
0x7a: {  	[tilespmem:s16], [sflag:$0x1] =	stream.indirect.gather @!p1 [spmem:s1], $0x40, s20, s6, $0xb8;
	[tilespmem:$0x1B7E0] =	vst v63  }
0x7b: {  	s20 =	simm.s32 @!p1 $0x980  }
0x7c: {  	[spmem:s3] =	stream.indirect.scatter.add.f32 @!p1 [tilespmem:s17], [sflag:$0x3], $0x40, s20, s6, $0xb8;
	[tilespmem:$0x1B7E0] =	vst v63  }
0x7d: {  	_ = 	snop  }
0x7e: {  	[spmem:s4] =	stream.indirect.scatter.add.f32 @!p1 [tilespmem:s8], [sflag:$0x5], $0x10, s20, s6, $0xb8;
	[tilespmem:$0x1B7E0] =	vst v63  }
0x7f: {  	_ =	swait.ge @!p1 [sflag:s7], $0x800  }
0x80: {  	[sflag:s7] =	ssyncset.done @!p1 $0x0  }
0x81: {  	[sflag:s7] =	ssyncadd.s32 @!p1 $0xFFFFF800  }
0x82: {  	_ =	swait.ge [sflag:s29], $0x2000  }
0x83: {  	[sflag:s29] =	ssyncset.done $0x0  }
0x84: {  	[sflag:s29] =	ssyncadd.s32 $0xFFFFE000  }
0x85: {  	_ =	swait.ge [sflag:s26], $0x2000  }
0x86: {  	[sflag:s26] =	ssyncset.done $0x0  }
0x87: {  	s20 =	simm.s32 $0x280;
	[sflag:s26] =	ssyncadd.s32 $0xFFFFE000  }
0x88: {  	[tilespmem:s28], [sflag:$0x2] =	stream.indirect.gather [spmem:s1], $0x40, s20, s24, $0xb8;
	[tilespmem:$0x1B7E0] =	vst v63  }
0x89: {  	s20 =	simm.s32 $0xA00  }
0x8a: {  	[spmem:s3] =	stream.indirect.scatter.add.f32 [tilespmem:s25], [sflag:$0x3], $0x40, s20, s24, $0xb8;
	[tilespmem:$0x1B7E0] =	vst v63  }
0x8b: {  	_ =	swait.ge @p1 [sflag:s9], $0x2000  }
0x8c: {  	[sflag:s9] =	ssyncset.done @p1 $0x0  }
0x8d: {  	[sflag:s9] =	ssyncadd.s32 @p1 $0xFFFFE000  }
0x8e: {  	_ =	swait.ge @p1 [sflag:s11], $0x2000  }
0x8f: {  	[sflag:s11] =	ssyncset.done @p1 $0x0  }
0x90: {  	s20 =	simm.s32 @p1 $0x300;
	[sflag:s11] =	ssyncadd.s32 @p1 $0xFFFFE000  }
0x91: {  	[tilespmem:s13], [sflag:$0x1] =	stream.indirect.gather @p1 [spmem:s1], $0x40, s20, s12, $0xb8;
	[tilespmem:$0x1B7E0] =	vst v63  }
0x92: {  	s20 =	simm.s32 @p1 $0xA80  }
0x93: {  	[spmem:s3] =	stream.indirect.scatter.add.f32 @p1 [tilespmem:s14], [sflag:$0x3], $0x40, s20, s12, $0xb8;
	[tilespmem:$0x1B7E0] =	vst v63  }
0x94: {  	s20 =	simm.s32 @!p1 $0xA00  }
0x95: {  	[spmem:s4] =	stream.indirect.scatter.add.f32 @!p1 [tilespmem:s8], [sflag:$0x5], $0x10, s20, s6, $0xb8;
	[tilespmem:$0x1B7E0] =	vst v63  }
0x96: {  	_ =	swait.ge @!p1 [sflag:s7], $0x800  }
0x97: {  	[sflag:s7] =	ssyncset.done @!p1 $0x0  }
0x98: {  	[sflag:s7] =	ssyncadd.s32 @!p1 $0xFFFFF800  }
0x99: {  	_ =	swait.ge @!p1 [sflag:s22], $0x2000  }
0x9a: {  	[sflag:s22] =	ssyncset.done @!p1 $0x0  }
0x9b: {  	[sflag:s22] =	ssyncadd.s32 @!p1 $0xFFFFE000  }
0x9c: {  	_ =	swait.ge @!p1 [sflag:s15], $0x2000  }
0x9d: {  	[sflag:s15] =	ssyncset.done @!p1 $0x0  }
0x9e: {  	s20 =	simm.s32 @!p1 $0x300;
	[sflag:s15] =	ssyncadd.s32 @!p1 $0xFFFFE000  }
0x9f: {  	[tilespmem:s16], [sflag:$0x1] =	stream.indirect.gather @!p1 [spmem:s1], $0x40, s20, s6, $0xb8;
	[tilespmem:$0x1B7E0] =	vst v63  }
0xa0: {  	s20 =	simm.s32 @!p1 $0xA80  }
0xa1: {  	[spmem:s3] =	stream.indirect.scatter.add.f32 @!p1 [tilespmem:s17], [sflag:$0x3], $0x40, s20, s6, $0xb8;
	[tilespmem:$0x1B7E0] =	vst v63  }
0xa2: {  	_ = 	snop  }
0xa3: {  	[spmem:s4] =	stream.indirect.scatter.add.f32 @!p1 [tilespmem:s8], [sflag:$0x5], $0x10, s20, s6, $0xb8;
	[tilespmem:$0x1B7E0] =	vst v63  }
0xa4: {  	_ =	swait.ge @!p1 [sflag:s7], $0x800  }
0xa5: {  	[sflag:s7] =	ssyncset.done @!p1 $0x0  }
0xa6: {  	[sflag:s7] =	ssyncadd.s32 @!p1 $0xFFFFF800  }
0xa7: {  	_ =	swait.ge [sflag:s29], $0x2000  }
0xa8: {  	[sflag:s29] =	ssyncset.done $0x0  }
0xa9: {  	[sflag:s29] =	ssyncadd.s32 $0xFFFFE000  }
0xaa: {  	_ =	swait.ge [sflag:s26], $0x2000  }
0xab: {  	[sflag:s26] =	ssyncset.done $0x0  }
0xac: {  	s20 =	simm.s32 $0x380;
	[sflag:s26] =	ssyncadd.s32 $0xFFFFE000  }
0xad: {  	[tilespmem:s28], [sflag:$0x2] =	stream.indirect.gather [spmem:s1], $0x40, s20, s24, $0xb8;
	[tilespmem:$0x1B7E0] =	vst v63  }
0xae: {  	s20 =	simm.s32 $0xB00  }
0xaf: {  	[spmem:s3] =	stream.indirect.scatter.add.f32 [tilespmem:s25], [sflag:$0x3], $0x40, s20, s24, $0xb8;
	[tilespmem:$0x1B7E0] =	vst v63  }
0xb0: {  	_ =	swait.ge @p1 [sflag:s9], $0x2000  }
0xb1: {  	[sflag:s9] =	ssyncset.done @p1 $0x0  }
0xb2: {  	[sflag:s9] =	ssyncadd.s32 @p1 $0xFFFFE000  }
0xb3: {  	_ =	swait.ge @p1 [sflag:s11], $0x2000  }
0xb4: {  	[sflag:s11] =	ssyncset.done @p1 $0x0  }
0xb5: {  	s9 =	simm.s32 @p1 $0x400;
	[sflag:s11] =	ssyncadd.s32 @p1 $0xFFFFE000  }
0xb6: {  	[tilespmem:s13], [sflag:$0x1] =	stream.indirect.gather @p1 [spmem:s1], $0x40, s9, s12, $0xb8;
	[tilespmem:$0x1B7E0] =	vst v63  }
0xb7: {  	s9 =	simm.s32 @p1 $0xB80  }
0xb8: {  	[spmem:s3] =	stream.indirect.scatter.add.f32 @p1 [tilespmem:s14], [sflag:$0x3], $0x40, s9, s12, $0xb8;
	[tilespmem:$0x1B7E0] =	vst v63  }
0xb9: {  	s9 =	simm.s32 @!p1 $0xB00  }
0xba: {  	[spmem:s4] =	stream.indirect.scatter.add.f32 @!p1 [tilespmem:s8], [sflag:$0x5], $0x10, s9, s6, $0xb8;
	[tilespmem:$0x1B7E0] =	vst v63  }
0xbb: {  	_ =	swait.ge @!p1 [sflag:s7], $0x800  }
0xbc: {  	[sflag:s7] =	ssyncset.done @!p1 $0x0  }
0xbd: {  	[sflag:s7] =	ssyncadd.s32 @!p1 $0xFFFFF800  }
0xbe: {  	_ =	swait.ge @!p1 [sflag:s22], $0x2000  }
0xbf: {  	[sflag:s22] =	ssyncset.done @!p1 $0x0  }
0xc0: {  	[sflag:s22] =	ssyncadd.s32 @!p1 $0xFFFFE000  }
0xc1: {  	_ =	swait.ge @!p1 [sflag:s15], $0x2000  }
0xc2: {  	[sflag:s15] =	ssyncset.done @!p1 $0x0  }
0xc3: {  	s9 =	simm.s32 @!p1 $0x400;
	[sflag:s15] =	ssyncadd.s32 @!p1 $0xFFFFE000  }
0xc4: {  	[tilespmem:s16], [sflag:$0x1] =	stream.indirect.gather @!p1 [spmem:s1], $0x40, s9, s6, $0xb8;
	[tilespmem:$0x1B7E0] =	vst v63  }
0xc5: {  	s9 =	simm.s32 @!p1 $0xB80  }
0xc6: {  	[spmem:s3] =	stream.indirect.scatter.add.f32 @!p1 [tilespmem:s17], [sflag:$0x3], $0x40, s9, s6, $0xb8;
	[tilespmem:$0x1B7E0] =	vst v63  }
0xc7: {  	_ = 	snop  }
0xc8: {  	[spmem:s4] =	stream.indirect.scatter.add.f32 @!p1 [tilespmem:s8], [sflag:$0x5], $0x10, s9, s6, $0xb8;
	[tilespmem:$0x1B7E0] =	vst v63  }
0xc9: {  	_ =	swait.ge @!p1 [sflag:s7], $0x800  }
0xca: {  	[sflag:s7] =	ssyncset.done @!p1 $0x0  }
0xcb: {  	s20 =	sxor.u32 $0xFFFFFFFF, s5;
	[sflag:s7] =	ssyncadd.s32 @!p1 $0xFFFFF800  }
0xcc: {  	s6 =	sand.u32 $0x1, s20;
	_ =	swait.ge [sflag:s29], $0x2000  }
0xcd: {  	s11 =	sshll.u32 s6, $0xA;
	[sflag:s29] =	ssyncset.done $0x0  }
0xce: {  	s7 =	sxor.u32 $0x400, s11;
	[sflag:s29] =	ssyncadd.s32 $0xFFFFE000  }
0xcf: {  	[tilespmem:s7], [sflag:$0x4] =	stream.linear.gather [hbm4b:s19+s5], $0x400, $0x38;
	[tilespmem:$0x1B7E0] =	vst v63  }
0xd0: {  	p3 =	por $0x1, $0x1;
	s6 =	sxor.u32 $0xC00, s11  }
0xd1: {  	[tilespmem:s6], [sflag:$0x4] =	stream.linear.gather [hbm4b:s18+s5], $0x400, $0x38;
	[tilespmem:$0x1B7E0] =	vst v63  }
0xd2: {  	p4 =	por $0x0, $0x0;
	p3 =	por !p2, !p3;
	_ =	swait.ge [sflag:s26], $0x2000  }
0xd3: {  	p4 =	por !p4, !p0;
	p3 =	por !p3, !p3;
	[sflag:s26] =	ssyncset.done $0x0  }
0xd4: {  	p4 =	por !p4, !p4;
	s22 =	sor.u32 $0x80, s11;
	[sflag:s26] =	ssyncadd.s32 $0xFFFFE000  }
0xd5: {  	[tilespmem:s28], [sflag:$0x2] =	stream.indirect.gather [spmem:s1], $0x40, s22, s24, $0xb8;
	[tilespmem:$0x1B7E0] =	vst v63  }
0xd6: {  	p3 =	por p3, p4;
	s13 =	sor.u32 $0x800, s11  }
0xd7: {  	[spmem:s3] =	stream.indirect.scatter.add.f32 [tilespmem:s25], [sflag:$0x3], $0x40, s13, s24, $0xb8;
	[tilespmem:$0x1B7E0] =	vst v63  }
0xd8: {  	s8 =	simm.s32 @p3 $0x80;
	s9 =	simm.s32 @p3 $0x5000;
	s6 =	simm.s32 @p3 $0x5  }
0xd9: {  	[spmem:s4] =	stream.indirect.scatter.add.f32 @p3 [tilespmem:s9], [sflag:$0x5], $0x10, s13, s8, $0xb8;
	[tilespmem:$0x1B7E0] =	vst v63  }
0xda: {  	_ =	swait.ge @p3 [sflag:s6], $0x800  }
0xdb: {  	[sflag:s6] =	ssyncset.done @p3 $0x0  }
0xdc: {  	[sflag:s6] =	ssyncadd.s32 @p3 $0xFFFFF800  }
0xdd: {  	_ =	swait.ge [sflag:s29], $0x2000  }
0xde: {  	[sflag:s29] =	ssyncset.done $0x0  }
0xdf: {  	[sflag:s29] =	ssyncadd.s32 $0xFFFFE000  }
0xe0: {  	_ =	swait.ge [sflag:s31], $0x2000  }
0xe1: {  	[sflag:s31] =	ssyncset.done $0x0  }
0xe2: {  	s14 =	sor.u32 $0x100, s11;
	[sflag:s31] =	ssyncadd.s32 $0xFFFFE000  }
0xe3: {  	[tilespmem:s25], [sflag:$0x1] =	stream.indirect.gather [spmem:s1], $0x40, s14, s24, $0xb8;
	[tilespmem:$0x1B7E0] =	vst v63  }
0xe4: {  	s12 =	sor.u32 $0x800, s22  }
0xe5: {  	[spmem:s3] =	stream.indirect.scatter.add.f32 [tilespmem:s28], [sflag:$0x3], $0x40, s12, s24, $0xb8;
	[tilespmem:$0x1B7E0] =	vst v63  }
0xe6: {  	_ = 	snop  }
0xe7: {  	[spmem:s4] =	stream.indirect.scatter.add.f32 @p3 [tilespmem:s9], [sflag:$0x5], $0x10, s12, s8, $0xb8;
	[tilespmem:$0x1B7E0] =	vst v63  }
0xe8: {  	_ =	swait.ge @p3 [sflag:s6], $0x800  }
0xe9: {  	[sflag:s6] =	ssyncset.done @p3 $0x0  }
0xea: {  	[sflag:s6] =	ssyncadd.s32 @p3 $0xFFFFF800  }
0xeb: {  	_ =	swait.ge [sflag:s29], $0x2000  }
0xec: {  	[sflag:s29] =	ssyncset.done $0x0  }
0xed: {  	[sflag:s29] =	ssyncadd.s32 $0xFFFFE000  }
0xee: {  	_ =	swait.ge [sflag:s26], $0x2000  }
0xef: {  	[sflag:s26] =	ssyncset.done $0x0  }
0xf0: {  	s15 =	sor.u32 $0x180, s11;
	[sflag:s26] =	ssyncadd.s32 $0xFFFFE000  }
0xf1: {  	[tilespmem:s28], [sflag:$0x2] =	stream.indirect.gather [spmem:s1], $0x40, s15, s24, $0xb8;
	[tilespmem:$0x1B7E0] =	vst v63  }
0xf2: {  	s13 =	sor.u32 $0x800, s14  }
0xf3: {  	[spmem:s3] =	stream.indirect.scatter.add.f32 [tilespmem:s25], [sflag:$0x3], $0x40, s13, s24, $0xb8;
	[tilespmem:$0x1B7E0] =	vst v63  }
0xf4: {  	_ = 	snop  }
0xf5: {  	[spmem:s4] =	stream.indirect.scatter.add.f32 @p3 [tilespmem:s9], [sflag:$0x5], $0x10, s13, s8, $0xb8;
	[tilespmem:$0x1B7E0] =	vst v63  }
0xf6: {  	_ =	swait.ge @p3 [sflag:s6], $0x800  }
0xf7: {  	[sflag:s6] =	ssyncset.done @p3 $0x0  }
0xf8: {  	[sflag:s6] =	ssyncadd.s32 @p3 $0xFFFFF800  }
0xf9: {  	_ =	swait.ge [sflag:s29], $0x2000  }
0xfa: {  	[sflag:s29] =	ssyncset.done $0x0  }
0xfb: {  	[sflag:s29] =	ssyncadd.s32 $0xFFFFE000  }
0xfc: {  	_ =	swait.ge [sflag:s31], $0x2000  }
0xfd: {  	[sflag:s31] =	ssyncset.done $0x0  }
0xfe: {  	s16 =	sor.u32 $0x200, s11;
	[sflag:s31] =	ssyncadd.s32 $0xFFFFE000  }
0xff: {  	[tilespmem:s25], [sflag:$0x1] =	stream.indirect.gather [spmem:s1], $0x40, s16, s24, $0xb8;
	[tilespmem:$0x1B7E0] =	vst v63  }
0x100: {  	s12 =	sor.u32 $0x800, s15  }
0x101: {  	[spmem:s3] =	stream.indirect.scatter.add.f32 [tilespmem:s28], [sflag:$0x3], $0x40, s12, s24, $0xb8;
	[tilespmem:$0x1B7E0] =	vst v63  }
0x102: {  	_ = 	snop  }
0x103: {  	[spmem:s4] =	stream.indirect.scatter.add.f32 @p3 [tilespmem:s9], [sflag:$0x5], $0x10, s12, s8, $0xb8;
	[tilespmem:$0x1B7E0] =	vst v63  }
0x104: {  	_ =	swait.ge @p3 [sflag:s6], $0x800  }
0x105: {  	[sflag:s6] =	ssyncset.done @p3 $0x0  }
0x106: {  	[sflag:s6] =	ssyncadd.s32 @p3 $0xFFFFF800  }
0x107: {  	_ =	swait.ge [sflag:s29], $0x2000  }
0x108: {  	[sflag:s29] =	ssyncset.done $0x0  }
0x109: {  	[sflag:s29] =	ssyncadd.s32 $0xFFFFE000  }
0x10a: {  	_ =	swait.ge [sflag:s26], $0x2000  }
0x10b: {  	[sflag:s26] =	ssyncset.done $0x0  }
0x10c: {  	s17 =	sor.u32 $0x280, s11;
	[sflag:s26] =	ssyncadd.s32 $0xFFFFE000  }
0x10d: {  	[tilespmem:s28], [sflag:$0x2] =	stream.indirect.gather [spmem:s1], $0x40, s17, s24, $0xb8;
	[tilespmem:$0x1B7E0] =	vst v63  }
0x10e: {  	s13 =	sor.u32 $0x800, s16  }
0x10f: {  	[spmem:s3] =	stream.indirect.scatter.add.f32 [tilespmem:s25], [sflag:$0x3], $0x40, s13, s24, $0xb8;
	[tilespmem:$0x1B7E0] =	vst v63  }
0x110: {  	_ = 	snop  }
0x111: {  	[spmem:s4] =	stream.indirect.scatter.add.f32 @p3 [tilespmem:s9], [sflag:$0x5], $0x10, s13, s8, $0xb8;
	[tilespmem:$0x1B7E0] =	vst v63  }
0x112: {  	_ =	swait.ge @p3 [sflag:s6], $0x800  }
0x113: {  	[sflag:s6] =	ssyncset.done @p3 $0x0  }
0x114: {  	[sflag:s6] =	ssyncadd.s32 @p3 $0xFFFFF800  }
0x115: {  	_ =	swait.ge [sflag:s29], $0x2000  }
0x116: {  	[sflag:s29] =	ssyncset.done $0x0  }
0x117: {  	[sflag:s29] =	ssyncadd.s32 $0xFFFFE000  }
0x118: {  	_ =	swait.ge [sflag:s31], $0x2000  }
0x119: {  	[sflag:s31] =	ssyncset.done $0x0  }
0x11a: {  	s20 =	sor.u32 $0x300, s11;
	[sflag:s31] =	ssyncadd.s32 $0xFFFFE000  }
0x11b: {  	[tilespmem:s25], [sflag:$0x1] =	stream.indirect.gather [spmem:s1], $0x40, s20, s24, $0xb8;
	[tilespmem:$0x1B7E0] =	vst v63  }
0x11c: {  	s12 =	sor.u32 $0x800, s17  }
0x11d: {  	[spmem:s3] =	stream.indirect.scatter.add.f32 [tilespmem:s28], [sflag:$0x3], $0x40, s12, s24, $0xb8;
	[tilespmem:$0x1B7E0] =	vst v63  }
0x11e: {  	_ = 	snop  }
0x11f: {  	[spmem:s4] =	stream.indirect.scatter.add.f32 @p3 [tilespmem:s9], [sflag:$0x5], $0x10, s12, s8, $0xb8;
	[tilespmem:$0x1B7E0] =	vst v63  }
0x120: {  	_ =	swait.ge @p3 [sflag:s6], $0x800  }
0x121: {  	[sflag:s6] =	ssyncset.done @p3 $0x0  }
0x122: {  	[sflag:s6] =	ssyncadd.s32 @p3 $0xFFFFF800  }
0x123: {  	_ =	swait.ge [sflag:s29], $0x2000  }
0x124: {  	[sflag:s29] =	ssyncset.done $0x0  }
0x125: {  	[sflag:s29] =	ssyncadd.s32 $0xFFFFE000  }
0x126: {  	_ =	swait.ge [sflag:s26], $0x2000  }
0x127: {  	[sflag:s26] =	ssyncset.done $0x0  }
0x128: {  	s11 =	sor.u32 $0x380, s11;
	[sflag:s26] =	ssyncadd.s32 $0xFFFFE000  }
0x129: {  	[tilespmem:s28], [sflag:$0x2] =	stream.indirect.gather [spmem:s1], $0x40, s11, s24, $0xb8;
	[tilespmem:$0x1B7E0] =	vst v63  }
0x12a: {  	s12 =	sor.u32 $0x800, s20  }
0x12b: {  	[spmem:s3] =	stream.indirect.scatter.add.f32 [tilespmem:s25], [sflag:$0x3], $0x40, s12, s24, $0xb8;
	[tilespmem:$0x1B7E0] =	vst v63  }
0x12c: {  	_ = 	snop  }
0x12d: {  	[spmem:s4] =	stream.indirect.scatter.add.f32 @p3 [tilespmem:s9], [sflag:$0x5], $0x10, s12, s8, $0xb8;
	[tilespmem:$0x1B7E0] =	vst v63  }
0x12e: {  	_ =	swait.ge @p3 [sflag:s6], $0x800  }
0x12f: {  	[sflag:s6] =	ssyncset.done @p3 $0x0  }
0x130: {  	[sflag:s6] =	ssyncadd.s32 @p3 $0xFFFFF800  }
0x131: {  	_ =	swait.ge [sflag:s29], $0x2000  }
0x132: {  	[sflag:s29] =	ssyncset.done $0x0  }
0x133: {  	[sflag:s29] =	ssyncadd.s32 $0xFFFFE000  }
0x134: {  	_ =	swait.ge [sflag:s0], $0x400  }
0x135: {  	[sflag:s0] =	ssyncset.done $0x0  }
0x136: {  	[sflag:s0] =	ssyncadd.s32 $0xFFFFFC00  }
0x137: {  	_ =	swait.ge [sflag:s0], $0x400  }
0x138: {  	[sflag:s0] =	ssyncset.done $0x0  }
0x139: {  	[sflag:s0] =	ssyncadd.s32 $0xFFFFFC00  }
0x13a: {  	_ =	swait.ge [sflag:s31], $0x2000  }
0x13b: {  	[sflag:s31] =	ssyncset.done $0x0  }
0x13c: {  	[sflag:s31] =	ssyncadd.s32 $0xFFFFE000  }
0x13d: {  	[tilespmem:s25], [sflag:$0x1] =	stream.indirect.gather [spmem:s1], $0x40, s7, s24, $0xb8;
	[tilespmem:$0x1B7E0] =	vst v63  }
0x13e: {  	s12 =	sor.u32 $0x800, s11  }
0x13f: {  	[spmem:s3] =	stream.indirect.scatter.add.f32 [tilespmem:s28], [sflag:$0x3], $0x40, s12, s24, $0xb8;
	[tilespmem:$0x1B7E0] =	vst v63  }
0x140: {  	s11 =	simm.s32 $0x2;
	s7 =	simm.s32 $0x1  }
0x141: {  	[spmem:s4] =	stream.indirect.scatter.add.f32 @p3 [tilespmem:s9], [sflag:$0x5], $0x10, s12, s8, $0xb8;
	[tilespmem:$0x1B7E0] =	vst v63  }
0x142: {  	s22 =	sxor.u32 $0xFFFFFFFF, s7;
	s8 =	sadd.s32 $0x80, s19;
	_ =	swait.ge @p3 [sflag:s6], $0x800  }
0x143: {  	s12 =	sand.u32 $0x1, s22;
	s9 =	sadd.s32 $0x80, s18;
	[sflag:s6] =	ssyncset.done @p3 $0x0  }
.LBB2_2:
0x144: {  	s14 =	sshll.u32 s12, $0xA  }
0x145: {  	[sflag:s6] =	ssyncadd.s32 @p3 $0xFFFFF800;
	s6 =	smov.u32 s11;
	s11 =	sadd.s32 $0x1, s11  }
0x146: {  	p4 =	sne.s32 s11, $0x12;
	s12 =	sxor.u32 $0x400, s14;
	_ =	swait.ge [sflag:s29], $0x2000  }
0x147: {  	[sflag:s29] =	ssyncset.done $0x0  }
0x148: {  	[sflag:s29] =	ssyncadd.s32 $0xFFFFE000  }
0x149: {  	[tilespmem:s12], [sflag:$0x4] =	stream.linear.gather [hbm4b:s8+s5], $0x400, $0x38;
	[tilespmem:$0x1B7E0] =	vst v63  }
0x14a: {  	s13 =	sxor.u32 $0xC00, s14  }
0x14b: {  	[tilespmem:s13], [sflag:$0x4] =	stream.linear.gather [hbm4b:s9+s5], $0x400, $0x38;
	[tilespmem:$0x1B7E0] =	vst v63  }
0x14c: {  	p3 =	slt.u32 s7, $0x9;
	s15 =	sor.u32 $0x80, s14;
	_ =	swait.ge [sflag:s26], $0x2000  }
0x14d: {  	p5 =	sgt.u32 s7, $0x8;
	p3 =	por !p2, !p3;
	[sflag:s26] =	ssyncset.done $0x0  }
0x14e: {  	p5 =	por !p5, !p0;
	p3 =	por !p3, !p3;
	[sflag:s26] =	ssyncadd.s32 $0xFFFFE000  }
0x14f: {  	[tilespmem:s28], [sflag:$0x2] =	stream.indirect.gather [spmem:s1], $0x40, s15, s24, $0xb8;
	[tilespmem:$0x1B7E0] =	vst v63  }
0x150: {  	s16 =	sor.u32 $0x800, s14;
	s7 =	smov.u32 s6;
	p5 =	por !p5, !p5  }
0x151: {  	[spmem:s3] =	stream.indirect.scatter.add.f32 [tilespmem:s25], [sflag:$0x3], $0x40, s16, s24, $0xb8;
	[tilespmem:$0x1B7E0] =	vst v63  }
0x152: {  	p3 =	por p3, p5  }
0x153: {  	s22 =	simm.s32 @p3 $0x80;
	s6 =	simm.s32 @p3 $0x5;
	s13 =	simm.s32 @p3 $0x5000  }
0x154: {  	[spmem:s4] =	stream.indirect.scatter.add.f32 @p3 [tilespmem:s13], [sflag:$0x5], $0x10, s16, s22, $0xb8;
	[tilespmem:$0x1B7E0] =	vst v63  }
0x155: {  	_ =	swait.ge @p3 [sflag:s6], $0x800  }
0x156: {  	[sflag:s6] =	ssyncset.done @p3 $0x0  }
0x157: {  	[sflag:s6] =	ssyncadd.s32 @p3 $0xFFFFF800  }
0x158: {  	_ =	swait.ge [sflag:s29], $0x2000  }
0x159: {  	[sflag:s29] =	ssyncset.done $0x0  }
0x15a: {  	s16 =	sor.u32 $0x100, s14;
	[sflag:s29] =	ssyncadd.s32 $0xFFFFE000  }
0x15b: {  	_ =	swait.ge [sflag:s31], $0x2000  }
0x15c: {  	[sflag:s31] =	ssyncset.done $0x0  }
0x15d: {  	[sflag:s31] =	ssyncadd.s32 $0xFFFFE000  }
0x15e: {  	[tilespmem:s25], [sflag:$0x1] =	stream.indirect.gather [spmem:s1], $0x40, s16, s24, $0xb8;
	[tilespmem:$0x1B7E0] =	vst v63  }
0x15f: {  	s15 =	sor.u32 $0x800, s15  }
0x160: {  	[spmem:s3] =	stream.indirect.scatter.add.f32 [tilespmem:s28], [sflag:$0x3], $0x40, s15, s24, $0xb8;
	[tilespmem:$0x1B7E0] =	vst v63  }
0x161: {  	_ = 	snop  }
0x162: {  	[spmem:s4] =	stream.indirect.scatter.add.f32 @p3 [tilespmem:s13], [sflag:$0x5], $0x10, s15, s22, $0xb8;
	[tilespmem:$0x1B7E0] =	vst v63  }
0x163: {  	_ =	swait.ge @p3 [sflag:s6], $0x800  }
0x164: {  	[sflag:s6] =	ssyncset.done @p3 $0x0  }
0x165: {  	[sflag:s6] =	ssyncadd.s32 @p3 $0xFFFFF800  }
0x166: {  	_ =	swait.ge [sflag:s29], $0x2000  }
0x167: {  	[sflag:s29] =	ssyncset.done $0x0  }
0x168: {  	s15 =	sor.u32 $0x180, s14;
	[sflag:s29] =	ssyncadd.s32 $0xFFFFE000  }
0x169: {  	_ =	swait.ge [sflag:s26], $0x2000  }
0x16a: {  	[sflag:s26] =	ssyncset.done $0x0  }
0x16b: {  	[sflag:s26] =	ssyncadd.s32 $0xFFFFE000  }
0x16c: {  	[tilespmem:s28], [sflag:$0x2] =	stream.indirect.gather [spmem:s1], $0x40, s15, s24, $0xb8;
	[tilespmem:$0x1B7E0] =	vst v63  }
0x16d: {  	s16 =	sor.u32 $0x800, s16  }
0x16e: {  	[spmem:s3] =	stream.indirect.scatter.add.f32 [tilespmem:s25], [sflag:$0x3], $0x40, s16, s24, $0xb8;
	[tilespmem:$0x1B7E0] =	vst v63  }
0x16f: {  	_ = 	snop  }
0x170: {  	[spmem:s4] =	stream.indirect.scatter.add.f32 @p3 [tilespmem:s13], [sflag:$0x5], $0x10, s16, s22, $0xb8;
	[tilespmem:$0x1B7E0] =	vst v63  }
0x171: {  	_ =	swait.ge @p3 [sflag:s6], $0x800  }
0x172: {  	[sflag:s6] =	ssyncset.done @p3 $0x0  }
0x173: {  	[sflag:s6] =	ssyncadd.s32 @p3 $0xFFFFF800  }
0x174: {  	_ =	swait.ge [sflag:s29], $0x2000  }
0x175: {  	[sflag:s29] =	ssyncset.done $0x0  }
0x176: {  	s16 =	sor.u32 $0x200, s14;
	[sflag:s29] =	ssyncadd.s32 $0xFFFFE000  }
0x177: {  	_ =	swait.ge [sflag:s31], $0x2000  }
0x178: {  	[sflag:s31] =	ssyncset.done $0x0  }
0x179: {  	[sflag:s31] =	ssyncadd.s32 $0xFFFFE000  }
0x17a: {  	[tilespmem:s25], [sflag:$0x1] =	stream.indirect.gather [spmem:s1], $0x40, s16, s24, $0xb8;
	[tilespmem:$0x1B7E0] =	vst v63  }
0x17b: {  	s15 =	sor.u32 $0x800, s15  }
0x17c: {  	[spmem:s3] =	stream.indirect.scatter.add.f32 [tilespmem:s28], [sflag:$0x3], $0x40, s15, s24, $0xb8;
	[tilespmem:$0x1B7E0] =	vst v63  }
0x17d: {  	_ = 	snop  }
0x17e: {  	[spmem:s4] =	stream.indirect.scatter.add.f32 @p3 [tilespmem:s13], [sflag:$0x5], $0x10, s15, s22, $0xb8;
	[tilespmem:$0x1B7E0] =	vst v63  }
0x17f: {  	_ =	swait.ge @p3 [sflag:s6], $0x800  }
0x180: {  	[sflag:s6] =	ssyncset.done @p3 $0x0  }
0x181: {  	[sflag:s6] =	ssyncadd.s32 @p3 $0xFFFFF800  }
0x182: {  	_ =	swait.ge [sflag:s29], $0x2000  }
0x183: {  	[sflag:s29] =	ssyncset.done $0x0  }
0x184: {  	s15 =	sor.u32 $0x280, s14;
	[sflag:s29] =	ssyncadd.s32 $0xFFFFE000  }
0x185: {  	_ =	swait.ge [sflag:s26], $0x2000  }
0x186: {  	[sflag:s26] =	ssyncset.done $0x0  }
0x187: {  	[sflag:s26] =	ssyncadd.s32 $0xFFFFE000  }
0x188: {  	[tilespmem:s28], [sflag:$0x2] =	stream.indirect.gather [spmem:s1], $0x40, s15, s24, $0xb8;
	[tilespmem:$0x1B7E0] =	vst v63  }
0x189: {  	s16 =	sor.u32 $0x800, s16  }
0x18a: {  	[spmem:s3] =	stream.indirect.scatter.add.f32 [tilespmem:s25], [sflag:$0x3], $0x40, s16, s24, $0xb8;
	[tilespmem:$0x1B7E0] =	vst v63  }
0x18b: {  	_ = 	snop  }
0x18c: {  	[spmem:s4] =	stream.indirect.scatter.add.f32 @p3 [tilespmem:s13], [sflag:$0x5], $0x10, s16, s22, $0xb8;
	[tilespmem:$0x1B7E0] =	vst v63  }
0x18d: {  	_ =	swait.ge @p3 [sflag:s6], $0x800  }
0x18e: {  	[sflag:s6] =	ssyncset.done @p3 $0x0  }
0x18f: {  	[sflag:s6] =	ssyncadd.s32 @p3 $0xFFFFF800  }
0x190: {  	_ =	swait.ge [sflag:s29], $0x2000  }
0x191: {  	[sflag:s29] =	ssyncset.done $0x0  }
0x192: {  	s16 =	sor.u32 $0x300, s14;
	[sflag:s29] =	ssyncadd.s32 $0xFFFFE000  }
0x193: {  	_ =	swait.ge [sflag:s31], $0x2000  }
0x194: {  	[sflag:s31] =	ssyncset.done $0x0  }
0x195: {  	[sflag:s31] =	ssyncadd.s32 $0xFFFFE000  }
0x196: {  	[tilespmem:s25], [sflag:$0x1] =	stream.indirect.gather [spmem:s1], $0x40, s16, s24, $0xb8;
	[tilespmem:$0x1B7E0] =	vst v63  }
0x197: {  	s15 =	sor.u32 $0x800, s15  }
0x198: {  	[spmem:s3] =	stream.indirect.scatter.add.f32 [tilespmem:s28], [sflag:$0x3], $0x40, s15, s24, $0xb8;
	[tilespmem:$0x1B7E0] =	vst v63  }
0x199: {  	_ = 	snop  }
0x19a: {  	[spmem:s4] =	stream.indirect.scatter.add.f32 @p3 [tilespmem:s13], [sflag:$0x5], $0x10, s15, s22, $0xb8;
	[tilespmem:$0x1B7E0] =	vst v63  }
0x19b: {  	_ =	swait.ge @p3 [sflag:s6], $0x800  }
0x19c: {  	[sflag:s6] =	ssyncset.done @p3 $0x0  }
0x19d: {  	[sflag:s6] =	ssyncadd.s32 @p3 $0xFFFFF800  }
0x19e: {  	_ =	swait.ge [sflag:s29], $0x2000  }
0x19f: {  	[sflag:s29] =	ssyncset.done $0x0  }
0x1a0: {  	s14 =	sor.u32 $0x380, s14;
	[sflag:s29] =	ssyncadd.s32 $0xFFFFE000  }
0x1a1: {  	_ =	swait.ge [sflag:s26], $0x2000  }
0x1a2: {  	s15 =	sor.u32 $0x800, s16;
	[sflag:s26] =	ssyncset.done $0x0  }
0x1a3: {  	[sflag:s26] =	ssyncadd.s32 $0xFFFFE000  }
0x1a4: {  	[tilespmem:s28], [sflag:$0x2] =	stream.indirect.gather [spmem:s1], $0x40, s14, s24, $0xb8;
	[tilespmem:$0x1B7E0] =	vst v63  }
0x1a5: {  	_ = 	snop  }
0x1a6: {  	[spmem:s3] =	stream.indirect.scatter.add.f32 [tilespmem:s25], [sflag:$0x3], $0x40, s15, s24, $0xb8;
	[tilespmem:$0x1B7E0] =	vst v63  }
0x1a7: {  	_ = 	snop  }
0x1a8: {  	[spmem:s4] =	stream.indirect.scatter.add.f32 @p3 [tilespmem:s13], [sflag:$0x5], $0x10, s15, s22, $0xb8;
	[tilespmem:$0x1B7E0] =	vst v63  }
0x1a9: {  	_ =	swait.ge @p3 [sflag:s6], $0x800  }
0x1aa: {  	[sflag:s6] =	ssyncset.done @p3 $0x0  }
0x1ab: {  	[sflag:s6] =	ssyncadd.s32 @p3 $0xFFFFF800  }
0x1ac: {  	_ =	swait.ge [sflag:s29], $0x2000  }
0x1ad: {  	[sflag:s29] =	ssyncset.done $0x0  }
0x1ae: {  	[sflag:s29] =	ssyncadd.s32 $0xFFFFE000  }
0x1af: {  	_ =	swait.ge [sflag:s0], $0x400  }
0x1b0: {  	[sflag:s0] =	ssyncset.done $0x0  }
0x1b1: {  	[sflag:s0] =	ssyncadd.s32 $0xFFFFFC00  }
0x1b2: {  	_ =	swait.ge [sflag:s0], $0x400  }
0x1b3: {  	[sflag:s0] =	ssyncset.done $0x0  }
0x1b4: {  	[sflag:s0] =	ssyncadd.s32 $0xFFFFFC00  }
0x1b5: {  	_ =	swait.ge [sflag:s31], $0x2000  }
0x1b6: {  	s14 =	sor.u32 $0x800, s14;
	[sflag:s31] =	ssyncset.done $0x0  }
0x1b7: {  	[sflag:s31] =	ssyncadd.s32 $0xFFFFE000  }
0x1b8: {  	[tilespmem:s25], [sflag:$0x1] =	stream.indirect.gather [spmem:s1], $0x40, s12, s24, $0xb8;
	[tilespmem:$0x1B7E0] =	vst v63  }
0x1b9: {  	_ = 	snop  }
0x1ba: {  	[spmem:s3] =	stream.indirect.scatter.add.f32 [tilespmem:s28], [sflag:$0x3], $0x40, s14, s24, $0xb8;
	[tilespmem:$0x1B7E0] =	vst v63  }
.Ltmp0:
0x1bb: {  	_ = 	snop;
	(pc) =	sbr.rel @p4 .LBB2_2-.Ltmp0, $4  }
0x1bc: {  	_ = 	snop  }
0x1bd: {  	[spmem:s4] =	stream.indirect.scatter.add.f32 @p3 [tilespmem:s13], [sflag:$0x5], $0x10, s14, s22, $0xb8;
	[tilespmem:$0x1B7E0] =	vst v63  }
0x1be: {  	s8 =	sadd.s32 $0x80, s8;
	s12 =	sxor.u32 $0xFFFFFFFF, s7;
	_ =	swait.ge @p3 [sflag:s6], $0x800  }
0x1bf: {  	s9 =	sadd.s32 $0x80, s9;
	s12 =	sand.u32 $0x1, s12;
	[sflag:s6] =	ssyncset.done @p3 $0x0  }
0x1c0: {  	[sflag:s6] =	ssyncadd.s32 @p3 $0xFFFFF800  }
0x1c1: {  	_ =	swait.ge [sflag:s29], $0x2000  }
0x1c2: {  	s11 =	sshll.u32 s12, $0xA;
	[sflag:s29] =	ssyncset.done $0x0  }
0x1c3: {  	s6 =	sxor.u32 $0x400, s11;
	[sflag:s29] =	ssyncadd.s32 $0xFFFFE000  }
0x1c4: {  	[tilespmem:s6], [sflag:$0x4] =	stream.linear.gather [hbm4b:s8+s5], $0x400, $0x38;
	[tilespmem:$0x1B7E0] =	vst v63  }
0x1c5: {  	p6 =	slt.u32 s7, $0x9;
	s16 =	sxor.u32 $0xC00, s11  }
0x1c6: {  	[tilespmem:s16], [sflag:$0x4] =	stream.linear.gather [hbm4b:s9+s5], $0x400, $0x38;
	[tilespmem:$0x1B7E0] =	vst v63  }
0x1c7: {  	p4 =	sgt.u32 s7, $0x8;
	s12 =	sor.u32 $0x80, s11;
	_ =	swait.ge [sflag:s26], $0x2000  }
0x1c8: {  	p3 =	por !p2, !p6;
	p4 =	por !p4, !p0;
	[sflag:s26] =	ssyncset.done $0x0  }
0x1c9: {  	p3 =	por !p3, !p3;
	p4 =	por !p4, !p4;
	[sflag:s26] =	ssyncadd.s32 $0xFFFFE000  }
0x1ca: {  	[tilespmem:s28], [sflag:$0x2] =	stream.indirect.gather [spmem:s1], $0x40, s12, s24, $0xb8;
	[tilespmem:$0x1B7E0] =	vst v63  }
0x1cb: {  	s13 =	sor.u32 $0x800, s11;
	p3 =	por p3, p4  }
0x1cc: {  	[spmem:s3] =	stream.indirect.scatter.add.f32 [tilespmem:s25], [sflag:$0x3], $0x40, s13, s24, $0xb8;
	[tilespmem:$0x1B7E0] =	vst v63  }
0x1cd: {  	s8 =	simm.s32 @p3 $0x80;
	s7 =	simm.s32 @p3 $0x5;
	s9 =	simm.s32 @p3 $0x5000  }
0x1ce: {  	[spmem:s4] =	stream.indirect.scatter.add.f32 @p3 [tilespmem:s9], [sflag:$0x5], $0x10, s13, s8, $0xb8;
	[tilespmem:$0x1B7E0] =	vst v63  }
0x1cf: {  	_ =	swait.ge @p3 [sflag:s7], $0x800  }
0x1d0: {  	[sflag:s7] =	ssyncset.done @p3 $0x0  }
0x1d1: {  	[sflag:s7] =	ssyncadd.s32 @p3 $0xFFFFF800  }
0x1d2: {  	_ =	swait.ge [sflag:s29], $0x2000  }
0x1d3: {  	[sflag:s29] =	ssyncset.done $0x0  }
0x1d4: {  	[sflag:s29] =	ssyncadd.s32 $0xFFFFE000  }
0x1d5: {  	_ =	swait.ge [sflag:s31], $0x2000  }
0x1d6: {  	[sflag:s31] =	ssyncset.done $0x0  }
0x1d7: {  	s17 =	sor.u32 $0x100, s11;
	[sflag:s31] =	ssyncadd.s32 $0xFFFFE000  }
0x1d8: {  	[tilespmem:s25], [sflag:$0x1] =	stream.indirect.gather [spmem:s1], $0x40, s17, s24, $0xb8;
	[tilespmem:$0x1B7E0] =	vst v63  }
0x1d9: {  	s12 =	sor.u32 $0x800, s12  }
0x1da: {  	[spmem:s3] =	stream.indirect.scatter.add.f32 [tilespmem:s28], [sflag:$0x3], $0x40, s12, s24, $0xb8;
	[tilespmem:$0x1B7E0] =	vst v63  }
0x1db: {  	_ = 	snop  }
0x1dc: {  	[spmem:s4] =	stream.indirect.scatter.add.f32 @p3 [tilespmem:s9], [sflag:$0x5], $0x10, s12, s8, $0xb8;
	[tilespmem:$0x1B7E0] =	vst v63  }
0x1dd: {  	_ =	swait.ge @p3 [sflag:s7], $0x800  }
0x1de: {  	[sflag:s7] =	ssyncset.done @p3 $0x0  }
0x1df: {  	[sflag:s7] =	ssyncadd.s32 @p3 $0xFFFFF800  }
0x1e0: {  	_ =	swait.ge [sflag:s29], $0x2000  }
0x1e1: {  	[sflag:s29] =	ssyncset.done $0x0  }
0x1e2: {  	[sflag:s29] =	ssyncadd.s32 $0xFFFFE000  }
0x1e3: {  	_ =	swait.ge [sflag:s26], $0x2000  }
0x1e4: {  	[sflag:s26] =	ssyncset.done $0x0  }
0x1e5: {  	s20 =	sor.u32 $0x180, s11;
	[sflag:s26] =	ssyncadd.s32 $0xFFFFE000  }
0x1e6: {  	[tilespmem:s28], [sflag:$0x2] =	stream.indirect.gather [spmem:s1], $0x40, s20, s24, $0xb8;
	[tilespmem:$0x1B7E0] =	vst v63  }
0x1e7: {  	s13 =	sor.u32 $0x800, s17  }
0x1e8: {  	[spmem:s3] =	stream.indirect.scatter.add.f32 [tilespmem:s25], [sflag:$0x3], $0x40, s13, s24, $0xb8;
	[tilespmem:$0x1B7E0] =	vst v63  }
0x1e9: {  	_ = 	snop  }
0x1ea: {  	[spmem:s4] =	stream.indirect.scatter.add.f32 @p3 [tilespmem:s9], [sflag:$0x5], $0x10, s13, s8, $0xb8;
	[tilespmem:$0x1B7E0] =	vst v63  }
0x1eb: {  	_ =	swait.ge @p3 [sflag:s7], $0x800  }
0x1ec: {  	[sflag:s7] =	ssyncset.done @p3 $0x0  }
0x1ed: {  	[sflag:s7] =	ssyncadd.s32 @p3 $0xFFFFF800  }
0x1ee: {  	_ =	swait.ge [sflag:s29], $0x2000  }
0x1ef: {  	[sflag:s29] =	ssyncset.done $0x0  }
0x1f0: {  	[sflag:s29] =	ssyncadd.s32 $0xFFFFE000  }
0x1f1: {  	_ =	swait.ge [sflag:s31], $0x2000  }
0x1f2: {  	[sflag:s31] =	ssyncset.done $0x0  }
0x1f3: {  	s22 =	sor.u32 $0x200, s11;
	[sflag:s31] =	ssyncadd.s32 $0xFFFFE000  }
0x1f4: {  	[tilespmem:s25], [sflag:$0x1] =	stream.indirect.gather [spmem:s1], $0x40, s22, s24, $0xb8;
	[tilespmem:$0x1B7E0] =	vst v63  }
0x1f5: {  	s12 =	sor.u32 $0x800, s20  }
0x1f6: {  	[spmem:s3] =	stream.indirect.scatter.add.f32 [tilespmem:s28], [sflag:$0x3], $0x40, s12, s24, $0xb8;
	[tilespmem:$0x1B7E0] =	vst v63  }
0x1f7: {  	_ = 	snop  }
0x1f8: {  	[spmem:s4] =	stream.indirect.scatter.add.f32 @p3 [tilespmem:s9], [sflag:$0x5], $0x10, s12, s8, $0xb8;
	[tilespmem:$0x1B7E0] =	vst v63  }
0x1f9: {  	_ =	swait.ge @p3 [sflag:s7], $0x800  }
0x1fa: {  	[sflag:s7] =	ssyncset.done @p3 $0x0  }
0x1fb: {  	[sflag:s7] =	ssyncadd.s32 @p3 $0xFFFFF800  }
0x1fc: {  	_ =	swait.ge [sflag:s29], $0x2000  }
0x1fd: {  	[sflag:s29] =	ssyncset.done $0x0  }
0x1fe: {  	[sflag:s29] =	ssyncadd.s32 $0xFFFFE000  }
0x1ff: {  	_ =	swait.ge [sflag:s26], $0x2000  }
0x200: {  	[sflag:s26] =	ssyncset.done $0x0  }
0x201: {  	s14 =	sor.u32 $0x280, s11;
	[sflag:s26] =	ssyncadd.s32 $0xFFFFE000  }
0x202: {  	[tilespmem:s28], [sflag:$0x2] =	stream.indirect.gather [spmem:s1], $0x40, s14, s24, $0xb8;
	[tilespmem:$0x1B7E0] =	vst v63  }
0x203: {  	s13 =	sor.u32 $0x800, s22  }
0x204: {  	[spmem:s3] =	stream.indirect.scatter.add.f32 [tilespmem:s25], [sflag:$0x3], $0x40, s13, s24, $0xb8;
	[tilespmem:$0x1B7E0] =	vst v63  }
0x205: {  	_ = 	snop  }
0x206: {  	[spmem:s4] =	stream.indirect.scatter.add.f32 @p3 [tilespmem:s9], [sflag:$0x5], $0x10, s13, s8, $0xb8;
	[tilespmem:$0x1B7E0] =	vst v63  }
0x207: {  	_ =	swait.ge @p3 [sflag:s7], $0x800  }
0x208: {  	[sflag:s7] =	ssyncset.done @p3 $0x0  }
0x209: {  	[sflag:s7] =	ssyncadd.s32 @p3 $0xFFFFF800  }
0x20a: {  	_ =	swait.ge [sflag:s29], $0x2000  }
0x20b: {  	[sflag:s29] =	ssyncset.done $0x0  }
0x20c: {  	[sflag:s29] =	ssyncadd.s32 $0xFFFFE000  }
0x20d: {  	_ =	swait.ge [sflag:s31], $0x2000  }
0x20e: {  	[sflag:s31] =	ssyncset.done $0x0  }
0x20f: {  	s15 =	sor.u32 $0x300, s11;
	[sflag:s31] =	ssyncadd.s32 $0xFFFFE000  }
0x210: {  	[tilespmem:s25], [sflag:$0x1] =	stream.indirect.gather [spmem:s1], $0x40, s15, s24, $0xb8;
	[tilespmem:$0x1B7E0] =	vst v63  }
0x211: {  	s12 =	sor.u32 $0x800, s14  }
0x212: {  	[spmem:s3] =	stream.indirect.scatter.add.f32 [tilespmem:s28], [sflag:$0x3], $0x40, s12, s24, $0xb8;
	[tilespmem:$0x1B7E0] =	vst v63  }
0x213: {  	_ = 	snop  }
0x214: {  	[spmem:s4] =	stream.indirect.scatter.add.f32 @p3 [tilespmem:s9], [sflag:$0x5], $0x10, s12, s8, $0xb8;
	[tilespmem:$0x1B7E0] =	vst v63  }
0x215: {  	_ =	swait.ge @p3 [sflag:s7], $0x800  }
0x216: {  	[sflag:s7] =	ssyncset.done @p3 $0x0  }
0x217: {  	[sflag:s7] =	ssyncadd.s32 @p3 $0xFFFFF800  }
0x218: {  	_ =	swait.ge [sflag:s29], $0x2000  }
0x219: {  	[sflag:s29] =	ssyncset.done $0x0  }
0x21a: {  	[sflag:s29] =	ssyncadd.s32 $0xFFFFE000  }
0x21b: {  	_ =	swait.ge [sflag:s26], $0x2000  }
0x21c: {  	[sflag:s26] =	ssyncset.done $0x0  }
0x21d: {  	s11 =	sor.u32 $0x380, s11;
	[sflag:s26] =	ssyncadd.s32 $0xFFFFE000  }
0x21e: {  	[tilespmem:s28], [sflag:$0x2] =	stream.indirect.gather [spmem:s1], $0x40, s11, s24, $0xb8;
	[tilespmem:$0x1B7E0] =	vst v63  }
0x21f: {  	s12 =	sor.u32 $0x800, s15  }
0x220: {  	[spmem:s3] =	stream.indirect.scatter.add.f32 [tilespmem:s25], [sflag:$0x3], $0x40, s12, s24, $0xb8;
	[tilespmem:$0x1B7E0] =	vst v63  }
0x221: {  	_ = 	snop  }
0x222: {  	[spmem:s4] =	stream.indirect.scatter.add.f32 @p3 [tilespmem:s9], [sflag:$0x5], $0x10, s12, s8, $0xb8;
	[tilespmem:$0x1B7E0] =	vst v63  }
0x223: {  	_ =	swait.ge @p3 [sflag:s7], $0x800  }
0x224: {  	[sflag:s7] =	ssyncset.done @p3 $0x0  }
0x225: {  	[sflag:s7] =	ssyncadd.s32 @p3 $0xFFFFF800  }
0x226: {  	_ =	swait.ge [sflag:s29], $0x2000  }
0x227: {  	[sflag:s29] =	ssyncset.done $0x0  }
0x228: {  	[sflag:s29] =	ssyncadd.s32 $0xFFFFE000  }
0x229: {  	_ =	swait.ge [sflag:s0], $0x400  }
0x22a: {  	[sflag:s0] =	ssyncset.done $0x0  }
0x22b: {  	[sflag:s0] =	ssyncadd.s32 $0xFFFFFC00  }
0x22c: {  	_ =	swait.ge [sflag:s0], $0x400  }
0x22d: {  	[sflag:s0] =	ssyncset.done $0x0  }
0x22e: {  	[sflag:s0] =	ssyncadd.s32 $0xFFFFFC00  }
0x22f: {  	_ =	swait.ge [sflag:s31], $0x2000  }
0x230: {  	[sflag:s31] =	ssyncset.done $0x0  }
0x231: {  	[sflag:s31] =	ssyncadd.s32 $0xFFFFE000  }
0x232: {  	[tilespmem:s25], [sflag:$0x1] =	stream.indirect.gather [spmem:s1], $0x40, s6, s24, $0xb8;
	[tilespmem:$0x1B7E0] =	vst v63  }
0x233: {  	s6 =	sor.u32 $0x800, s11  }
0x234: {  	[spmem:s3] =	stream.indirect.scatter.add.f32 [tilespmem:s28], [sflag:$0x3], $0x40, s6, s24, $0xb8;
	[tilespmem:$0x1B7E0] =	vst v63  }
0x235: {  	_ = 	snop  }
0x236: {  	[spmem:s4] =	stream.indirect.scatter.add.f32 @p3 [tilespmem:s9], [sflag:$0x5], $0x10, s6, s8, $0xb8;
	[tilespmem:$0x1B7E0] =	vst v63  }
0x237: {  	_ =	swait.ge @p3 [sflag:s7], $0x800  }
0x238: {  	[sflag:s7] =	ssyncset.done @p3 $0x0  }
0x239: {  	[sflag:s7] =	ssyncadd.s32 @p3 $0xFFFFF800  }
0x23a: {  	_ =	swait.ge [sflag:s29], $0x2000  }
0x23b: {  	[sflag:s29] =	ssyncset.done $0x0  }
0x23c: {  	[sflag:s29] =	ssyncadd.s32 $0xFFFFE000  }
0x23d: {  	_ =	swait.ge [sflag:s26], $0x2000  }
0x23e: {  	[sflag:s26] =	ssyncset.done $0x0  }
0x23f: {  	s16 =	simm.s32 $0x480;
	[sflag:s26] =	ssyncadd.s32 $0xFFFFE000  }
0x240: {  	[tilespmem:s28], [sflag:$0x2] =	stream.indirect.gather [spmem:s1], $0x40, s16, s24, $0xb8;
	[tilespmem:$0x1B7E0] =	vst v63  }
0x241: {  	s17 =	simm.s32 $0xC00;
	s9 =	simm.s32 @p2 $0x3  }
0x242: {  	[spmem:s3] =	stream.indirect.scatter.add.f32 [tilespmem:s25], [sflag:$0x3], $0x40, s17, s24, $0xb8;
	[tilespmem:$0x1B7E0] =	vst v63  }
0x243: {  	_ =	swait.ge @p2 [sflag:s9], $0x2000  }
0x244: {  	[sflag:s9] =	ssyncset.done @p2 $0x0  }
0x245: {  	s11 =	simm.s32 @p2 $0x2;
	[sflag:s9] =	ssyncadd.s32 @p2 $0xFFFFE000  }
0x246: {  	_ =	swait.ge @p2 [sflag:s11], $0x2000  }
0x247: {  	s12 =	simm.s32 @p2 $0x80;
	[sflag:s11] =	ssyncset.done @p2 $0x0  }
0x248: {  	s6 =	simm.s32 @p2 $0x500;
	s17 =	simm.s32 @p2 $0x1000;
	[sflag:s11] =	ssyncadd.s32 @p2 $0xFFFFE000  }
0x249: {  	[tilespmem:s17], [sflag:$0x1] =	stream.indirect.gather @p2 [spmem:s1], $0x40, s6, s12, $0xb8;
	[tilespmem:$0x1B7E0] =	vst v63  }
0x24a: {  	s13 =	simm.s32 @p2 $0x3000;
	s6 =	simm.s32 @p2 $0xC80  }
0x24b: {  	[spmem:s3] =	stream.indirect.scatter.add.f32 @p2 [tilespmem:s13], [sflag:$0x3], $0x40, s6, s12, $0xb8;
	[tilespmem:$0x1B7E0] =	vst v63  }
0x24c: {  	s8 =	simm.s32 @!p2 $0x5000;
	s7 =	simm.s32 @!p2 $0xC00;
	s6 =	simm.s32 @!p2 $0x80  }
0x24d: {  	[spmem:s4] =	stream.indirect.scatter.add.f32 @!p2 [tilespmem:s8], [sflag:$0x5], $0x10, s7, s6, $0xb8;
	[tilespmem:$0x1B7E0] =	vst v63  }
0x24e: {  	s7 =	simm.s32 @!p2 $0x5  }
0x24f: {  	_ =	swait.ge @!p2 [sflag:s7], $0x800  }
0x250: {  	[sflag:s7] =	ssyncset.done @!p2 $0x0  }
0x251: {  	s14 =	simm.s32 @!p2 $0x3;
	[sflag:s7] =	ssyncadd.s32 @!p2 $0xFFFFF800  }
0x252: {  	_ =	swait.ge @!p2 [sflag:s14], $0x2000  }
0x253: {  	[sflag:s14] =	ssyncset.done @!p2 $0x0  }
0x254: {  	s15 =	simm.s32 @!p2 $0x2;
	[sflag:s14] =	ssyncadd.s32 @!p2 $0xFFFFE000  }
0x255: {  	_ =	swait.ge @!p2 [sflag:s15], $0x2000  }
0x256: {  	[sflag:s15] =	ssyncset.done @!p2 $0x0  }
0x257: {  	s22 =	simm.s32 @!p2 $0x1000;
	s16 =	simm.s32 @!p2 $0x500;
	[sflag:s15] =	ssyncadd.s32 @!p2 $0xFFFFE000  }
0x258: {  	[tilespmem:s22], [sflag:$0x1] =	stream.indirect.gather @!p2 [spmem:s1], $0x40, s16, s6, $0xb8;
	[tilespmem:$0x1B7E0] =	vst v63  }
0x259: {  	s20 =	simm.s32 @!p2 $0xC80;
	s16 =	simm.s32 @!p2 $0x3000  }
0x25a: {  	[spmem:s3] =	stream.indirect.scatter.add.f32 @!p2 [tilespmem:s16], [sflag:$0x3], $0x40, s20, s6, $0xb8;
	[tilespmem:$0x1B7E0] =	vst v63  }
0x25b: {  	_ = 	snop  }
0x25c: {  	[spmem:s4] =	stream.indirect.scatter.add.f32 @!p2 [tilespmem:s8], [sflag:$0x5], $0x10, s20, s6, $0xb8;
	[tilespmem:$0x1B7E0] =	vst v63  }
0x25d: {  	_ =	swait.ge @!p2 [sflag:s7], $0x800  }
0x25e: {  	[sflag:s7] =	ssyncset.done @!p2 $0x0  }
0x25f: {  	[sflag:s7] =	ssyncadd.s32 @!p2 $0xFFFFF800  }
0x260: {  	_ =	swait.ge [sflag:s29], $0x2000  }
0x261: {  	[sflag:s29] =	ssyncset.done $0x0  }
0x262: {  	[sflag:s29] =	ssyncadd.s32 $0xFFFFE000  }
0x263: {  	_ =	swait.ge [sflag:s26], $0x2000  }
0x264: {  	[sflag:s26] =	ssyncset.done $0x0  }
0x265: {  	s20 =	simm.s32 $0x580;
	[sflag:s26] =	ssyncadd.s32 $0xFFFFE000  }
0x266: {  	[tilespmem:s28], [sflag:$0x2] =	stream.indirect.gather [spmem:s1], $0x40, s20, s24, $0xb8;
	[tilespmem:$0x1B7E0] =	vst v63  }
0x267: {  	s20 =	simm.s32 $0xD00  }
0x268: {  	[spmem:s3] =	stream.indirect.scatter.add.f32 [tilespmem:s25], [sflag:$0x3], $0x40, s20, s24, $0xb8;
	[tilespmem:$0x1B7E0] =	vst v63  }
0x269: {  	_ =	swait.ge @p2 [sflag:s9], $0x2000  }
0x26a: {  	[sflag:s9] =	ssyncset.done @p2 $0x0  }
0x26b: {  	[sflag:s9] =	ssyncadd.s32 @p2 $0xFFFFE000  }
0x26c: {  	_ =	swait.ge @p2 [sflag:s11], $0x2000  }
0x26d: {  	[sflag:s11] =	ssyncset.done @p2 $0x0  }
0x26e: {  	s20 =	simm.s32 @p2 $0x600;
	[sflag:s11] =	ssyncadd.s32 @p2 $0xFFFFE000  }
0x26f: {  	[tilespmem:s17], [sflag:$0x1] =	stream.indirect.gather @p2 [spmem:s1], $0x40, s20, s12, $0xb8;
	[tilespmem:$0x1B7E0] =	vst v63  }
0x270: {  	s20 =	simm.s32 @p2 $0xD80  }
0x271: {  	[spmem:s3] =	stream.indirect.scatter.add.f32 @p2 [tilespmem:s13], [sflag:$0x3], $0x40, s20, s12, $0xb8;
	[tilespmem:$0x1B7E0] =	vst v63  }
0x272: {  	s20 =	simm.s32 @!p2 $0xD00  }
0x273: {  	[spmem:s4] =	stream.indirect.scatter.add.f32 @!p2 [tilespmem:s8], [sflag:$0x5], $0x10, s20, s6, $0xb8;
	[tilespmem:$0x1B7E0] =	vst v63  }
0x274: {  	_ =	swait.ge @!p2 [sflag:s7], $0x800  }
0x275: {  	[sflag:s7] =	ssyncset.done @!p2 $0x0  }
0x276: {  	[sflag:s7] =	ssyncadd.s32 @!p2 $0xFFFFF800  }
0x277: {  	_ =	swait.ge @!p2 [sflag:s14], $0x2000  }
0x278: {  	[sflag:s14] =	ssyncset.done @!p2 $0x0  }
0x279: {  	[sflag:s14] =	ssyncadd.s32 @!p2 $0xFFFFE000  }
0x27a: {  	_ =	swait.ge @!p2 [sflag:s15], $0x2000  }
0x27b: {  	[sflag:s15] =	ssyncset.done @!p2 $0x0  }
0x27c: {  	s20 =	simm.s32 @!p2 $0x600;
	[sflag:s15] =	ssyncadd.s32 @!p2 $0xFFFFE000  }
0x27d: {  	[tilespmem:s22], [sflag:$0x1] =	stream.indirect.gather @!p2 [spmem:s1], $0x40, s20, s6, $0xb8;
	[tilespmem:$0x1B7E0] =	vst v63  }
0x27e: {  	s20 =	simm.s32 @!p2 $0xD80  }
0x27f: {  	[spmem:s3] =	stream.indirect.scatter.add.f32 @!p2 [tilespmem:s16], [sflag:$0x3], $0x40, s20, s6, $0xb8;
	[tilespmem:$0x1B7E0] =	vst v63  }
0x280: {  	_ = 	snop  }
0x281: {  	[spmem:s4] =	stream.indirect.scatter.add.f32 @!p2 [tilespmem:s8], [sflag:$0x5], $0x10, s20, s6, $0xb8;
	[tilespmem:$0x1B7E0] =	vst v63  }
0x282: {  	_ =	swait.ge @!p2 [sflag:s7], $0x800  }
0x283: {  	[sflag:s7] =	ssyncset.done @!p2 $0x0  }
0x284: {  	[sflag:s7] =	ssyncadd.s32 @!p2 $0xFFFFF800  }
0x285: {  	_ =	swait.ge [sflag:s29], $0x2000  }
0x286: {  	[sflag:s29] =	ssyncset.done $0x0  }
0x287: {  	[sflag:s29] =	ssyncadd.s32 $0xFFFFE000  }
0x288: {  	_ =	swait.ge [sflag:s26], $0x2000  }
0x289: {  	[sflag:s26] =	ssyncset.done $0x0  }
0x28a: {  	s20 =	simm.s32 $0x680;
	[sflag:s26] =	ssyncadd.s32 $0xFFFFE000  }
0x28b: {  	[tilespmem:s28], [sflag:$0x2] =	stream.indirect.gather [spmem:s1], $0x40, s20, s24, $0xb8;
	[tilespmem:$0x1B7E0] =	vst v63  }
0x28c: {  	s20 =	simm.s32 $0xE00  }
0x28d: {  	[spmem:s3] =	stream.indirect.scatter.add.f32 [tilespmem:s25], [sflag:$0x3], $0x40, s20, s24, $0xb8;
	[tilespmem:$0x1B7E0] =	vst v63  }
0x28e: {  	_ =	swait.ge @p2 [sflag:s9], $0x2000  }
0x28f: {  	[sflag:s9] =	ssyncset.done @p2 $0x0  }
0x290: {  	[sflag:s9] =	ssyncadd.s32 @p2 $0xFFFFE000  }
0x291: {  	_ =	swait.ge @p2 [sflag:s11], $0x2000  }
0x292: {  	[sflag:s11] =	ssyncset.done @p2 $0x0  }
0x293: {  	s20 =	simm.s32 @p2 $0x700;
	[sflag:s11] =	ssyncadd.s32 @p2 $0xFFFFE000  }
0x294: {  	[tilespmem:s17], [sflag:$0x1] =	stream.indirect.gather @p2 [spmem:s1], $0x40, s20, s12, $0xb8;
	[tilespmem:$0x1B7E0] =	vst v63  }
0x295: {  	s17 =	simm.s32 @p2 $0xE80  }
0x296: {  	[spmem:s3] =	stream.indirect.scatter.add.f32 @p2 [tilespmem:s13], [sflag:$0x3], $0x40, s17, s12, $0xb8;
	[tilespmem:$0x1B7E0] =	vst v63  }
0x297: {  	s17 =	simm.s32 @!p2 $0xE00  }
0x298: {  	[spmem:s4] =	stream.indirect.scatter.add.f32 @!p2 [tilespmem:s8], [sflag:$0x5], $0x10, s17, s6, $0xb8;
	[tilespmem:$0x1B7E0] =	vst v63  }
0x299: {  	_ =	swait.ge @!p2 [sflag:s7], $0x800  }
0x29a: {  	[sflag:s7] =	ssyncset.done @!p2 $0x0  }
0x29b: {  	[sflag:s7] =	ssyncadd.s32 @!p2 $0xFFFFF800  }
0x29c: {  	_ =	swait.ge @!p2 [sflag:s14], $0x2000  }
0x29d: {  	[sflag:s14] =	ssyncset.done @!p2 $0x0  }
0x29e: {  	[sflag:s14] =	ssyncadd.s32 @!p2 $0xFFFFE000  }
0x29f: {  	_ =	swait.ge @!p2 [sflag:s15], $0x2000  }
0x2a0: {  	[sflag:s15] =	ssyncset.done @!p2 $0x0  }
0x2a1: {  	s17 =	simm.s32 @!p2 $0x700;
	[sflag:s15] =	ssyncadd.s32 @!p2 $0xFFFFE000  }
0x2a2: {  	[tilespmem:s22], [sflag:$0x1] =	stream.indirect.gather @!p2 [spmem:s1], $0x40, s17, s6, $0xb8;
	[tilespmem:$0x1B7E0] =	vst v63  }
0x2a3: {  	s17 =	simm.s32 @!p2 $0xE80  }
0x2a4: {  	[spmem:s3] =	stream.indirect.scatter.add.f32 @!p2 [tilespmem:s16], [sflag:$0x3], $0x40, s17, s6, $0xb8;
	[tilespmem:$0x1B7E0] =	vst v63  }
0x2a5: {  	_ = 	snop  }
0x2a6: {  	[spmem:s4] =	stream.indirect.scatter.add.f32 @!p2 [tilespmem:s8], [sflag:$0x5], $0x10, s17, s6, $0xb8;
	[tilespmem:$0x1B7E0] =	vst v63  }
0x2a7: {  	_ =	swait.ge @!p2 [sflag:s7], $0x800  }
0x2a8: {  	[sflag:s7] =	ssyncset.done @!p2 $0x0  }
0x2a9: {  	[sflag:s7] =	ssyncadd.s32 @!p2 $0xFFFFF800  }
0x2aa: {  	_ =	swait.ge [sflag:s29], $0x2000  }
0x2ab: {  	[sflag:s29] =	ssyncset.done $0x0  }
0x2ac: {  	[sflag:s29] =	ssyncadd.s32 $0xFFFFE000  }
0x2ad: {  	_ =	swait.ge [sflag:s26], $0x2000  }
0x2ae: {  	[sflag:s26] =	ssyncset.done $0x0  }
0x2af: {  	s20 =	simm.s32 $0x780;
	[sflag:s26] =	ssyncadd.s32 $0xFFFFE000  }
0x2b0: {  	[tilespmem:s28], [sflag:$0x2] =	stream.indirect.gather [spmem:s1], $0x40, s20, s24, $0xb8;
	[tilespmem:$0x1B7E0] =	vst v63  }
0x2b1: {  	s22 =	simm.s32 $0xF00  }
0x2b2: {  	[spmem:s3] =	stream.indirect.scatter.add.f32 [tilespmem:s25], [sflag:$0x3], $0x40, s22, s24, $0xb8;
	[tilespmem:$0x1B7E0] =	vst v63  }
0x2b3: {  	_ =	swait.ge @p2 [sflag:s9], $0x2000  }
0x2b4: {  	[sflag:s9] =	ssyncset.done @p2 $0x0  }
0x2b5: {  	[sflag:s9] =	ssyncadd.s32 @p2 $0xFFFFE000  }
0x2b6: {  	_ =	swait.ge @p2 [sflag:s11], $0x2000  }
0x2b7: {  	[sflag:s11] =	ssyncset.done @p2 $0x0  }
0x2b8: {  	s9 =	simm.s32 @p2 $0xF80;
	[sflag:s11] =	ssyncadd.s32 @p2 $0xFFFFE000  }
0x2b9: {  	[spmem:s3] =	stream.indirect.scatter.add.f32 @p2 [tilespmem:s13], [sflag:$0x3], $0x40, s9, s12, $0xb8;
	[tilespmem:$0x1B7E0] =	vst v63  }
0x2ba: {  	s9 =	simm.s32 @!p2 $0xF00  }
0x2bb: {  	[spmem:s4] =	stream.indirect.scatter.add.f32 @!p2 [tilespmem:s8], [sflag:$0x5], $0x10, s9, s6, $0xb8;
	[tilespmem:$0x1B7E0] =	vst v63  }
0x2bc: {  	_ =	swait.ge @!p2 [sflag:s7], $0x800  }
0x2bd: {  	[sflag:s7] =	ssyncset.done @!p2 $0x0  }
0x2be: {  	[sflag:s7] =	ssyncadd.s32 @!p2 $0xFFFFF800  }
0x2bf: {  	_ =	swait.ge @!p2 [sflag:s14], $0x2000  }
0x2c0: {  	[sflag:s14] =	ssyncset.done @!p2 $0x0  }
0x2c1: {  	[sflag:s14] =	ssyncadd.s32 @!p2 $0xFFFFE000  }
0x2c2: {  	_ =	swait.ge @!p2 [sflag:s15], $0x2000  }
0x2c3: {  	[sflag:s15] =	ssyncset.done @!p2 $0x0  }
0x2c4: {  	s9 =	simm.s32 @!p2 $0xF80;
	[sflag:s15] =	ssyncadd.s32 @!p2 $0xFFFFE000  }
0x2c5: {  	[spmem:s3] =	stream.indirect.scatter.add.f32 @!p2 [tilespmem:s16], [sflag:$0x3], $0x40, s9, s6, $0xb8;
	[tilespmem:$0x1B7E0] =	vst v63  }
0x2c6: {  	_ = 	snop  }
0x2c7: {  	[spmem:s4] =	stream.indirect.scatter.add.f32 @!p2 [tilespmem:s8], [sflag:$0x5], $0x10, s9, s6, $0xb8;
	[tilespmem:$0x1B7E0] =	vst v63  }
0x2c8: {  	_ =	swait.ge @!p2 [sflag:s7], $0x800  }
0x2c9: {  	[sflag:s7] =	ssyncset.done @!p2 $0x0  }
0x2ca: {  	[sflag:s7] =	ssyncadd.s32 @!p2 $0xFFFFF800  }
0x2cb: {  	_ =	swait.ge [sflag:s29], $0x2000  }
0x2cc: {  	[sflag:s29] =	ssyncset.done $0x0  }
0x2cd: {  	[sflag:s29] =	ssyncadd.s32 $0xFFFFE000  }
0x2ce: {  	[bflag:$0x0] =	sbarrier.arrive $0xFFFF  }
0x2cf: {  	s20 =	rddreg [dreg:$0xe]  }
0x2d0: {  	[hbm:s20], [sflag:s10] =	dma.local [spmem:s2], $0x1390  }
0x2d1: {  	_ =	swait.ge [sflag:s21], $0x1390  }
0x2d2: {  	[sflag:s21] =	ssyncset.done $0x0  }
0x2d3: {  	s22 =	rddreg [dreg:$0xf];
	[sflag:s21] =	ssyncadd.s32 $0xFFFFEC70  }
0x2d4: {  	[hbm:s22], [sflag:s10] =	dma.local [spmem:s23], $0x4E4  }
0x2d5: {  	_ =	swait.ge [sflag:s21], $0x4E4  }
0x2d6: {  	s30 =	sadd.s32 $0x1, s30;
	s23 =	rddreg [dreg:$0x10]  }
0x2d7: {  	p3 =	sne.s32 s30, s23  }
.Ltmp1:
0x2d8: {  	_ = 	snop;
	(pc) =	sbr.rel @p3 .LBB2_1-.Ltmp1, $3  }
0x2d9: {  	_ =	sdelay $0x1  }
0x2da: {  	[sflag:s21] =	ssyncset.done $0x0  }
0x2db: {  	[sflag:s21] =	ssyncadd.s32 $0xFFFFFB1C  }
0x2dc: {  	_ =	sfence.sel $0x180000  }
0x2dd: {  	[bflag:$0x0] =	sbarrier.arrive $0xFFFF  }
0x2de: {  	_ =	strace $0x90000047  }
0x2df: {  	s0 =	stileid.u32;
	[bflag:$0x2] =	sbarrier.arrive $0xFFFF  }
0x2e0: {  	p0 =	sne.s32 s0, $0x0;
	s0 =	rddreg [dreg:$0x5]  }
0x2e1: {  	s0 =	sadd.s32 @!p0 $0x100000, s0  }
0x2e2: {  	[sflag:s0] =	ssyncadd.tile.s32 @!p0 $0x1;
	_ =	shalt  }
.Lfunc_end2:
_tile_overlayer_lowered:
.L_overlay_start_2:
0x2e3: {  	(tag) =	ssettag $0x2  }
0x2e4: {  	s0 =	rddreg [dreg:$0x0];
	s2 =	stileid.u32  }
0x2e5: {  	s1 =	rddreg [dreg:$0x1];
	p0 =	sne.s32 s2, $0x0  }
0x2e6: {  	s3 =	rddreg [dreg:$0x2];
	[bflag:$0x3] =	sbarrier.arrive $0xFFFF;
	s2 =	simm.s32 @!p0 $0x1C05  }
0x2e7: {  	[timem:s3], [sflag:s2] =	dma.local @!p0 [hbm:s0], s1  }
0x2e8: {  	s0 =	simm.s32 @!p0 $0x5  }
0x2e9: {  	_ =	swait.ge @!p0 [sflag:s0], s1  }
0x2ea: {  	s1 =	ssub.s32 @!p0 $0x0, s1;
	[sflag:s0] =	ssyncset.done @!p0 $0x0  }
0x2eb: {  	[sflag:s0] =	ssyncadd.s32 @!p0 s1  }
0x2ec: {  	[bflag:$0x3] =	sbarrier.arrive $0xFFFF  }
0x2ed: {  	_ =	shalt  }

</sc_bundles>
